<compile_context>
chip_gen: v7x
topology: tpu7x:2x2x1
jax: 0.10.2.dev20260603
libtpu: 0.0.44.dev20260713+nightly
codegen_flags: <defaults>
</compile_context>

<pallas_src>
import functools

import jax
import jax.numpy as jnp
from jax import lax
from jax.experimental import pallas as pl
from jax.experimental.pallas import tpu as pltpu
from jax.experimental.pallas import tpu_sc as plsc

F32 = jnp.float32
NP = 10240
NW = 32
CH = 128
RB = 1280
D = 128



def _sc_agg_body(chunks, hw, srcr, dstr, agg_out, deg_out,
                 idx_s, idx_d, rows, deg, acc, sem):
    cid = lax.axis_index("c")
    sid = lax.axis_index("s")
    wid = sid * 2 + cid

    z16 = jnp.zeros((16,), F32)

    def zrow(i, c):
        for j in range(8):
            rows[i, pl.ds(j * 16, 16)] = z16
        return c
    lax.fori_loop(0, CH, zrow, 0)

    def zdeg(i, c):
        deg[pl.ds(i * 16, 16)] = z16
        return c
    lax.fori_loop(0, NP // 16, zdeg, 0)

    rows_per_tile = NP // 16
    base = sid * rows_per_tile
    for j in range(rows_per_tile // CH):
        pltpu.sync_copy(rows, acc.at[pl.ds(base + j * CH, CH)])
    plsc.subcore_barrier()

    pltpu.sync_copy(srcr.at[wid], idx_s)
    pltpu.sync_copy(dstr.at[wid], idx_d)

    ones16 = jnp.ones((16,), F32)

    def step(ci, c):
        pltpu.async_copy(hw.at[idx_s.at[ci]], rows, sem).wait()
        pltpu.sync_copy(rows, acc.at[idx_d.at[ci]], add=True)
        for j in range(8):
            dv = idx_d[ci, pl.ds(j * 16, 16)]
            plsc.addupdate_scatter(deg, [dv], ones16)
        return c
    lax.fori_loop(0, chunks, step, 0)

    plsc.subcore_barrier()
    pltpu.sync_copy(acc.at[pl.ds(base, rows_per_tile)],
                    agg_out.at[cid, pl.ds(base, rows_per_tile)])
    pltpu.sync_copy(deg, deg_out.at[wid])


def _make_sc_agg(chunks):
    mesh = plsc.VectorSubcoreMesh(core_axis_name="c", subcore_axis_name="s")
    return pl.kernel(
        functools.partial(_sc_agg_body, chunks),
        out_type=(jax.ShapeDtypeStruct((2, NP, D), F32),
                  jax.ShapeDtypeStruct((NW, NP), F32)),
        mesh=mesh,
        compiler_params=pltpu.CompilerParams(needs_layout_passes=False),
        scratch_types=[
            pltpu.VMEM((chunks, CH), jnp.int32),
            pltpu.VMEM((chunks, CH), jnp.int32),
            pltpu.VMEM((CH, D), F32),
            pltpu.VMEM((NP,), F32),
            pltpu.VMEM_SHARED((NP, D), F32),
            pltpu.SemaphoreType.DMA,
        ],
    )



def _mm_body(x_ref, w_ref, o_ref):
    o_ref[...] = jnp.dot(x_ref[...], w_ref[...], preferred_element_type=F32)


_mm = pl.pallas_call(
    _mm_body,
    grid=(NP // RB,),
    in_specs=[
        pl.BlockSpec((RB, D), lambda i: (i, 0)),
        pl.BlockSpec((D, D), lambda i: (0, 0)),
    ],
    out_specs=pl.BlockSpec((RB, D), lambda i: (i, 0)),
    out_shape=jax.ShapeDtypeStruct((NP, D), F32),
)


def _norm_mix(alpha_ref, aggp_ref, degp_ref, hprev_ref):
    agg = aggp_ref[0] + aggp_ref[1]
    dcol = lax.dot_general(degp_ref[...], jnp.ones((NW, 1), F32),
                           (((0,), (0,)), ((), ())),
                           preferred_element_type=F32)
    inv = 1.0 / jnp.maximum(dcol, 1.0)
    hn = jnp.maximum(agg * inv, 0.0)
    a = alpha_ref[0, 0]
    return a * hn + (1.0 - a) * hprev_ref[...]


def _stage_body(alpha_ref, aggp_ref, degp_ref, hprev_ref, w_ref, h_ref, hw_ref):
    h = _norm_mix(alpha_ref, aggp_ref, degp_ref, hprev_ref)
    h_ref[...] = h
    hw_ref[...] = jnp.dot(h, w_ref[...], preferred_element_type=F32)


_stage = pl.pallas_call(
    _stage_body,
    grid=(NP // RB,),
    in_specs=[
        pl.BlockSpec((1, 1), lambda i: (0, 0), memory_space=pltpu.SMEM),
        pl.BlockSpec((2, RB, D), lambda i: (0, i, 0)),
        pl.BlockSpec((NW, RB), lambda i: (0, i)),
        pl.BlockSpec((RB, D), lambda i: (i, 0)),
        pl.BlockSpec((D, D), lambda i: (0, 0)),
    ],
    out_specs=[
        pl.BlockSpec((RB, D), lambda i: (i, 0)),
        pl.BlockSpec((RB, D), lambda i: (i, 0)),
    ],
    out_shape=[
        jax.ShapeDtypeStruct((NP, D), F32),
        jax.ShapeDtypeStruct((NP, D), F32),
    ],
)


def _final_body(alpha_ref, aggp_ref, degp_ref, hprev_ref, xskip_ref, o_ref):
    h = _norm_mix(alpha_ref, aggp_ref, degp_ref, hprev_ref)
    o_ref[...] = jnp.concatenate([h, xskip_ref[...]], axis=1)


_final = pl.pallas_call(
    _final_body,
    grid=(NP // RB,),
    in_specs=[
        pl.BlockSpec((1, 1), lambda i: (0, 0), memory_space=pltpu.SMEM),
        pl.BlockSpec((2, RB, D), lambda i: (0, i, 0)),
        pl.BlockSpec((NW, RB), lambda i: (0, i)),
        pl.BlockSpec((RB, D), lambda i: (i, 0)),
        pl.BlockSpec((RB, D), lambda i: (i, 0)),
    ],
    out_specs=pl.BlockSpec((RB, 2 * D), lambda i: (i, 0)),
    out_shape=jax.ShapeDtypeStruct((NP, 2 * D), F32),
)



def _prep_edges(s, d, n_dummy):
    es = s.shape[0]
    chunks = -(-es // (NW * CH))
    tot = NW * chunks * CH
    sp = jnp.concatenate([s, jnp.zeros((tot - es,), jnp.int32)])
    dp = jnp.concatenate([d, jnp.full((tot - es,), n_dummy, jnp.int32)])
    return sp.reshape(NW, chunks, CH), dp.reshape(NW, chunks, CH), chunks


def kernel(x, edge_index, W0, W1, V0, V1, alphas):
    n, d = x.shape
    src = edge_index[0]
    dst = edge_index[1]

    srcf, dstf, chf = _prep_edges(src, dst, n)
    src2, dst2, ch2 = _prep_edges(src[::2], dst[::2], n)
    src4, dst4, ch4 = _prep_edges(src[::4], dst[::4], n)

    x_p = jnp.zeros((NP, d), F32).at[:n].set(x)

    sc_full = _make_sc_agg(chf)
    sc_s2 = _make_sc_agg(ch2)
    sc_s4 = _make_sc_agg(ch4)

    one = jnp.ones((1, 1), F32)
    a0 = alphas[0].reshape(1, 1)
    a1 = alphas[1].reshape(1, 1)

    hw0 = _mm(x_p, W0)
    agg1, degf = sc_full(hw0, srcf, dstf)
    h1, hw1 = _stage(one, agg1, degf, x_p, W1)
    agg2, _ = sc_full(hw1, srcf, dstf)
    h2, hw2 = _stage(one, agg2, degf, h1, V0)
    agg3, deg2 = sc_s2(hw2, src2, dst2)
    h3, hw3 = _stage(a0, agg3, deg2, h2, V1)
    agg4, deg4 = sc_s4(hw3, src4, dst4)
    out = _final(a1, agg4, deg4, h3, h2)
    return out[:n]

# --- scband reference (transcript-rebuilt; emitter-appended) ---
"""Pipeline reference for scband-gnndilated-edges-feature-stage-89567247991620 (READ-ONLY COPY).

The authoritative reference and input builder live on the scoring server;
editing this copy changes nothing except your own understanding.
"""

import jax, jax.numpy as jnp
import numpy as np

N = 10000
E = 320000
D = 128
K1 = 2
K2 = 2


def _gcn_layer(x, src, dst, W):
    # GeneralLayer(gcnconv)-style: linear transform, gather by src, scatter-add into dst,
    # degree-normalize (mean aggregation), then ReLU activation.
    h = x @ W
    msgs = jnp.take(h, src, axis=0)
    agg = jax.ops.segment_sum(msgs, dst, num_segments=N)
    deg = jax.ops.segment_sum(jnp.ones(dst.shape[0], jnp.float32), dst, num_segments=N)
    agg = agg / jnp.clip(deg, 1.0, None)[:, None]
    return jax.nn.relu(agg)


def setup_inputs(seed: int = 0) -> dict:
    key = jax.random.key(seed)
    ks = jax.random.split(key, 7)
    x = jax.random.normal(ks[0], (N, D), jnp.float32)
    edge_index = jax.random.randint(ks[1], (2, E), 0, N, dtype=jnp.int32)
    scale = 1.0 / np.sqrt(D)
    W0 = jax.random.normal(ks[2], (D, D), jnp.float32) * scale
    W1 = jax.random.normal(ks[3], (D, D), jnp.float32) * scale
    V0 = jax.random.normal(ks[4], (D, D), jnp.float32) * scale
    V1 = jax.random.normal(ks[5], (D, D), jnp.float32) * scale
    alphas = jnp.full((K2,), 0.5, jnp.float32)
    return {"x": x, "edge_index": edge_index, "W0": W0, "W1": W1, "V0": V0, "V1": V1, "alphas": alphas}


def reference(x, edge_index, W0, W1, V0, V1, alphas):
    src = edge_index[0]
    dst = edge_index[1]
    # k1 classic GNN layers
    h = _gcn_layer(x, src, dst, W0)
    h = _gcn_layer(h, src, dst, W1)
    x_skip = h
    # k2 dilated GNN layers: each step uses a strided (dilated) subset of the edges,
    # with a learned alpha-weighted residual mix
    for step, V in enumerate((V0, V1)):
        stride = 2 ** (step + 1)
        s = src[::stride]
        d = dst[::stride]
        new_h = _gcn_layer(h, s, d, V)
        h = alphas[step] * new_h + (1.0 - alphas[step]) * h
    return jnp.concatenate([h, x_skip], axis=1)

if __name__ == "__main__":
    import jax
    _d = setup_inputs()
    print(jax.jit(kernel)(*tuple(_d.values())))

</pallas_src>

<mosaic_0001>
#map = affine_map<(d0, d1) -> (0, 0)>
#map1 = affine_map<(d0, d1) -> (0, 0, 0)>
module attributes {stable_mosaic.version = 14 : i64} {
  func.func @_sc_agg_body(%arg0: i32, %arg1: i32, %arg2: memref<10240x128xf32, #tpu.memory_space<hbm>>, %arg3: memref<32x79x128xi32, #tpu.memory_space<hbm>>, %arg4: memref<32x79x128xi32, #tpu.memory_space<hbm>>, %arg5: memref<2x10240x128xf32, #tpu.memory_space<hbm>>, %arg6: memref<32x10240xf32, #tpu.memory_space<hbm>>, %arg7: memref<79x128xi32, #tpu.memory_space<vmem>>, %arg8: memref<79x128xi32, #tpu.memory_space<vmem>>, %arg9: memref<128x128xf32, #tpu.memory_space<vmem>>, %arg10: memref<10240xf32, #tpu.memory_space<vmem>>, %arg11: memref<10240x128xf32, #tpu.memory_space<vmem_shared>>, %arg12: memref<!tpu.dma_semaphore, #tpu.memory_space<semaphore_mem>>) attributes {dimension_semantics = [#tpu.dimension_semantics<core_parallel>, #tpu.dimension_semantics<subcore_parallel>], iteration_bounds = array<i64: 2, 16>, scalar_prefetch = 0 : i64, scratch_operands = 6 : i64, tpu.core_type = #tpu.core_type<sc_vector_subcore>, window_params = [{transform_indices = #map}, {transform_indices = #map1}, {transform_indices = #map1}, {transform_indices = #map1}, {transform_indices = #map}]} {
    %mul3A = arith.constant 2 : i32
    %mul3A_0 = arith.muli %arg1, %mul3A : i32
    %add3A = arith.addi %mul3A_0, %arg0 : i32
    %broadcast_in_dim3A = arith.constant 0.000000e+00 : f32
    %broadcast_in_dim3A_1 = vector.broadcast %broadcast_in_dim3A : f32 to vector<16xf32>
    %scan3A = arith.constant 0 : i32
    %scan3A_2 = arith.constant 0 : i32
    %scan3A_3 = arith.constant 128 : i32
    %scan3A_4 = arith.addi %scan3A_2, %scan3A_3 : i32
    %scan3A_5 = arith.constant 1 : i32
    scf.for %scan3A_34 = %scan3A_2 to %scan3A_4 step %scan3A_5  : i32 {
      %swap3A = arith.index_cast %scan3A_34 : i32 to index
      %swap3A_35 = arith.constant 0 : index
      %swap3A_36 = tpu.vector_load %arg9[%swap3A, %swap3A_35] {strides = array<i32>} : memref<128x128xf32, #tpu.memory_space<vmem>>, vector<16xf32>,
      tpu.vector_store %arg9[%swap3A, %swap3A_35], %broadcast_in_dim3A_1 {strides = array<i32>} : memref<128x128xf32, #tpu.memory_space<vmem>>, vector<16xf32>,
      %swap3A_37 = arith.index_cast %scan3A_34 : i32 to index
      %swap3A_38 = arith.constant 16 : index
      %swap3A_39 = tpu.vector_load %arg9[%swap3A_37, %swap3A_38] {strides = array<i32>} : memref<128x128xf32, #tpu.memory_space<vmem>>, vector<16xf32>,
      tpu.vector_store %arg9[%swap3A_37, %swap3A_38], %broadcast_in_dim3A_1 {strides = array<i32>} : memref<128x128xf32, #tpu.memory_space<vmem>>, vector<16xf32>,
      %swap3A_40 = arith.index_cast %scan3A_34 : i32 to index
      %swap3A_41 = arith.constant 32 : index
      %swap3A_42 = tpu.vector_load %arg9[%swap3A_40, %swap3A_41] {strides = array<i32>} : memref<128x128xf32, #tpu.memory_space<vmem>>, vector<16xf32>,
      tpu.vector_store %arg9[%swap3A_40, %swap3A_41], %broadcast_in_dim3A_1 {strides = array<i32>} : memref<128x128xf32, #tpu.memory_space<vmem>>, vector<16xf32>,
      %swap3A_43 = arith.index_cast %scan3A_34 : i32 to index
      %swap3A_44 = arith.constant 48 : index
      %swap3A_45 = tpu.vector_load %arg9[%swap3A_43, %swap3A_44] {strides = array<i32>} : memref<128x128xf32, #tpu.memory_space<vmem>>, vector<16xf32>,
      tpu.vector_store %arg9[%swap3A_43, %swap3A_44], %broadcast_in_dim3A_1 {strides = array<i32>} : memref<128x128xf32, #tpu.memory_space<vmem>>, vector<16xf32>,
      %swap3A_46 = arith.index_cast %scan3A_34 : i32 to index
      %swap3A_47 = arith.constant 64 : index
      %swap3A_48 = tpu.vector_load %arg9[%swap3A_46, %swap3A_47] {strides = array<i32>} : memref<128x128xf32, #tpu.memory_space<vmem>>, vector<16xf32>,
      tpu.vector_store %arg9[%swap3A_46, %swap3A_47], %broadcast_in_dim3A_1 {strides = array<i32>} : memref<128x128xf32, #tpu.memory_space<vmem>>, vector<16xf32>,
      %swap3A_49 = arith.index_cast %scan3A_34 : i32 to index
      %swap3A_50 = arith.constant 80 : index
      %swap3A_51 = tpu.vector_load %arg9[%swap3A_49, %swap3A_50] {strides = array<i32>} : memref<128x128xf32, #tpu.memory_space<vmem>>, vector<16xf32>,
      tpu.vector_store %arg9[%swap3A_49, %swap3A_50], %broadcast_in_dim3A_1 {strides = array<i32>} : memref<128x128xf32, #tpu.memory_space<vmem>>, vector<16xf32>,
      %swap3A_52 = arith.index_cast %scan3A_34 : i32 to index
      %swap3A_53 = arith.constant 96 : index
      %swap3A_54 = tpu.vector_load %arg9[%swap3A_52, %swap3A_53] {strides = array<i32>} : memref<128x128xf32, #tpu.memory_space<vmem>>, vector<16xf32>,
      tpu.vector_store %arg9[%swap3A_52, %swap3A_53], %broadcast_in_dim3A_1 {strides = array<i32>} : memref<128x128xf32, #tpu.memory_space<vmem>>, vector<16xf32>,
      %swap3A_55 = arith.index_cast %scan3A_34 : i32 to index
      %swap3A_56 = arith.constant 112 : index
      %swap3A_57 = tpu.vector_load %arg9[%swap3A_55, %swap3A_56] {strides = array<i32>} : memref<128x128xf32, #tpu.memory_space<vmem>>, vector<16xf32>,
      tpu.vector_store %arg9[%swap3A_55, %swap3A_56], %broadcast_in_dim3A_1 {strides = array<i32>} : memref<128x128xf32, #tpu.memory_space<vmem>>, vector<16xf32>,
    }
    %scan3A_6 = arith.constant 128 : i32
    %scan3A_7 = arith.constant 0 : i32
    %scan3A_8 = arith.constant 0 : i32
    %scan3A_9 = arith.constant 640 : i32
    %scan3A_10 = arith.addi %scan3A_8, %scan3A_9 : i32
    %scan3A_11 = arith.constant 1 : i32
    scf.for %scan3A_34 = %scan3A_8 to %scan3A_10 step %scan3A_11  : i32 {
      %mul3A_35 = arith.constant 16 : i32
      %mul3A_36 = arith.muli %scan3A_34, %mul3A_35 : i32
      %swap3A = arith.index_cast %mul3A_36 : i32 to index
      %swap3A_37 = tpu.vector_load %arg10[%swap3A] {strides = array<i32>} : memref<10240xf32, #tpu.memory_space<vmem>>, vector<16xf32>,
      tpu.vector_store %arg10[%swap3A], %broadcast_in_dim3A_1 {strides = array<i32>} : memref<10240xf32, #tpu.memory_space<vmem>>, vector<16xf32>,
    }
    %scan3A_12 = arith.constant 640 : i32
    %mul3A_13 = arith.constant 640 : i32
    %mul3A_14 = arith.muli %arg1, %mul3A_13 : i32
    %add3A_15 = arith.constant 0 : i32
    %add3A_16 = arith.addi %mul3A_14, %add3A_15 : i32
    "tpu.region"() ({
      %run_scoped3A = tpu.sem_alloc : memref<!tpu.dma_semaphore, #tpu.memory_space<semaphore_mem>>
      %dma_start3A = arith.constant 0 : i32
      %dma_start3A_34 = tpu.memref_slice %arg11[%add3A_16, %dma_start3A] : memref<10240x128xf32, #tpu.memory_space<vmem_shared>> -> memref<128x128xf32, #tpu.memory_space<vmem_shared>>
      %dma_start3A_35 = arith.constant 0 : i32
      %dma_start3A_36 = tpu.memref_slice %arg11[%add3A_16, %dma_start3A_35] : memref<10240x128xf32, #tpu.memory_space<vmem_shared>> -> memref<128x128xf32, #tpu.memory_space<vmem_shared>>
      tpu.enqueue_dma source(%arg9 : memref<128x128xf32, #tpu.memory_space<vmem>>) target(%dma_start3A_36 : memref<128x128xf32, #tpu.memory_space<vmem_shared>>) target_semaphore(%run_scoped3A : memref<!tpu.dma_semaphore, #tpu.memory_space<semaphore_mem>>)
      %dma_wait3A = arith.constant 0 : i32
      %dma_wait3A_37 = tpu.memref_slice %arg11[%add3A_16, %dma_wait3A] : memref<10240x128xf32, #tpu.memory_space<vmem_shared>> -> memref<128x128xf32, #tpu.memory_space<vmem_shared>>
      %dma_wait3A_38 = arith.constant 0 : i32
      %dma_wait3A_39 = tpu.memref_slice %arg11[%add3A_16, %dma_wait3A_38] : memref<10240x128xf32, #tpu.memory_space<vmem_shared>> -> memref<128x128xf32, #tpu.memory_space<vmem_shared>>
      tpu.wait_dma2 semaphore(%run_scoped3A : memref<!tpu.dma_semaphore, #tpu.memory_space<semaphore_mem>>) src(%arg9 : memref<128x128xf32, #tpu.memory_space<vmem>>) dst(%dma_wait3A_39 : memref<128x128xf32, #tpu.memory_space<vmem_shared>>)
      tpu.yield
    }) : () -> ()
    %add3A_17 = arith.constant 128 : i32
    %add3A_18 = arith.addi %mul3A_14, %add3A_17 : i32
    "tpu.region"() ({
      %run_scoped3A = tpu.sem_alloc : memref<!tpu.dma_semaphore, #tpu.memory_space<semaphore_mem>>
      %dma_start3A = arith.constant 0 : i32
      %dma_start3A_34 = tpu.memref_slice %arg11[%add3A_18, %dma_start3A] : memref<10240x128xf32, #tpu.memory_space<vmem_shared>> -> memref<128x128xf32, #tpu.memory_space<vmem_shared>>
      %dma_start3A_35 = arith.constant 0 : i32
      %dma_start3A_36 = tpu.memref_slice %arg11[%add3A_18, %dma_start3A_35] : memref<10240x128xf32, #tpu.memory_space<vmem_shared>> -> memref<128x128xf32, #tpu.memory_space<vmem_shared>>
      tpu.enqueue_dma source(%arg9 : memref<128x128xf32, #tpu.memory_space<vmem>>) target(%dma_start3A_36 : memref<128x128xf32, #tpu.memory_space<vmem_shared>>) target_semaphore(%run_scoped3A : memref<!tpu.dma_semaphore, #tpu.memory_space<semaphore_mem>>)
      %dma_wait3A = arith.constant 0 : i32
      %dma_wait3A_37 = tpu.memref_slice %arg11[%add3A_18, %dma_wait3A] : memref<10240x128xf32, #tpu.memory_space<vmem_shared>> -> memref<128x128xf32, #tpu.memory_space<vmem_shared>>
      %dma_wait3A_38 = arith.constant 0 : i32
      %dma_wait3A_39 = tpu.memref_slice %arg11[%add3A_18, %dma_wait3A_38] : memref<10240x128xf32, #tpu.memory_space<vmem_shared>> -> memref<128x128xf32, #tpu.memory_space<vmem_shared>>
      tpu.wait_dma2 semaphore(%run_scoped3A : memref<!tpu.dma_semaphore, #tpu.memory_space<semaphore_mem>>) src(%arg9 : memref<128x128xf32, #tpu.memory_space<vmem>>) dst(%dma_wait3A_39 : memref<128x128xf32, #tpu.memory_space<vmem_shared>>)
      tpu.yield
    }) : () -> ()
    %add3A_19 = arith.constant 256 : i32
    %add3A_20 = arith.addi %mul3A_14, %add3A_19 : i32
    "tpu.region"() ({
      %run_scoped3A = tpu.sem_alloc : memref<!tpu.dma_semaphore, #tpu.memory_space<semaphore_mem>>
      %dma_start3A = arith.constant 0 : i32
      %dma_start3A_34 = tpu.memref_slice %arg11[%add3A_20, %dma_start3A] : memref<10240x128xf32, #tpu.memory_space<vmem_shared>> -> memref<128x128xf32, #tpu.memory_space<vmem_shared>>
      %dma_start3A_35 = arith.constant 0 : i32
      %dma_start3A_36 = tpu.memref_slice %arg11[%add3A_20, %dma_start3A_35] : memref<10240x128xf32, #tpu.memory_space<vmem_shared>> -> memref<128x128xf32, #tpu.memory_space<vmem_shared>>
      tpu.enqueue_dma source(%arg9 : memref<128x128xf32, #tpu.memory_space<vmem>>) target(%dma_start3A_36 : memref<128x128xf32, #tpu.memory_space<vmem_shared>>) target_semaphore(%run_scoped3A : memref<!tpu.dma_semaphore, #tpu.memory_space<semaphore_mem>>)
      %dma_wait3A = arith.constant 0 : i32
      %dma_wait3A_37 = tpu.memref_slice %arg11[%add3A_20, %dma_wait3A] : memref<10240x128xf32, #tpu.memory_space<vmem_shared>> -> memref<128x128xf32, #tpu.memory_space<vmem_shared>>
      %dma_wait3A_38 = arith.constant 0 : i32
      %dma_wait3A_39 = tpu.memref_slice %arg11[%add3A_20, %dma_wait3A_38] : memref<10240x128xf32, #tpu.memory_space<vmem_shared>> -> memref<128x128xf32, #tpu.memory_space<vmem_shared>>
      tpu.wait_dma2 semaphore(%run_scoped3A : memref<!tpu.dma_semaphore, #tpu.memory_space<semaphore_mem>>) src(%arg9 : memref<128x128xf32, #tpu.memory_space<vmem>>) dst(%dma_wait3A_39 : memref<128x128xf32, #tpu.memory_space<vmem_shared>>)
      tpu.yield
    }) : () -> ()
    %add3A_21 = arith.constant 384 : i32
    %add3A_22 = arith.addi %mul3A_14, %add3A_21 : i32
    "tpu.region"() ({
      %run_scoped3A = tpu.sem_alloc : memref<!tpu.dma_semaphore, #tpu.memory_space<semaphore_mem>>
      %dma_start3A = arith.constant 0 : i32
      %dma_start3A_34 = tpu.memref_slice %arg11[%add3A_22, %dma_start3A] : memref<10240x128xf32, #tpu.memory_space<vmem_shared>> -> memref<128x128xf32, #tpu.memory_space<vmem_shared>>
      %dma_start3A_35 = arith.constant 0 : i32
      %dma_start3A_36 = tpu.memref_slice %arg11[%add3A_22, %dma_start3A_35] : memref<10240x128xf32, #tpu.memory_space<vmem_shared>> -> memref<128x128xf32, #tpu.memory_space<vmem_shared>>
      tpu.enqueue_dma source(%arg9 : memref<128x128xf32, #tpu.memory_space<vmem>>) target(%dma_start3A_36 : memref<128x128xf32, #tpu.memory_space<vmem_shared>>) target_semaphore(%run_scoped3A : memref<!tpu.dma_semaphore, #tpu.memory_space<semaphore_mem>>)
      %dma_wait3A = arith.constant 0 : i32
      %dma_wait3A_37 = tpu.memref_slice %arg11[%add3A_22, %dma_wait3A] : memref<10240x128xf32, #tpu.memory_space<vmem_shared>> -> memref<128x128xf32, #tpu.memory_space<vmem_shared>>
      %dma_wait3A_38 = arith.constant 0 : i32
      %dma_wait3A_39 = tpu.memref_slice %arg11[%add3A_22, %dma_wait3A_38] : memref<10240x128xf32, #tpu.memory_space<vmem_shared>> -> memref<128x128xf32, #tpu.memory_space<vmem_shared>>
      tpu.wait_dma2 semaphore(%run_scoped3A : memref<!tpu.dma_semaphore, #tpu.memory_space<semaphore_mem>>) src(%arg9 : memref<128x128xf32, #tpu.memory_space<vmem>>) dst(%dma_wait3A_39 : memref<128x128xf32, #tpu.memory_space<vmem_shared>>)
      tpu.yield
    }) : () -> ()
    %add3A_23 = arith.constant 512 : i32
    %add3A_24 = arith.addi %mul3A_14, %add3A_23 : i32
    "tpu.region"() ({
      %run_scoped3A = tpu.sem_alloc : memref<!tpu.dma_semaphore, #tpu.memory_space<semaphore_mem>>
      %dma_start3A = arith.constant 0 : i32
      %dma_start3A_34 = tpu.memref_slice %arg11[%add3A_24, %dma_start3A] : memref<10240x128xf32, #tpu.memory_space<vmem_shared>> -> memref<128x128xf32, #tpu.memory_space<vmem_shared>>
      %dma_start3A_35 = arith.constant 0 : i32
      %dma_start3A_36 = tpu.memref_slice %arg11[%add3A_24, %dma_start3A_35] : memref<10240x128xf32, #tpu.memory_space<vmem_shared>> -> memref<128x128xf32, #tpu.memory_space<vmem_shared>>
      tpu.enqueue_dma source(%arg9 : memref<128x128xf32, #tpu.memory_space<vmem>>) target(%dma_start3A_36 : memref<128x128xf32, #tpu.memory_space<vmem_shared>>) target_semaphore(%run_scoped3A : memref<!tpu.dma_semaphore, #tpu.memory_space<semaphore_mem>>)
      %dma_wait3A = arith.constant 0 : i32
      %dma_wait3A_37 = tpu.memref_slice %arg11[%add3A_24, %dma_wait3A] : memref<10240x128xf32, #tpu.memory_space<vmem_shared>> -> memref<128x128xf32, #tpu.memory_space<vmem_shared>>
      %dma_wait3A_38 = arith.constant 0 : i32
      %dma_wait3A_39 = tpu.memref_slice %arg11[%add3A_24, %dma_wait3A_38] : memref<10240x128xf32, #tpu.memory_space<vmem_shared>> -> memref<128x128xf32, #tpu.memory_space<vmem_shared>>
      tpu.wait_dma2 semaphore(%run_scoped3A : memref<!tpu.dma_semaphore, #tpu.memory_space<semaphore_mem>>) src(%arg9 : memref<128x128xf32, #tpu.memory_space<vmem>>) dst(%dma_wait3A_39 : memref<128x128xf32, #tpu.memory_space<vmem_shared>>)
      tpu.yield
    }) : () -> ()
    %barrier3A = arith.constant 0 : index
    tpu.barrier barrier_id(%barrier3A)
    "tpu.region"() ({
      %run_scoped3A = tpu.sem_alloc : memref<!tpu.dma_semaphore, #tpu.memory_space<semaphore_mem>>
      %dma_start3A = arith.constant 0 : i32
      %dma_start3A_34 = arith.constant 0 : i32
      %dma_start3A_35 = tpu.memref_slice %arg3[%add3A, %dma_start3A, %dma_start3A_34] : memref<32x79x128xi32, #tpu.memory_space<hbm>> -> memref<1x79x128xi32, #tpu.memory_space<hbm>>
      %dma_start3A_36 = tpu.memref_squeeze %dma_start3A_35 : memref<1x79x128xi32, #tpu.memory_space<hbm>> -> memref<79x128xi32, #tpu.memory_space<hbm>>
      %dma_start3A_37 = arith.constant 0 : i32
      %dma_start3A_38 = arith.constant 0 : i32
      %dma_start3A_39 = tpu.memref_slice %arg3[%add3A, %dma_start3A_37, %dma_start3A_38] : memref<32x79x128xi32, #tpu.memory_space<hbm>> -> memref<1x79x128xi32, #tpu.memory_space<hbm>>
      %dma_start3A_40 = tpu.memref_squeeze %dma_start3A_39 : memref<1x79x128xi32, #tpu.memory_space<hbm>> -> memref<79x128xi32, #tpu.memory_space<hbm>>
      tpu.enqueue_dma source(%dma_start3A_40 : memref<79x128xi32, #tpu.memory_space<hbm>>) target(%arg7 : memref<79x128xi32, #tpu.memory_space<vmem>>) target_semaphore(%run_scoped3A : memref<!tpu.dma_semaphore, #tpu.memory_space<semaphore_mem>>)
      %dma_wait3A = arith.constant 0 : i32
      %dma_wait3A_41 = arith.constant 0 : i32
      %dma_wait3A_42 = tpu.memref_slice %arg3[%add3A, %dma_wait3A, %dma_wait3A_41] : memref<32x79x128xi32, #tpu.memory_space<hbm>> -> memref<1x79x128xi32, #tpu.memory_space<hbm>>
      %dma_wait3A_43 = tpu.memref_squeeze %dma_wait3A_42 : memref<1x79x128xi32, #tpu.memory_space<hbm>> -> memref<79x128xi32, #tpu.memory_space<hbm>>
      %dma_wait3A_44 = arith.constant 0 : i32
      %dma_wait3A_45 = arith.constant 0 : i32
      %dma_wait3A_46 = tpu.memref_slice %arg3[%add3A, %dma_wait3A_44, %dma_wait3A_45] : memref<32x79x128xi32, #tpu.memory_space<hbm>> -> memref<1x79x128xi32, #tpu.memory_space<hbm>>
      %dma_wait3A_47 = tpu.memref_squeeze %dma_wait3A_46 : memref<1x79x128xi32, #tpu.memory_space<hbm>> -> memref<79x128xi32, #tpu.memory_space<hbm>>
      tpu.wait_dma2 semaphore(%run_scoped3A : memref<!tpu.dma_semaphore, #tpu.memory_space<semaphore_mem>>) src(%dma_wait3A_47 : memref<79x128xi32, #tpu.memory_space<hbm>>) dst(%arg7 : memref<79x128xi32, #tpu.memory_space<vmem>>)
      tpu.yield
    }) : () -> ()
    "tpu.region"() ({
      %run_scoped3A = tpu.sem_alloc : memref<!tpu.dma_semaphore, #tpu.memory_space<semaphore_mem>>
      %dma_start3A = arith.constant 0 : i32
      %dma_start3A_34 = arith.constant 0 : i32
      %dma_start3A_35 = tpu.memref_slice %arg4[%add3A, %dma_start3A, %dma_start3A_34] : memref<32x79x128xi32, #tpu.memory_space<hbm>> -> memref<1x79x128xi32, #tpu.memory_space<hbm>>
      %dma_start3A_36 = tpu.memref_squeeze %dma_start3A_35 : memref<1x79x128xi32, #tpu.memory_space<hbm>> -> memref<79x128xi32, #tpu.memory_space<hbm>>
      %dma_start3A_37 = arith.constant 0 : i32
      %dma_start3A_38 = arith.constant 0 : i32
      %dma_start3A_39 = tpu.memref_slice %arg4[%add3A, %dma_start3A_37, %dma_start3A_38] : memref<32x79x128xi32, #tpu.memory_space<hbm>> -> memref<1x79x128xi32, #tpu.memory_space<hbm>>
      %dma_start3A_40 = tpu.memref_squeeze %dma_start3A_39 : memref<1x79x128xi32, #tpu.memory_space<hbm>> -> memref<79x128xi32, #tpu.memory_space<hbm>>
      tpu.enqueue_dma source(%dma_start3A_40 : memref<79x128xi32, #tpu.memory_space<hbm>>) target(%arg8 : memref<79x128xi32, #tpu.memory_space<vmem>>) target_semaphore(%run_scoped3A : memref<!tpu.dma_semaphore, #tpu.memory_space<semaphore_mem>>)
      %dma_wait3A = arith.constant 0 : i32
      %dma_wait3A_41 = arith.constant 0 : i32
      %dma_wait3A_42 = tpu.memref_slice %arg4[%add3A, %dma_wait3A, %dma_wait3A_41] : memref<32x79x128xi32, #tpu.memory_space<hbm>> -> memref<1x79x128xi32, #tpu.memory_space<hbm>>
      %dma_wait3A_43 = tpu.memref_squeeze %dma_wait3A_42 : memref<1x79x128xi32, #tpu.memory_space<hbm>> -> memref<79x128xi32, #tpu.memory_space<hbm>>
      %dma_wait3A_44 = arith.constant 0 : i32
      %dma_wait3A_45 = arith.constant 0 : i32
      %dma_wait3A_46 = tpu.memref_slice %arg4[%add3A, %dma_wait3A_44, %dma_wait3A_45] : memref<32x79x128xi32, #tpu.memory_space<hbm>> -> memref<1x79x128xi32, #tpu.memory_space<hbm>>
      %dma_wait3A_47 = tpu.memref_squeeze %dma_wait3A_46 : memref<1x79x128xi32, #tpu.memory_space<hbm>> -> memref<79x128xi32, #tpu.memory_space<hbm>>
      tpu.wait_dma2 semaphore(%run_scoped3A : memref<!tpu.dma_semaphore, #tpu.memory_space<semaphore_mem>>) src(%dma_wait3A_47 : memref<79x128xi32, #tpu.memory_space<hbm>>) dst(%arg8 : memref<79x128xi32, #tpu.memory_space<vmem>>)
      tpu.yield
    }) : () -> ()
    %broadcast_in_dim3A_25 = arith.constant 1.000000e+00 : f32
    %broadcast_in_dim3A_26 = vector.broadcast %broadcast_in_dim3A_25 : f32 to vector<16xf32>
    %scan3A_27 = arith.constant 0 : i32
    %scan3A_28 = arith.constant 0 : i32
    %scan3A_29 = arith.constant 79 : i32
    %scan3A_30 = arith.addi %scan3A_28, %scan3A_29 : i32
    %scan3A_31 = arith.constant 1 : i32
    scf.for %scan3A_34 = %scan3A_28 to %scan3A_30 step %scan3A_31  : i32 {
      %dma_start3A = arith.constant 0 : i32
      %dma_start3A_35 = tpu.memref_slice %arg7[%scan3A_34, %dma_start3A] : memref<79x128xi32, #tpu.memory_space<vmem>> -> memref<1x128xi32, #tpu.memory_space<vmem>>
      %dma_start3A_36 = tpu.memref_squeeze %dma_start3A_35 : memref<1x128xi32, #tpu.memory_space<vmem>> -> memref<128xi32, #tpu.memory_space<vmem>>
      %dma_start3A_37 = arith.constant 0 : i32
      %dma_start3A_38 = arith.constant 0 : i32
      %dma_start3A_39 = tpu.memref_slice %arg2[%dma_start3A_37, %dma_start3A_38] : memref<10240x128xf32, #tpu.memory_space<hbm>> -> memref<10240x128xf32, #tpu.memory_space<hbm>>
      tpu.enqueue_indirect_dma source(%dma_start3A_39 : memref<10240x128xf32, #tpu.memory_space<hbm>>) target(%arg9 : memref<128x128xf32, #tpu.memory_space<vmem>>) offsets(%dma_start3A_36 : memref<128xi32, #tpu.memory_space<vmem>>) semaphore(%arg12 : memref<!tpu.dma_semaphore, #tpu.memory_space<semaphore_mem>>)
      %dma_wait3A = arith.constant 0 : i32
      %dma_wait3A_40 = tpu.memref_slice %arg7[%scan3A_34, %dma_wait3A] : memref<79x128xi32, #tpu.memory_space<vmem>> -> memref<1x128xi32, #tpu.memory_space<vmem>>
      %dma_wait3A_41 = tpu.memref_squeeze %dma_wait3A_40 : memref<1x128xi32, #tpu.memory_space<vmem>> -> memref<128xi32, #tpu.memory_space<vmem>>
      %dma_wait3A_42 = arith.constant 0 : i32
      %dma_wait3A_43 = arith.constant 0 : i32
      %dma_wait3A_44 = tpu.memref_slice %arg2[%dma_wait3A_42, %dma_wait3A_43] : memref<10240x128xf32, #tpu.memory_space<hbm>> -> memref<10240x128xf32, #tpu.memory_space<hbm>>
      tpu.wait_indirect_dma semaphore(%arg12 : memref<!tpu.dma_semaphore, #tpu.memory_space<semaphore_mem>>) src(%dma_wait3A_44 : memref<10240x128xf32, #tpu.memory_space<hbm>>) dst(%arg9 : memref<128x128xf32, #tpu.memory_space<vmem>>)
      "tpu.region"() ({
        %run_scoped3A = tpu.sem_alloc : memref<!tpu.dma_semaphore, #tpu.memory_space<semaphore_mem>>
        %dma_start3A_68 = arith.constant 0 : i32
        %dma_start3A_69 = tpu.memref_slice %arg8[%scan3A_34, %dma_start3A_68] : memref<79x128xi32, #tpu.memory_space<vmem>> -> memref<1x128xi32, #tpu.memory_space<vmem>>
        %dma_start3A_70 = tpu.memref_squeeze %dma_start3A_69 : memref<1x128xi32, #tpu.memory_space<vmem>> -> memref<128xi32, #tpu.memory_space<vmem>>
        %dma_start3A_71 = arith.constant 0 : i32
        %dma_start3A_72 = arith.constant 0 : i32
        %dma_start3A_73 = tpu.memref_slice %arg11[%dma_start3A_71, %dma_start3A_72] : memref<10240x128xf32, #tpu.memory_space<vmem_shared>> -> memref<10240x128xf32, #tpu.memory_space<vmem_shared>>
        tpu.enqueue_indirect_dma source(%arg9 : memref<128x128xf32, #tpu.memory_space<vmem>>) target(%dma_start3A_73 : memref<10240x128xf32, #tpu.memory_space<vmem_shared>>) offsets(%dma_start3A_70 : memref<128xi32, #tpu.memory_space<vmem>>) semaphore(%run_scoped3A : memref<!tpu.dma_semaphore, #tpu.memory_space<semaphore_mem>>) {add = true}
        %dma_wait3A_74 = arith.constant 0 : i32
        %dma_wait3A_75 = tpu.memref_slice %arg8[%scan3A_34, %dma_wait3A_74] : memref<79x128xi32, #tpu.memory_space<vmem>> -> memref<1x128xi32, #tpu.memory_space<vmem>>
        %dma_wait3A_76 = tpu.memref_squeeze %dma_wait3A_75 : memref<1x128xi32, #tpu.memory_space<vmem>> -> memref<128xi32, #tpu.memory_space<vmem>>
        %dma_wait3A_77 = arith.constant 0 : i32
        %dma_wait3A_78 = arith.constant 0 : i32
        %dma_wait3A_79 = tpu.memref_slice %arg11[%dma_wait3A_77, %dma_wait3A_78] : memref<10240x128xf32, #tpu.memory_space<vmem_shared>> -> memref<10240x128xf32, #tpu.memory_space<vmem_shared>>
        tpu.wait_indirect_dma semaphore(%run_scoped3A : memref<!tpu.dma_semaphore, #tpu.memory_space<semaphore_mem>>) src(%arg9 : memref<128x128xf32, #tpu.memory_space<vmem>>) dst(%dma_wait3A_79 : memref<10240x128xf32, #tpu.memory_space<vmem_shared>>)
        tpu.yield
      }) : () -> ()
      %get3A = arith.index_cast %scan3A_34 : i32 to index
      %get3A_45 = arith.constant 0 : index
      %get3A_46 = tpu.vector_load %arg8[%get3A, %get3A_45] {strides = array<i32>} : memref<79x128xi32, #tpu.memory_space<vmem>>, vector<16xi32>,
      tpu.vector_store_idx %arg10[%get3A_46], %broadcast_in_dim3A_26 {add = true} : memref<10240xf32, #tpu.memory_space<vmem>>[vector<16xi32>], vector<16xf32>,
      %get3A_47 = arith.index_cast %scan3A_34 : i32 to index
      %get3A_48 = arith.constant 16 : index
      %get3A_49 = tpu.vector_load %arg8[%get3A_47, %get3A_48] {strides = array<i32>} : memref<79x128xi32, #tpu.memory_space<vmem>>, vector<16xi32>,
      tpu.vector_store_idx %arg10[%get3A_49], %broadcast_in_dim3A_26 {add = true} : memref<10240xf32, #tpu.memory_space<vmem>>[vector<16xi32>], vector<16xf32>,
      %get3A_50 = arith.index_cast %scan3A_34 : i32 to index
      %get3A_51 = arith.constant 32 : index
      %get3A_52 = tpu.vector_load %arg8[%get3A_50, %get3A_51] {strides = array<i32>} : memref<79x128xi32, #tpu.memory_space<vmem>>, vector<16xi32>,
      tpu.vector_store_idx %arg10[%get3A_52], %broadcast_in_dim3A_26 {add = true} : memref<10240xf32, #tpu.memory_space<vmem>>[vector<16xi32>], vector<16xf32>,
      %get3A_53 = arith.index_cast %scan3A_34 : i32 to index
      %get3A_54 = arith.constant 48 : index
      %get3A_55 = tpu.vector_load %arg8[%get3A_53, %get3A_54] {strides = array<i32>} : memref<79x128xi32, #tpu.memory_space<vmem>>, vector<16xi32>,
      tpu.vector_store_idx %arg10[%get3A_55], %broadcast_in_dim3A_26 {add = true} : memref<10240xf32, #tpu.memory_space<vmem>>[vector<16xi32>], vector<16xf32>,
      %get3A_56 = arith.index_cast %scan3A_34 : i32 to index
      %get3A_57 = arith.constant 64 : index
      %get3A_58 = tpu.vector_load %arg8[%get3A_56, %get3A_57] {strides = array<i32>} : memref<79x128xi32, #tpu.memory_space<vmem>>, vector<16xi32>,
      tpu.vector_store_idx %arg10[%get3A_58], %broadcast_in_dim3A_26 {add = true} : memref<10240xf32, #tpu.memory_space<vmem>>[vector<16xi32>], vector<16xf32>,
      %get3A_59 = arith.index_cast %scan3A_34 : i32 to index
      %get3A_60 = arith.constant 80 : index
      %get3A_61 = tpu.vector_load %arg8[%get3A_59, %get3A_60] {strides = array<i32>} : memref<79x128xi32, #tpu.memory_space<vmem>>, vector<16xi32>,
      tpu.vector_store_idx %arg10[%get3A_61], %broadcast_in_dim3A_26 {add = true} : memref<10240xf32, #tpu.memory_space<vmem>>[vector<16xi32>], vector<16xf32>,
      %get3A_62 = arith.index_cast %scan3A_34 : i32 to index
      %get3A_63 = arith.constant 96 : index
      %get3A_64 = tpu.vector_load %arg8[%get3A_62, %get3A_63] {strides = array<i32>} : memref<79x128xi32, #tpu.memory_space<vmem>>, vector<16xi32>,
      tpu.vector_store_idx %arg10[%get3A_64], %broadcast_in_dim3A_26 {add = true} : memref<10240xf32, #tpu.memory_space<vmem>>[vector<16xi32>], vector<16xf32>,
      %get3A_65 = arith.index_cast %scan3A_34 : i32 to index
      %get3A_66 = arith.constant 112 : index
      %get3A_67 = tpu.vector_load %arg8[%get3A_65, %get3A_66] {strides = array<i32>} : memref<79x128xi32, #tpu.memory_space<vmem>>, vector<16xi32>,
      tpu.vector_store_idx %arg10[%get3A_67], %broadcast_in_dim3A_26 {add = true} : memref<10240xf32, #tpu.memory_space<vmem>>[vector<16xi32>], vector<16xf32>,
    }
    %scan3A_32 = arith.constant 79 : i32
    %barrier3A_33 = arith.constant 0 : index
    tpu.barrier barrier_id(%barrier3A_33)
    "tpu.region"() ({
      %run_scoped3A = tpu.sem_alloc : memref<!tpu.dma_semaphore, #tpu.memory_space<semaphore_mem>>
      %dma_start3A = arith.constant 0 : i32
      %dma_start3A_34 = tpu.memref_slice %arg5[%arg0, %mul3A_14, %dma_start3A] : memref<2x10240x128xf32, #tpu.memory_space<hbm>> -> memref<1x640x128xf32, #tpu.memory_space<hbm>>
      %dma_start3A_35 = tpu.memref_squeeze %dma_start3A_34 : memref<1x640x128xf32, #tpu.memory_space<hbm>> -> memref<640x128xf32, #tpu.memory_space<hbm>>
      %dma_start3A_36 = arith.constant 0 : i32
      %dma_start3A_37 = tpu.memref_slice %arg11[%mul3A_14, %dma_start3A_36] : memref<10240x128xf32, #tpu.memory_space<vmem_shared>> -> memref<640x128xf32, #tpu.memory_space<vmem_shared>>
      tpu.enqueue_dma source(%dma_start3A_37 : memref<640x128xf32, #tpu.memory_space<vmem_shared>>) target(%dma_start3A_35 : memref<640x128xf32, #tpu.memory_space<hbm>>) target_semaphore(%run_scoped3A : memref<!tpu.dma_semaphore, #tpu.memory_space<semaphore_mem>>)
      %dma_wait3A = arith.constant 0 : i32
      %dma_wait3A_38 = tpu.memref_slice %arg5[%arg0, %mul3A_14, %dma_wait3A] : memref<2x10240x128xf32, #tpu.memory_space<hbm>> -> memref<1x640x128xf32, #tpu.memory_space<hbm>>
      %dma_wait3A_39 = tpu.memref_squeeze %dma_wait3A_38 : memref<1x640x128xf32, #tpu.memory_space<hbm>> -> memref<640x128xf32, #tpu.memory_space<hbm>>
      %dma_wait3A_40 = arith.constant 0 : i32
      %dma_wait3A_41 = tpu.memref_slice %arg11[%mul3A_14, %dma_wait3A_40] : memref<10240x128xf32, #tpu.memory_space<vmem_shared>> -> memref<640x128xf32, #tpu.memory_space<vmem_shared>>
      tpu.wait_dma2 semaphore(%run_scoped3A : memref<!tpu.dma_semaphore, #tpu.memory_space<semaphore_mem>>) src(%dma_wait3A_41 : memref<640x128xf32, #tpu.memory_space<vmem_shared>>) dst(%dma_wait3A_39 : memref<640x128xf32, #tpu.memory_space<hbm>>)
      tpu.yield
    }) : () -> ()
    "tpu.region"() ({
      %run_scoped3A = tpu.sem_alloc : memref<!tpu.dma_semaphore, #tpu.memory_space<semaphore_mem>>
      %dma_start3A = arith.constant 0 : i32
      %dma_start3A_34 = tpu.memref_slice %arg6[%add3A, %dma_start3A] : memref<32x10240xf32, #tpu.memory_space<hbm>> -> memref<1x10240xf32, #tpu.memory_space<hbm>>
      %dma_start3A_35 = tpu.memref_squeeze %dma_start3A_34 : memref<1x10240xf32, #tpu.memory_space<hbm>> -> memref<10240xf32, #tpu.memory_space<hbm>>
      %dma_start3A_36 = arith.constant 0 : i32
      %dma_start3A_37 = tpu.memref_slice %arg6[%add3A, %dma_start3A_36] : memref<32x10240xf32, #tpu.memory_space<hbm>> -> memref<1x10240xf32, #tpu.memory_space<hbm>>
      %dma_start3A_38 = tpu.memref_squeeze %dma_start3A_37 : memref<1x10240xf32, #tpu.memory_space<hbm>> -> memref<10240xf32, #tpu.memory_space<hbm>>
      tpu.enqueue_dma source(%arg10 : memref<10240xf32, #tpu.memory_space<vmem>>) target(%dma_start3A_38 : memref<10240xf32, #tpu.memory_space<hbm>>) target_semaphore(%run_scoped3A : memref<!tpu.dma_semaphore, #tpu.memory_space<semaphore_mem>>)
      %dma_wait3A = arith.constant 0 : i32
      %dma_wait3A_39 = tpu.memref_slice %arg6[%add3A, %dma_wait3A] : memref<32x10240xf32, #tpu.memory_space<hbm>> -> memref<1x10240xf32, #tpu.memory_space<hbm>>
      %dma_wait3A_40 = tpu.memref_squeeze %dma_wait3A_39 : memref<1x10240xf32, #tpu.memory_space<hbm>> -> memref<10240xf32, #tpu.memory_space<hbm>>
      %dma_wait3A_41 = arith.constant 0 : i32
      %dma_wait3A_42 = tpu.memref_slice %arg6[%add3A, %dma_wait3A_41] : memref<32x10240xf32, #tpu.memory_space<hbm>> -> memref<1x10240xf32, #tpu.memory_space<hbm>>
      %dma_wait3A_43 = tpu.memref_squeeze %dma_wait3A_42 : memref<1x10240xf32, #tpu.memory_space<hbm>> -> memref<10240xf32, #tpu.memory_space<hbm>>
      tpu.wait_dma2 semaphore(%run_scoped3A : memref<!tpu.dma_semaphore, #tpu.memory_space<semaphore_mem>>) src(%arg10 : memref<10240xf32, #tpu.memory_space<vmem>>) dst(%dma_wait3A_43 : memref<10240xf32, #tpu.memory_space<hbm>>)
      tpu.yield
    }) : () -> ()
    return
  }
}

#map = affine_map<(d0, d1) -> (0, 0)>
#map1 = affine_map<(d0, d1) -> (0, 0, 0)>
module attributes {stable_mosaic.version = 14 : i64} {
  func.func @_sc_agg_body(%arg0: i32, %arg1: i32, %arg2: memref<10240x128xf32, #tpu.memory_space<hbm>>, %arg3: memref<32x79x128xi32, #tpu.memory_space<hbm>>, %arg4: memref<32x79x128xi32, #tpu.memory_space<hbm>>, %arg5: memref<2x10240x128xf32, #tpu.memory_space<hbm>>, %arg6: memref<32x10240xf32, #tpu.memory_space<hbm>>, %arg7: memref<79x128xi32, #tpu.memory_space<vmem>>, %arg8: memref<79x128xi32, #tpu.memory_space<vmem>>, %arg9: memref<128x128xf32, #tpu.memory_space<vmem>>, %arg10: memref<10240xf32, #tpu.memory_space<vmem>>, %arg11: memref<10240x128xf32, #tpu.memory_space<vmem_shared>>, %arg12: memref<!tpu.dma_semaphore, #tpu.memory_space<semaphore_mem>>) attributes {dimension_semantics = [#tpu.dimension_semantics<core_parallel>, #tpu.dimension_semantics<subcore_parallel>], iteration_bounds = array<i64: 2, 16>, scalar_prefetch = 0 : i64, scratch_operands = 6 : i64, tpu.core_type = #tpu.core_type<sc_vector_subcore>, window_params = [{transform_indices = #map}, {transform_indices = #map1}, {transform_indices = #map1}, {transform_indices = #map1}, {transform_indices = #map}]} {
    %mul3A = arith.constant 2 : i32
    %mul3A_0 = arith.muli %arg1, %mul3A : i32
    %add3A = arith.addi %mul3A_0, %arg0 : i32
    %broadcast_in_dim3A = arith.constant 0.000000e+00 : f32
    %broadcast_in_dim3A_1 = vector.broadcast %broadcast_in_dim3A : f32 to vector<16xf32>
    %scan3A = arith.constant 0 : i32
    %scan3A_2 = arith.constant 0 : i32
    %scan3A_3 = arith.constant 128 : i32
    %scan3A_4 = arith.addi %scan3A_2, %scan3A_3 : i32
    %scan3A_5 = arith.constant 1 : i32
    scf.for %scan3A_34 = %scan3A_2 to %scan3A_4 step %scan3A_5  : i32 {
      %swap3A = arith.index_cast %scan3A_34 : i32 to index
      %swap3A_35 = arith.constant 0 : index
      %swap3A_36 = tpu.vector_load %arg9[%swap3A, %swap3A_35] {strides = array<i32>} : memref<128x128xf32, #tpu.memory_space<vmem>>, vector<16xf32>,
      tpu.vector_store %arg9[%swap3A, %swap3A_35], %broadcast_in_dim3A_1 {strides = array<i32>} : memref<128x128xf32, #tpu.memory_space<vmem>>, vector<16xf32>,
      %swap3A_37 = arith.index_cast %scan3A_34 : i32 to index
      %swap3A_38 = arith.constant 16 : index
      %swap3A_39 = tpu.vector_load %arg9[%swap3A_37, %swap3A_38] {strides = array<i32>} : memref<128x128xf32, #tpu.memory_space<vmem>>, vector<16xf32>,
      tpu.vector_store %arg9[%swap3A_37, %swap3A_38], %broadcast_in_dim3A_1 {strides = array<i32>} : memref<128x128xf32, #tpu.memory_space<vmem>>, vector<16xf32>,
      %swap3A_40 = arith.index_cast %scan3A_34 : i32 to index
      %swap3A_41 = arith.constant 32 : index
      %swap3A_42 = tpu.vector_load %arg9[%swap3A_40, %swap3A_41] {strides = array<i32>} : memref<128x128xf32, #tpu.memory_space<vmem>>, vector<16xf32>,
      tpu.vector_store %arg9[%swap3A_40, %swap3A_41], %broadcast_in_dim3A_1 {strides = array<i32>} : memref<128x128xf32, #tpu.memory_space<vmem>>, vector<16xf32>,
      %swap3A_43 = arith.index_cast %scan3A_34 : i32 to index
      %swap3A_44 = arith.constant 48 : index
      %swap3A_45 = tpu.vector_load %arg9[%swap3A_43, %swap3A_44] {strides = array<i32>} : memref<128x128xf32, #tpu.memory_space<vmem>>, vector<16xf32>,
      tpu.vector_store %arg9[%swap3A_43, %swap3A_44], %broadcast_in_dim3A_1 {strides = array<i32>} : memref<128x128xf32, #tpu.memory_space<vmem>>, vector<16xf32>,
      %swap3A_46 = arith.index_cast %scan3A_34 : i32 to index
      %swap3A_47 = arith.constant 64 : index
      %swap3A_48 = tpu.vector_load %arg9[%swap3A_46, %swap3A_47] {strides = array<i32>} : memref<128x128xf32, #tpu.memory_space<vmem>>, vector<16xf32>,
      tpu.vector_store %arg9[%swap3A_46, %swap3A_47], %broadcast_in_dim3A_1 {strides = array<i32>} : memref<128x128xf32, #tpu.memory_space<vmem>>, vector<16xf32>,
      %swap3A_49 = arith.index_cast %scan3A_34 : i32 to index
      %swap3A_50 = arith.constant 80 : index
      %swap3A_51 = tpu.vector_load %arg9[%swap3A_49, %swap3A_50] {strides = array<i32>} : memref<128x128xf32, #tpu.memory_space<vmem>>, vector<16xf32>,
      tpu.vector_store %arg9[%swap3A_49, %swap3A_50], %broadcast_in_dim3A_1 {strides = array<i32>} : memref<128x128xf32, #tpu.memory_space<vmem>>, vector<16xf32>,
      %swap3A_52 = arith.index_cast %scan3A_34 : i32 to index
      %swap3A_53 = arith.constant 96 : index
      %swap3A_54 = tpu.vector_load %arg9[%swap3A_52, %swap3A_53] {strides = array<i32>} : memref<128x128xf32, #tpu.memory_space<vmem>>, vector<16xf32>,
      tpu.vector_store %arg9[%swap3A_52, %swap3A_53], %broadcast_in_dim3A_1 {strides = array<i32>} : memref<128x128xf32, #tpu.memory_space<vmem>>, vector<16xf32>,
      %swap3A_55 = arith.index_cast %scan3A_34 : i32 to index
      %swap3A_56 = arith.constant 112 : index
      %swap3A_57 = tpu.vector_load %arg9[%swap3A_55, %swap3A_56] {strides = array<i32>} : memref<128x128xf32, #tpu.memory_space<vmem>>, vector<16xf32>,
      tpu.vector_store %arg9[%swap3A_55, %swap3A_56], %broadcast_in_dim3A_1 {strides = array<i32>} : memref<128x128xf32, #tpu.memory_space<vmem>>, vector<16xf32>,
    }
    %scan3A_6 = arith.constant 128 : i32
    %scan3A_7 = arith.constant 0 : i32
    %scan3A_8 = arith.constant 0 : i32
    %scan3A_9 = arith.constant 640 : i32
    %scan3A_10 = arith.addi %scan3A_8, %scan3A_9 : i32
    %scan3A_11 = arith.constant 1 : i32
    scf.for %scan3A_34 = %scan3A_8 to %scan3A_10 step %scan3A_11  : i32 {
      %mul3A_35 = arith.constant 16 : i32
      %mul3A_36 = arith.muli %scan3A_34, %mul3A_35 : i32
      %swap3A = arith.index_cast %mul3A_36 : i32 to index
      %swap3A_37 = tpu.vector_load %arg10[%swap3A] {strides = array<i32>} : memref<10240xf32, #tpu.memory_space<vmem>>, vector<16xf32>,
      tpu.vector_store %arg10[%swap3A], %broadcast_in_dim3A_1 {strides = array<i32>} : memref<10240xf32, #tpu.memory_space<vmem>>, vector<16xf32>,
    }
    %scan3A_12 = arith.constant 640 : i32
    %mul3A_13 = arith.constant 640 : i32
    %mul3A_14 = arith.muli %arg1, %mul3A_13 : i32
    %add3A_15 = arith.constant 0 : i32
    %add3A_16 = arith.addi %mul3A_14, %add3A_15 : i32
    "tpu.region"() ({
      %run_scoped3A = tpu.sem_alloc : memref<!tpu.dma_semaphore, #tpu.memory_space<semaphore_mem>>
      %dma_start3A = arith.constant 0 : i32
      %dma_start3A_34 = tpu.memref_slice %arg11[%add3A_16, %dma_start3A] : memref<10240x128xf32, #tpu.memory_space<vmem_shared>> -> memref<128x128xf32, #tpu.memory_space<vmem_shared>>
      %dma_start3A_35 = arith.constant 0 : i32
      %dma_start3A_36 = tpu.memref_slice %arg11[%add3A_16, %dma_start3A_35] : memref<10240x128xf32, #tpu.memory_space<vmem_shared>> -> memref<128x128xf32, #tpu.memory_space<vmem_shared>>
      tpu.enqueue_dma source(%arg9 : memref<128x128xf32, #tpu.memory_space<vmem>>) target(%dma_start3A_36 : memref<128x128xf32, #tpu.memory_space<vmem_shared>>) target_semaphore(%run_scoped3A : memref<!tpu.dma_semaphore, #tpu.memory_space<semaphore_mem>>)
      %dma_wait3A = arith.constant 0 : i32
      %dma_wait3A_37 = tpu.memref_slice %arg11[%add3A_16, %dma_wait3A] : memref<10240x128xf32, #tpu.memory_space<vmem_shared>> -> memref<128x128xf32, #tpu.memory_space<vmem_shared>>
      %dma_wait3A_38 = arith.constant 0 : i32
      %dma_wait3A_39 = tpu.memref_slice %arg11[%add3A_16, %dma_wait3A_38] : memref<10240x128xf32, #tpu.memory_space<vmem_shared>> -> memref<128x128xf32, #tpu.memory_space<vmem_shared>>
      tpu.wait_dma2 semaphore(%run_scoped3A : memref<!tpu.dma_semaphore, #tpu.memory_space<semaphore_mem>>) src(%arg9 : memref<128x128xf32, #tpu.memory_space<vmem>>) dst(%dma_wait3A_39 : memref<128x128xf32, #tpu.memory_space<vmem_shared>>)
      tpu.yield
    }) : () -> ()
    %add3A_17 = arith.constant 128 : i32
    %add3A_18 = arith.addi %mul3A_14, %add3A_17 : i32
    "tpu.region"() ({
      %run_scoped3A = tpu.sem_alloc : memref<!tpu.dma_semaphore, #tpu.memory_space<semaphore_mem>>
      %dma_start3A = arith.constant 0 : i32
      %dma_start3A_34 = tpu.memref_slice %arg11[%add3A_18, %dma_start3A] : memref<10240x128xf32, #tpu.memory_space<vmem_shared>> -> memref<128x128xf32, #tpu.memory_space<vmem_shared>>
      %dma_start3A_35 = arith.constant 0 : i32
      %dma_start3A_36 = tpu.memref_slice %arg11[%add3A_18, %dma_start3A_35] : memref<10240x128xf32, #tpu.memory_space<vmem_shared>> -> memref<128x128xf32, #tpu.memory_space<vmem_shared>>
      tpu.enqueue_dma source(%arg9 : memref<128x128xf32, #tpu.memory_space<vmem>>) target(%dma_start3A_36 : memref<128x128xf32, #tpu.memory_space<vmem_shared>>) target_semaphore(%run_scoped3A : memref<!tpu.dma_semaphore, #tpu.memory_space<semaphore_mem>>)
      %dma_wait3A = arith.constant 0 : i32
      %dma_wait3A_37 = tpu.memref_slice %arg11[%add3A_18, %dma_wait3A] : memref<10240x128xf32, #tpu.memory_space<vmem_shared>> -> memref<128x128xf32, #tpu.memory_space<vmem_shared>>
      %dma_wait3A_38 = arith.constant 0 : i32
      %dma_wait3A_39 = tpu.memref_slice %arg11[%add3A_18, %dma_wait3A_38] : memref<10240x128xf32, #tpu.memory_space<vmem_shared>> -> memref<128x128xf32, #tpu.memory_space<vmem_shared>>
      tpu.wait_dma2 semaphore(%run_scoped3A : memref<!tpu.dma_semaphore, #tpu.memory_space<semaphore_mem>>) src(%arg9 : memref<128x128xf32, #tpu.memory_space<vmem>>) dst(%dma_wait3A_39 : memref<128x128xf32, #tpu.memory_space<vmem_shared>>)
      tpu.yield
    }) : () -> ()
    %add3A_19 = arith.constant 256 : i32
    %add3A_20 = arith.addi %mul3A_14, %add3A_19 : i32
    "tpu.region"() ({
      %run_scoped3A = tpu.sem_alloc : memref<!tpu.dma_semaphore, #tpu.memory_space<semaphore_mem>>
      %dma_start3A = arith.constant 0 : i32
      %dma_start3A_34 = tpu.memref_slice %arg11[%add3A_20, %dma_start3A] : memref<10240x128xf32, #tpu.memory_space<vmem_shared>> -> memref<128x128xf32, #tpu.memory_space<vmem_shared>>
      %dma_start3A_35 = arith.constant 0 : i32
      %dma_start3A_36 = tpu.memref_slice %arg11[%add3A_20, %dma_start3A_35] : memref<10240x128xf32, #tpu.memory_space<vmem_shared>> -> memref<128x128xf32, #tpu.memory_space<vmem_shared>>
      tpu.enqueue_dma source(%arg9 : memref<128x128xf32, #tpu.memory_space<vmem>>) target(%dma_start3A_36 : memref<128x128xf32, #tpu.memory_space<vmem_shared>>) target_semaphore(%run_scoped3A : memref<!tpu.dma_semaphore, #tpu.memory_space<semaphore_mem>>)
      %dma_wait3A = arith.constant 0 : i32
      %dma_wait3A_37 = tpu.memref_slice %arg11[%add3A_20, %dma_wait3A] : memref<10240x128xf32, #tpu.memory_space<vmem_shared>> -> memref<128x128xf32, #tpu.memory_space<vmem_shared>>
      %dma_wait3A_38 = arith.constant 0 : i32
      %dma_wait3A_39 = tpu.memref_slice %arg11[%add3A_20, %dma_wait3A_38] : memref<10240x128xf32, #tpu.memory_space<vmem_shared>> -> memref<128x128xf32, #tpu.memory_space<vmem_shared>>
      tpu.wait_dma2 semaphore(%run_scoped3A : memref<!tpu.dma_semaphore, #tpu.memory_space<semaphore_mem>>) src(%arg9 : memref<128x128xf32, #tpu.memory_space<vmem>>) dst(%dma_wait3A_39 : memref<128x128xf32, #tpu.memory_space<vmem_shared>>)
      tpu.yield
    }) : () -> ()
    %add3A_21 = arith.constant 384 : i32
    %add3A_22 = arith.addi %mul3A_14, %add3A_21 : i32
    "tpu.region"() ({
      %run_scoped3A = tpu.sem_alloc : memref<!tpu.dma_semaphore, #tpu.memory_space<semaphore_mem>>
      %dma_start3A = arith.constant 0 : i32
      %dma_start3A_34 = tpu.memref_slice %arg11[%add3A_22, %dma_start3A] : memref<10240x128xf32, #tpu.memory_space<vmem_shared>> -> memref<128x128xf32, #tpu.memory_space<vmem_shared>>
      %dma_start3A_35 = arith.constant 0 : i32
      %dma_start3A_36 = tpu.memref_slice %arg11[%add3A_22, %dma_start3A_35] : memref<10240x128xf32, #tpu.memory_space<vmem_shared>> -> memref<128x128xf32, #tpu.memory_space<vmem_shared>>
      tpu.enqueue_dma source(%arg9 : memref<128x128xf32, #tpu.memory_space<vmem>>) target(%dma_start3A_36 : memref<128x128xf32, #tpu.memory_space<vmem_shared>>) target_semaphore(%run_scoped3A : memref<!tpu.dma_semaphore, #tpu.memory_space<semaphore_mem>>)
      %dma_wait3A = arith.constant 0 : i32
      %dma_wait3A_37 = tpu.memref_slice %arg11[%add3A_22, %dma_wait3A] : memref<10240x128xf32, #tpu.memory_space<vmem_shared>> -> memref<128x128xf32, #tpu.memory_space<vmem_shared>>
      %dma_wait3A_38 = arith.constant 0 : i32
      %dma_wait3A_39 = tpu.memref_slice %arg11[%add3A_22, %dma_wait3A_38] : memref<10240x128xf32, #tpu.memory_space<vmem_shared>> -> memref<128x128xf32, #tpu.memory_space<vmem_shared>>
      tpu.wait_dma2 semaphore(%run_scoped3A : memref<!tpu.dma_semaphore, #tpu.memory_space<semaphore_mem>>) src(%arg9 : memref<128x128xf32, #tpu.memory_space<vmem>>) dst(%dma_wait3A_39 : memref<128x128xf32, #tpu.memory_space<vmem_shared>>)
      tpu.yield
    }) : () -> ()
    %add3A_23 = arith.constant 512 : i32
    %add3A_24 = arith.addi %mul3A_14, %add3A_23 : i32
    "tpu.region"() ({
      %run_scoped3A = tpu.sem_alloc : memref<!tpu.dma_semaphore, #tpu.memory_space<semaphore_mem>>
      %dma_start3A = arith.constant 0 : i32
      %dma_start3A_34 = tpu.memref_slice %arg11[%add3A_24, %dma_start3A] : memref<10240x128xf32, #tpu.memory_space<vmem_shared>> -> memref<128x128xf32, #tpu.memory_space<vmem_shared>>
      %dma_start3A_35 = arith.constant 0 : i32
      %dma_start3A_36 = tpu.memref_slice %arg11[%add3A_24, %dma_start3A_35] : memref<10240x128xf32, #tpu.memory_space<vmem_shared>> -> memref<128x128xf32, #tpu.memory_space<vmem_shared>>
      tpu.enqueue_dma source(%arg9 : memref<128x128xf32, #tpu.memory_space<vmem>>) target(%dma_start3A_36 : memref<128x128xf32, #tpu.memory_space<vmem_shared>>) target_semaphore(%run_scoped3A : memref<!tpu.dma_semaphore, #tpu.memory_space<semaphore_mem>>)
      %dma_wait3A = arith.constant 0 : i32
      %dma_wait3A_37 = tpu.memref_slice %arg11[%add3A_24, %dma_wait3A] : memref<10240x128xf32, #tpu.memory_space<vmem_shared>> -> memref<128x128xf32, #tpu.memory_space<vmem_shared>>
      %dma_wait3A_38 = arith.constant 0 : i32
      %dma_wait3A_39 = tpu.memref_slice %arg11[%add3A_24, %dma_wait3A_38] : memref<10240x128xf32, #tpu.memory_space<vmem_shared>> -> memref<128x128xf32, #tpu.memory_space<vmem_shared>>
      tpu.wait_dma2 semaphore(%run_scoped3A : memref<!tpu.dma_semaphore, #tpu.memory_space<semaphore_mem>>) src(%arg9 : memref<128x128xf32, #tpu.memory_space<vmem>>) dst(%dma_wait3A_39 : memref<128x128xf32, #tpu.memory_space<vmem_shared>>)
      tpu.yield
    }) : () -> ()
    %barrier3A = arith.constant 0 : index
    tpu.barrier barrier_id(%barrier3A)
    "tpu.region"() ({
      %run_scoped3A = tpu.sem_alloc : memref<!tpu.dma_semaphore, #tpu.memory_space<semaphore_mem>>
      %dma_start3A = arith.constant 0 : i32
      %dma_start3A_34 = arith.constant 0 : i32
      %dma_start3A_35 = tpu.memref_slice %arg3[%add3A, %dma_start3A, %dma_start3A_34] : memref<32x79x128xi32, #tpu.memory_space<hbm>> -> memref<1x79x128xi32, #tpu.memory_space<hbm>>
      %dma_start3A_36 = tpu.memref_squeeze %dma_start3A_35 : memref<1x79x128xi32, #tpu.memory_space<hbm>> -> memref<79x128xi32, #tpu.memory_space<hbm>>
      %dma_start3A_37 = arith.constant 0 : i32
      %dma_start3A_38 = arith.constant 0 : i32
      %dma_start3A_39 = tpu.memref_slice %arg3[%add3A, %dma_start3A_37, %dma_start3A_38] : memref<32x79x128xi32, #tpu.memory_space<hbm>> -> memref<1x79x128xi32, #tpu.memory_space<hbm>>
      %dma_start3A_40 = tpu.memref_squeeze %dma_start3A_39 : memref<1x79x128xi32, #tpu.memory_space<hbm>> -> memref<79x128xi32, #tpu.memory_space<hbm>>
      tpu.enqueue_dma source(%dma_start3A_40 : memref<79x128xi32, #tpu.memory_space<hbm>>) target(%arg7 : memref<79x128xi32, #tpu.memory_space<vmem>>) target_semaphore(%run_scoped3A : memref<!tpu.dma_semaphore, #tpu.memory_space<semaphore_mem>>)
      %dma_wait3A = arith.constant 0 : i32
      %dma_wait3A_41 = arith.constant 0 : i32
      %dma_wait3A_42 = tpu.memref_slice %arg3[%add3A, %dma_wait3A, %dma_wait3A_41] : memref<32x79x128xi32, #tpu.memory_space<hbm>> -> memref<1x79x128xi32, #tpu.memory_space<hbm>>
      %dma_wait3A_43 = tpu.memref_squeeze %dma_wait3A_42 : memref<1x79x128xi32, #tpu.memory_space<hbm>> -> memref<79x128xi32, #tpu.memory_space<hbm>>
      %dma_wait3A_44 = arith.constant 0 : i32
      %dma_wait3A_45 = arith.constant 0 : i32
      %dma_wait3A_46 = tpu.memref_slice %arg3[%add3A, %dma_wait3A_44, %dma_wait3A_45] : memref<32x79x128xi32, #tpu.memory_space<hbm>> -> memref<1x79x128xi32, #tpu.memory_space<hbm>>
      %dma_wait3A_47 = tpu.memref_squeeze %dma_wait3A_46 : memref<1x79x128xi32, #tpu.memory_space<hbm>> -> memref<79x128xi32, #tpu.memory_space<hbm>>
      tpu.wait_dma2 semaphore(%run_scoped3A : memref<!tpu.dma_semaphore, #tpu.memory_space<semaphore_mem>>) src(%dma_wait3A_47 : memref<79x128xi32, #tpu.memory_space<hbm>>) dst(%arg7 : memref<79x128xi32, #tpu.memory_space<vmem>>)
      tpu.yield
    }) : () -> ()
    "tpu.region"() ({
      %run_scoped3A = tpu.sem_alloc : memref<!tpu.dma_semaphore, #tpu.memory_space<semaphore_mem>>
      %dma_start3A = arith.constant 0 : i32
      %dma_start3A_34 = arith.constant 0 : i32
      %dma_start3A_35 = tpu.memref_slice %arg4[%add3A, %dma_start3A, %dma_start3A_34] : memref<32x79x128xi32, #tpu.memory_space<hbm>> -> memref<1x79x128xi32, #tpu.memory_space<hbm>>
      %dma_start3A_36 = tpu.memref_squeeze %dma_start3A_35 : memref<1x79x128xi32, #tpu.memory_space<hbm>> -> memref<79x128xi32, #tpu.memory_space<hbm>>
      %dma_start3A_37 = arith.constant 0 : i32
      %dma_start3A_38 = arith.constant 0 : i32
      %dma_start3A_39 = tpu.memref_slice %arg4[%add3A, %dma_start3A_37, %dma_start3A_38] : memref<32x79x128xi32, #tpu.memory_space<hbm>> -> memref<1x79x128xi32, #tpu.memory_space<hbm>>
      %dma_start3A_40 = tpu.memref_squeeze %dma_start3A_39 : memref<1x79x128xi32, #tpu.memory_space<hbm>> -> memref<79x128xi32, #tpu.memory_space<hbm>>
      tpu.enqueue_dma source(%dma_start3A_40 : memref<79x128xi32, #tpu.memory_space<hbm>>) target(%arg8 : memref<79x128xi32, #tpu.memory_space<vmem>>) target_semaphore(%run_scoped3A : memref<!tpu.dma_semaphore, #tpu.memory_space<semaphore_mem>>)
      %dma_wait3A = arith.constant 0 : i32
      %dma_wait3A_41 = arith.constant 0 : i32
      %dma_wait3A_42 = tpu.memref_slice %arg4[%add3A, %dma_wait3A, %dma_wait3A_41] : memref<32x79x128xi32, #tpu.memory_space<hbm>> -> memref<1x79x128xi32, #tpu.memory_space<hbm>>
      %dma_wait3A_43 = tpu.memref_squeeze %dma_wait3A_42 : memref<1x79x128xi32, #tpu.memory_space<hbm>> -> memref<79x128xi32, #tpu.memory_space<hbm>>
      %dma_wait3A_44 = arith.constant 0 : i32
      %dma_wait3A_45 = arith.constant 0 : i32
      %dma_wait3A_46 = tpu.memref_slice %arg4[%add3A, %dma_wait3A_44, %dma_wait3A_45] : memref<32x79x128xi32, #tpu.memory_space<hbm>> -> memref<1x79x128xi32, #tpu.memory_space<hbm>>
      %dma_wait3A_47 = tpu.memref_squeeze %dma_wait3A_46 : memref<1x79x128xi32, #tpu.memory_space<hbm>> -> memref<79x128xi32, #tpu.memory_space<hbm>>
      tpu.wait_dma2 semaphore(%run_scoped3A : memref<!tpu.dma_semaphore, #tpu.memory_space<semaphore_mem>>) src(%dma_wait3A_47 : memref<79x128xi32, #tpu.memory_space<hbm>>) dst(%arg8 : memref<79x128xi32, #tpu.memory_space<vmem>>)
      tpu.yield
    }) : () -> ()
    %broadcast_in_dim3A_25 = arith.constant 1.000000e+00 : f32
    %broadcast_in_dim3A_26 = vector.broadcast %broadcast_in_dim3A_25 : f32 to vector<16xf32>
    %scan3A_27 = arith.constant 0 : i32
    %scan3A_28 = arith.constant 0 : i32
    %scan3A_29 = arith.constant 79 : i32
    %scan3A_30 = arith.addi %scan3A_28, %scan3A_29 : i32
    %scan3A_31 = arith.constant 1 : i32
    scf.for %scan3A_34 = %scan3A_28 to %scan3A_30 step %scan3A_31  : i32 {
      %dma_start3A = arith.constant 0 : i32
      %dma_start3A_35 = tpu.memref_slice %arg7[%scan3A_34, %dma_start3A] : memref<79x128xi32, #tpu.memory_space<vmem>> -> memref<1x128xi32, #tpu.memory_space<vmem>>
      %dma_start3A_36 = tpu.memref_squeeze %dma_start3A_35 : memref<1x128xi32, #tpu.memory_space<vmem>> -> memref<128xi32, #tpu.memory_space<vmem>>
      %dma_start3A_37 = arith.constant 0 : i32
      %dma_start3A_38 = arith.constant 0 : i32
      %dma_start3A_39 = tpu.memref_slice %arg2[%dma_start3A_37, %dma_start3A_38] : memref<10240x128xf32, #tpu.memory_space<hbm>> -> memref<10240x128xf32, #tpu.memory_space<hbm>>
      tpu.enqueue_indirect_dma source(%dma_start3A_39 : memref<10240x128xf32, #tpu.memory_space<hbm>>) target(%arg9 : memref<128x128xf32, #tpu.memory_space<vmem>>) offsets(%dma_start3A_36 : memref<128xi32, #tpu.memory_space<vmem>>) semaphore(%arg12 : memref<!tpu.dma_semaphore, #tpu.memory_space<semaphore_mem>>)
      %dma_wait3A = arith.constant 0 : i32
      %dma_wait3A_40 = tpu.memref_slice %arg7[%scan3A_34, %dma_wait3A] : memref<79x128xi32, #tpu.memory_space<vmem>> -> memref<1x128xi32, #tpu.memory_space<vmem>>
      %dma_wait3A_41 = tpu.memref_squeeze %dma_wait3A_40 : memref<1x128xi32, #tpu.memory_space<vmem>> -> memref<128xi32, #tpu.memory_space<vmem>>
      %dma_wait3A_42 = arith.constant 0 : i32
      %dma_wait3A_43 = arith.constant 0 : i32
      %dma_wait3A_44 = tpu.memref_slice %arg2[%dma_wait3A_42, %dma_wait3A_43] : memref<10240x128xf32, #tpu.memory_space<hbm>> -> memref<10240x128xf32, #tpu.memory_space<hbm>>
      tpu.wait_indirect_dma semaphore(%arg12 : memref<!tpu.dma_semaphore, #tpu.memory_space<semaphore_mem>>) src(%dma_wait3A_44 : memref<10240x128xf32, #tpu.memory_space<hbm>>) dst(%arg9 : memref<128x128xf32, #tpu.memory_space<vmem>>)
      "tpu.region"() ({
        %run_scoped3A = tpu.sem_alloc : memref<!tpu.dma_semaphore, #tpu.memory_space<semaphore_mem>>
        %dma_start3A_68 = arith.constant 0 : i32
        %dma_start3A_69 = tpu.memref_slice %arg8[%scan3A_34, %dma_start3A_68] : memref<79x128xi32, #tpu.memory_space<vmem>> -> memref<1x128xi32, #tpu.memory_space<vmem>>
        %dma_start3A_70 = tpu.memref_squeeze %dma_start3A_69 : memref<1x128xi32, #tpu.memory_space<vmem>> -> memref<128xi32, #tpu.memory_space<vmem>>
        %dma_start3A_71 = arith.constant 0 : i32
        %dma_start3A_72 = arith.constant 0 : i32
        %dma_start3A_73 = tpu.memref_slice %arg11[%dma_start3A_71, %dma_start3A_72] : memref<10240x128xf32, #tpu.memory_space<vmem_shared>> -> memref<10240x128xf32, #tpu.memory_space<vmem_shared>>
        tpu.enqueue_indirect_dma source(%arg9 : memref<128x128xf32, #tpu.memory_space<vmem>>) target(%dma_start3A_73 : memref<10240x128xf32, #tpu.memory_space<vmem_shared>>) offsets(%dma_start3A_70 : memref<128xi32, #tpu.memory_space<vmem>>) semaphore(%run_scoped3A : memref<!tpu.dma_semaphore, #tpu.memory_space<semaphore_mem>>) {add = true}
        %dma_wait3A_74 = arith.constant 0 : i32
        %dma_wait3A_75 = tpu.memref_slice %arg8[%scan3A_34, %dma_wait3A_74] : memref<79x128xi32, #tpu.memory_space<vmem>> -> memref<1x128xi32, #tpu.memory_space<vmem>>
        %dma_wait3A_76 = tpu.memref_squeeze %dma_wait3A_75 : memref<1x128xi32, #tpu.memory_space<vmem>> -> memref<128xi32, #tpu.memory_space<vmem>>
        %dma_wait3A_77 = arith.constant 0 : i32
        %dma_wait3A_78 = arith.constant 0 : i32
        %dma_wait3A_79 = tpu.memref_slice %arg11[%dma_wait3A_77, %dma_wait3A_78] : memref<10240x128xf32, #tpu.memory_space<vmem_shared>> -> memref<10240x128xf32, #tpu.memory_space<vmem_shared>>
        tpu.wait_indirect_dma semaphore(%run_scoped3A : memref<!tpu.dma_semaphore, #tpu.memory_space<semaphore_mem>>) src(%arg9 : memref<128x128xf32, #tpu.memory_space<vmem>>) dst(%dma_wait3A_79 : memref<10240x128xf32, #tpu.memory_space<vmem_shared>>)
        tpu.yield
      }) : () -> ()
      %get3A = arith.index_cast %scan3A_34 : i32 to index
      %get3A_45 = arith.constant 0 : index
      %get3A_46 = tpu.vector_load %arg8[%get3A, %get3A_45] {strides = array<i32>} : memref<79x128xi32, #tpu.memory_space<vmem>>, vector<16xi32>,
      tpu.vector_store_idx %arg10[%get3A_46], %broadcast_in_dim3A_26 {add = true} : memref<10240xf32, #tpu.memory_space<vmem>>[vector<16xi32>], vector<16xf32>,
      %get3A_47 = arith.index_cast %scan3A_34 : i32 to index
      %get3A_48 = arith.constant 16 : index
      %get3A_49 = tpu.vector_load %arg8[%get3A_47, %get3A_48] {strides = array<i32>} : memref<79x128xi32, #tpu.memory_space<vmem>>, vector<16xi32>,
      tpu.vector_store_idx %arg10[%get3A_49], %broadcast_in_dim3A_26 {add = true} : memref<10240xf32, #tpu.memory_space<vmem>>[vector<16xi32>], vector<16xf32>,
      %get3A_50 = arith.index_cast %scan3A_34 : i32 to index
      %get3A_51 = arith.constant 32 : index
      %get3A_52 = tpu.vector_load %arg8[%get3A_50, %get3A_51] {strides = array<i32>} : memref<79x128xi32, #tpu.memory_space<vmem>>, vector<16xi32>,
      tpu.vector_store_idx %arg10[%get3A_52], %broadcast_in_dim3A_26 {add = true} : memref<10240xf32, #tpu.memory_space<vmem>>[vector<16xi32>], vector<16xf32>,
      %get3A_53 = arith.index_cast %scan3A_34 : i32 to index
      %get3A_54 = arith.constant 48 : index
      %get3A_55 = tpu.vector_load %arg8[%get3A_53, %get3A_54] {strides = array<i32>} : memref<79x128xi32, #tpu.memory_space<vmem>>, vector<16xi32>,
      tpu.vector_store_idx %arg10[%get3A_55], %broadcast_in_dim3A_26 {add = true} : memref<10240xf32, #tpu.memory_space<vmem>>[vector<16xi32>], vector<16xf32>,
      %get3A_56 = arith.index_cast %scan3A_34 : i32 to index
      %get3A_57 = arith.constant 64 : index
      %get3A_58 = tpu.vector_load %arg8[%get3A_56, %get3A_57] {strides = array<i32>} : memref<79x128xi32, #tpu.memory_space<vmem>>, vector<16xi32>,
      tpu.vector_store_idx %arg10[%get3A_58], %broadcast_in_dim3A_26 {add = true} : memref<10240xf32, #tpu.memory_space<vmem>>[vector<16xi32>], vector<16xf32>,
      %get3A_59 = arith.index_cast %scan3A_34 : i32 to index
      %get3A_60 = arith.constant 80 : index
      %get3A_61 = tpu.vector_load %arg8[%get3A_59, %get3A_60] {strides = array<i32>} : memref<79x128xi32, #tpu.memory_space<vmem>>, vector<16xi32>,
      tpu.vector_store_idx %arg10[%get3A_61], %broadcast_in_dim3A_26 {add = true} : memref<10240xf32, #tpu.memory_space<vmem>>[vector<16xi32>], vector<16xf32>,
      %get3A_62 = arith.index_cast %scan3A_34 : i32 to index
      %get3A_63 = arith.constant 96 : index
      %get3A_64 = tpu.vector_load %arg8[%get3A_62, %get3A_63] {strides = array<i32>} : memref<79x128xi32, #tpu.memory_space<vmem>>, vector<16xi32>,
      tpu.vector_store_idx %arg10[%get3A_64], %broadcast_in_dim3A_26 {add = true} : memref<10240xf32, #tpu.memory_space<vmem>>[vector<16xi32>], vector<16xf32>,
      %get3A_65 = arith.index_cast %scan3A_34 : i32 to index
      %get3A_66 = arith.constant 112 : index
      %get3A_67 = tpu.vector_load %arg8[%get3A_65, %get3A_66] {strides = array<i32>} : memref<79x128xi32, #tpu.memory_space<vmem>>, vector<16xi32>,
      tpu.vector_store_idx %arg10[%get3A_67], %broadcast_in_dim3A_26 {add = true} : memref<10240xf32, #tpu.memory_space<vmem>>[vector<16xi32>], vector<16xf32>,
    }
    %scan3A_32 = arith.constant 79 : i32
    %barrier3A_33 = arith.constant 0 : index
    tpu.barrier barrier_id(%barrier3A_33)
    "tpu.region"() ({
      %run_scoped3A = tpu.sem_alloc : memref<!tpu.dma_semaphore, #tpu.memory_space<semaphore_mem>>
      %dma_start3A = arith.constant 0 : i32
      %dma_start3A_34 = tpu.memref_slice %arg5[%arg0, %mul3A_14, %dma_start3A] : memref<2x10240x128xf32, #tpu.memory_space<hbm>> -> memref<1x640x128xf32, #tpu.memory_space<hbm>>
      %dma_start3A_35 = tpu.memref_squeeze %dma_start3A_34 : memref<1x640x128xf32, #tpu.memory_space<hbm>> -> memref<640x128xf32, #tpu.memory_space<hbm>>
      %dma_start3A_36 = arith.constant 0 : i32
      %dma_start3A_37 = tpu.memref_slice %arg11[%mul3A_14, %dma_start3A_36] : memref<10240x128xf32, #tpu.memory_space<vmem_shared>> -> memref<640x128xf32, #tpu.memory_space<vmem_shared>>
      tpu.enqueue_dma source(%dma_start3A_37 : memref<640x128xf32, #tpu.memory_space<vmem_shared>>) target(%dma_start3A_35 : memref<640x128xf32, #tpu.memory_space<hbm>>) target_semaphore(%run_scoped3A : memref<!tpu.dma_semaphore, #tpu.memory_space<semaphore_mem>>)
      %dma_wait3A = arith.constant 0 : i32
      %dma_wait3A_38 = tpu.memref_slice %arg5[%arg0, %mul3A_14, %dma_wait3A] : memref<2x10240x128xf32, #tpu.memory_space<hbm>> -> memref<1x640x128xf32, #tpu.memory_space<hbm>>
      %dma_wait3A_39 = tpu.memref_squeeze %dma_wait3A_38 : memref<1x640x128xf32, #tpu.memory_space<hbm>> -> memref<640x128xf32, #tpu.memory_space<hbm>>
      %dma_wait3A_40 = arith.constant 0 : i32
      %dma_wait3A_41 = tpu.memref_slice %arg11[%mul3A_14, %dma_wait3A_40] : memref<10240x128xf32, #tpu.memory_space<vmem_shared>> -> memref<640x128xf32, #tpu.memory_space<vmem_shared>>
      tpu.wait_dma2 semaphore(%run_scoped3A : memref<!tpu.dma_semaphore, #tpu.memory_space<semaphore_mem>>) src(%dma_wait3A_41 : memref<640x128xf32, #tpu.memory_space<vmem_shared>>) dst(%dma_wait3A_39 : memref<640x128xf32, #tpu.memory_space<hbm>>)
      tpu.yield
    }) : () -> ()
    "tpu.region"() ({
      %run_scoped3A = tpu.sem_alloc : memref<!tpu.dma_semaphore, #tpu.memory_space<semaphore_mem>>
      %dma_start3A = arith.constant 0 : i32
      %dma_start3A_34 = tpu.memref_slice %arg6[%add3A, %dma_start3A] : memref<32x10240xf32, #tpu.memory_space<hbm>> -> memref<1x10240xf32, #tpu.memory_space<hbm>>
      %dma_start3A_35 = tpu.memref_squeeze %dma_start3A_34 : memref<1x10240xf32, #tpu.memory_space<hbm>> -> memref<10240xf32, #tpu.memory_space<hbm>>
      %dma_start3A_36 = arith.constant 0 : i32
      %dma_start3A_37 = tpu.memref_slice %arg6[%add3A, %dma_start3A_36] : memref<32x10240xf32, #tpu.memory_space<hbm>> -> memref<1x10240xf32, #tpu.memory_space<hbm>>
      %dma_start3A_38 = tpu.memref_squeeze %dma_start3A_37 : memref<1x10240xf32, #tpu.memory_space<hbm>> -> memref<10240xf32, #tpu.memory_space<hbm>>
      tpu.enqueue_dma source(%arg10 : memref<10240xf32, #tpu.memory_space<vmem>>) target(%dma_start3A_38 : memref<10240xf32, #tpu.memory_space<hbm>>) target_semaphore(%run_scoped3A : memref<!tpu.dma_semaphore, #tpu.memory_space<semaphore_mem>>)
      %dma_wait3A = arith.constant 0 : i32
      %dma_wait3A_39 = tpu.memref_slice %arg6[%add3A, %dma_wait3A] : memref<32x10240xf32, #tpu.memory_space<hbm>> -> memref<1x10240xf32, #tpu.memory_space<hbm>>
      %dma_wait3A_40 = tpu.memref_squeeze %dma_wait3A_39 : memref<1x10240xf32, #tpu.memory_space<hbm>> -> memref<10240xf32, #tpu.memory_space<hbm>>
      %dma_wait3A_41 = arith.constant 0 : i32
      %dma_wait3A_42 = tpu.memref_slice %arg6[%add3A, %dma_wait3A_41] : memref<32x10240xf32, #tpu.memory_space<hbm>> -> memref<1x10240xf32, #tpu.memory_space<hbm>>
      %dma_wait3A_43 = tpu.memref_squeeze %dma_wait3A_42 : memref<1x10240xf32, #tpu.memory_space<hbm>> -> memref<10240xf32, #tpu.memory_space<hbm>>
      tpu.wait_dma2 semaphore(%run_scoped3A : memref<!tpu.dma_semaphore, #tpu.memory_space<semaphore_mem>>) src(%arg10 : memref<10240xf32, #tpu.memory_space<vmem>>) dst(%dma_wait3A_43 : memref<10240xf32, #tpu.memory_space<hbm>>)
      tpu.yield
    }) : () -> ()
    return
  }
}

#map = affine_map<(d0, d1) -> (0, 0)>
#map1 = affine_map<(d0, d1) -> (0, 0, 0)>
module attributes {stable_mosaic.version = 14 : i64} {
  func.func @_sc_agg_body(%arg0: i32, %arg1: i32, %arg2: memref<10240x128xf32, #tpu.memory_space<hbm>>, %arg3: memref<32x40x128xi32, #tpu.memory_space<hbm>>, %arg4: memref<32x40x128xi32, #tpu.memory_space<hbm>>, %arg5: memref<2x10240x128xf32, #tpu.memory_space<hbm>>, %arg6: memref<32x10240xf32, #tpu.memory_space<hbm>>, %arg7: memref<40x128xi32, #tpu.memory_space<vmem>>, %arg8: memref<40x128xi32, #tpu.memory_space<vmem>>, %arg9: memref<128x128xf32, #tpu.memory_space<vmem>>, %arg10: memref<10240xf32, #tpu.memory_space<vmem>>, %arg11: memref<10240x128xf32, #tpu.memory_space<vmem_shared>>, %arg12: memref<!tpu.dma_semaphore, #tpu.memory_space<semaphore_mem>>) attributes {dimension_semantics = [#tpu.dimension_semantics<core_parallel>, #tpu.dimension_semantics<subcore_parallel>], iteration_bounds = array<i64: 2, 16>, scalar_prefetch = 0 : i64, scratch_operands = 6 : i64, tpu.core_type = #tpu.core_type<sc_vector_subcore>, window_params = [{transform_indices = #map}, {transform_indices = #map1}, {transform_indices = #map1}, {transform_indices = #map1}, {transform_indices = #map}]} {
    %mul3A = arith.constant 2 : i32
    %mul3A_0 = arith.muli %arg1, %mul3A : i32
    %add3A = arith.addi %mul3A_0, %arg0 : i32
    %broadcast_in_dim3A = arith.constant 0.000000e+00 : f32
    %broadcast_in_dim3A_1 = vector.broadcast %broadcast_in_dim3A : f32 to vector<16xf32>
    %scan3A = arith.constant 0 : i32
    %scan3A_2 = arith.constant 0 : i32
    %scan3A_3 = arith.constant 128 : i32
    %scan3A_4 = arith.addi %scan3A_2, %scan3A_3 : i32
    %scan3A_5 = arith.constant 1 : i32
    scf.for %scan3A_34 = %scan3A_2 to %scan3A_4 step %scan3A_5  : i32 {
      %swap3A = arith.index_cast %scan3A_34 : i32 to index
      %swap3A_35 = arith.constant 0 : index
      %swap3A_36 = tpu.vector_load %arg9[%swap3A, %swap3A_35] {strides = array<i32>} : memref<128x128xf32, #tpu.memory_space<vmem>>, vector<16xf32>,
      tpu.vector_store %arg9[%swap3A, %swap3A_35], %broadcast_in_dim3A_1 {strides = array<i32>} : memref<128x128xf32, #tpu.memory_space<vmem>>, vector<16xf32>,
      %swap3A_37 = arith.index_cast %scan3A_34 : i32 to index
      %swap3A_38 = arith.constant 16 : index
      %swap3A_39 = tpu.vector_load %arg9[%swap3A_37, %swap3A_38] {strides = array<i32>} : memref<128x128xf32, #tpu.memory_space<vmem>>, vector<16xf32>,
      tpu.vector_store %arg9[%swap3A_37, %swap3A_38], %broadcast_in_dim3A_1 {strides = array<i32>} : memref<128x128xf32, #tpu.memory_space<vmem>>, vector<16xf32>,
      %swap3A_40 = arith.index_cast %scan3A_34 : i32 to index
      %swap3A_41 = arith.constant 32 : index
      %swap3A_42 = tpu.vector_load %arg9[%swap3A_40, %swap3A_41] {strides = array<i32>} : memref<128x128xf32, #tpu.memory_space<vmem>>, vector<16xf32>,
      tpu.vector_store %arg9[%swap3A_40, %swap3A_41], %broadcast_in_dim3A_1 {strides = array<i32>} : memref<128x128xf32, #tpu.memory_space<vmem>>, vector<16xf32>,
      %swap3A_43 = arith.index_cast %scan3A_34 : i32 to index
      %swap3A_44 = arith.constant 48 : index
      %swap3A_45 = tpu.vector_load %arg9[%swap3A_43, %swap3A_44] {strides = array<i32>} : memref<128x128xf32, #tpu.memory_space<vmem>>, vector<16xf32>,
      tpu.vector_store %arg9[%swap3A_43, %swap3A_44], %broadcast_in_dim3A_1 {strides = array<i32>} : memref<128x128xf32, #tpu.memory_space<vmem>>, vector<16xf32>,
      %swap3A_46 = arith.index_cast %scan3A_34 : i32 to index
      %swap3A_47 = arith.constant 64 : index
      %swap3A_48 = tpu.vector_load %arg9[%swap3A_46, %swap3A_47] {strides = array<i32>} : memref<128x128xf32, #tpu.memory_space<vmem>>, vector<16xf32>,
      tpu.vector_store %arg9[%swap3A_46, %swap3A_47], %broadcast_in_dim3A_1 {strides = array<i32>} : memref<128x128xf32, #tpu.memory_space<vmem>>, vector<16xf32>,
      %swap3A_49 = arith.index_cast %scan3A_34 : i32 to index
      %swap3A_50 = arith.constant 80 : index
      %swap3A_51 = tpu.vector_load %arg9[%swap3A_49, %swap3A_50] {strides = array<i32>} : memref<128x128xf32, #tpu.memory_space<vmem>>, vector<16xf32>,
      tpu.vector_store %arg9[%swap3A_49, %swap3A_50], %broadcast_in_dim3A_1 {strides = array<i32>} : memref<128x128xf32, #tpu.memory_space<vmem>>, vector<16xf32>,
      %swap3A_52 = arith.index_cast %scan3A_34 : i32 to index
      %swap3A_53 = arith.constant 96 : index
      %swap3A_54 = tpu.vector_load %arg9[%swap3A_52, %swap3A_53] {strides = array<i32>} : memref<128x128xf32, #tpu.memory_space<vmem>>, vector<16xf32>,
      tpu.vector_store %arg9[%swap3A_52, %swap3A_53], %broadcast_in_dim3A_1 {strides = array<i32>} : memref<128x128xf32, #tpu.memory_space<vmem>>, vector<16xf32>,
      %swap3A_55 = arith.index_cast %scan3A_34 : i32 to index
      %swap3A_56 = arith.constant 112 : index
      %swap3A_57 = tpu.vector_load %arg9[%swap3A_55, %swap3A_56] {strides = array<i32>} : memref<128x128xf32, #tpu.memory_space<vmem>>, vector<16xf32>,
      tpu.vector_store %arg9[%swap3A_55, %swap3A_56], %broadcast_in_dim3A_1 {strides = array<i32>} : memref<128x128xf32, #tpu.memory_space<vmem>>, vector<16xf32>,
    }
    %scan3A_6 = arith.constant 128 : i32
    %scan3A_7 = arith.constant 0 : i32
    %scan3A_8 = arith.constant 0 : i32
    %scan3A_9 = arith.constant 640 : i32
    %scan3A_10 = arith.addi %scan3A_8, %scan3A_9 : i32
    %scan3A_11 = arith.constant 1 : i32
    scf.for %scan3A_34 = %scan3A_8 to %scan3A_10 step %scan3A_11  : i32 {
      %mul3A_35 = arith.constant 16 : i32
      %mul3A_36 = arith.muli %scan3A_34, %mul3A_35 : i32
      %swap3A = arith.index_cast %mul3A_36 : i32 to index
      %swap3A_37 = tpu.vector_load %arg10[%swap3A] {strides = array<i32>} : memref<10240xf32, #tpu.memory_space<vmem>>, vector<16xf32>,
      tpu.vector_store %arg10[%swap3A], %broadcast_in_dim3A_1 {strides = array<i32>} : memref<10240xf32, #tpu.memory_space<vmem>>, vector<16xf32>,
    }
    %scan3A_12 = arith.constant 640 : i32
    %mul3A_13 = arith.constant 640 : i32
    %mul3A_14 = arith.muli %arg1, %mul3A_13 : i32
    %add3A_15 = arith.constant 0 : i32
    %add3A_16 = arith.addi %mul3A_14, %add3A_15 : i32
    "tpu.region"() ({
      %run_scoped3A = tpu.sem_alloc : memref<!tpu.dma_semaphore, #tpu.memory_space<semaphore_mem>>
      %dma_start3A = arith.constant 0 : i32
      %dma_start3A_34 = tpu.memref_slice %arg11[%add3A_16, %dma_start3A] : memref<10240x128xf32, #tpu.memory_space<vmem_shared>> -> memref<128x128xf32, #tpu.memory_space<vmem_shared>>
      %dma_start3A_35 = arith.constant 0 : i32
      %dma_start3A_36 = tpu.memref_slice %arg11[%add3A_16, %dma_start3A_35] : memref<10240x128xf32, #tpu.memory_space<vmem_shared>> -> memref<128x128xf32, #tpu.memory_space<vmem_shared>>
      tpu.enqueue_dma source(%arg9 : memref<128x128xf32, #tpu.memory_space<vmem>>) target(%dma_start3A_36 : memref<128x128xf32, #tpu.memory_space<vmem_shared>>) target_semaphore(%run_scoped3A : memref<!tpu.dma_semaphore, #tpu.memory_space<semaphore_mem>>)
      %dma_wait3A = arith.constant 0 : i32
      %dma_wait3A_37 = tpu.memref_slice %arg11[%add3A_16, %dma_wait3A] : memref<10240x128xf32, #tpu.memory_space<vmem_shared>> -> memref<128x128xf32, #tpu.memory_space<vmem_shared>>
      %dma_wait3A_38 = arith.constant 0 : i32
      %dma_wait3A_39 = tpu.memref_slice %arg11[%add3A_16, %dma_wait3A_38] : memref<10240x128xf32, #tpu.memory_space<vmem_shared>> -> memref<128x128xf32, #tpu.memory_space<vmem_shared>>
      tpu.wait_dma2 semaphore(%run_scoped3A : memref<!tpu.dma_semaphore, #tpu.memory_space<semaphore_mem>>) src(%arg9 : memref<128x128xf32, #tpu.memory_space<vmem>>) dst(%dma_wait3A_39 : memref<128x128xf32, #tpu.memory_space<vmem_shared>>)
      tpu.yield
    }) : () -> ()
    %add3A_17 = arith.constant 128 : i32
    %add3A_18 = arith.addi %mul3A_14, %add3A_17 : i32
    "tpu.region"() ({
      %run_scoped3A = tpu.sem_alloc : memref<!tpu.dma_semaphore, #tpu.memory_space<semaphore_mem>>
      %dma_start3A = arith.constant 0 : i32
      %dma_start3A_34 = tpu.memref_slice %arg11[%add3A_18, %dma_start3A] : memref<10240x128xf32, #tpu.memory_space<vmem_shared>> -> memref<128x128xf32, #tpu.memory_space<vmem_shared>>
      %dma_start3A_35 = arith.constant 0 : i32
      %dma_start3A_36 = tpu.memref_slice %arg11[%add3A_18, %dma_start3A_35] : memref<10240x128xf32, #tpu.memory_space<vmem_shared>> -> memref<128x128xf32, #tpu.memory_space<vmem_shared>>
      tpu.enqueue_dma source(%arg9 : memref<128x128xf32, #tpu.memory_space<vmem>>) target(%dma_start3A_36 : memref<128x128xf32, #tpu.memory_space<vmem_shared>>) target_semaphore(%run_scoped3A : memref<!tpu.dma_semaphore, #tpu.memory_space<semaphore_mem>>)
      %dma_wait3A = arith.constant 0 : i32
      %dma_wait3A_37 = tpu.memref_slice %arg11[%add3A_18, %dma_wait3A] : memref<10240x128xf32, #tpu.memory_space<vmem_shared>> -> memref<128x128xf32, #tpu.memory_space<vmem_shared>>
      %dma_wait3A_38 = arith.constant 0 : i32
      %dma_wait3A_39 = tpu.memref_slice %arg11[%add3A_18, %dma_wait3A_38] : memref<10240x128xf32, #tpu.memory_space<vmem_shared>> -> memref<128x128xf32, #tpu.memory_space<vmem_shared>>
      tpu.wait_dma2 semaphore(%run_scoped3A : memref<!tpu.dma_semaphore, #tpu.memory_space<semaphore_mem>>) src(%arg9 : memref<128x128xf32, #tpu.memory_space<vmem>>) dst(%dma_wait3A_39 : memref<128x128xf32, #tpu.memory_space<vmem_shared>>)
      tpu.yield
    }) : () -> ()
    %add3A_19 = arith.constant 256 : i32
    %add3A_20 = arith.addi %mul3A_14, %add3A_19 : i32
    "tpu.region"() ({
      %run_scoped3A = tpu.sem_alloc : memref<!tpu.dma_semaphore, #tpu.memory_space<semaphore_mem>>
      %dma_start3A = arith.constant 0 : i32
      %dma_start3A_34 = tpu.memref_slice %arg11[%add3A_20, %dma_start3A] : memref<10240x128xf32, #tpu.memory_space<vmem_shared>> -> memref<128x128xf32, #tpu.memory_space<vmem_shared>>
      %dma_start3A_35 = arith.constant 0 : i32
      %dma_start3A_36 = tpu.memref_slice %arg11[%add3A_20, %dma_start3A_35] : memref<10240x128xf32, #tpu.memory_space<vmem_shared>> -> memref<128x128xf32, #tpu.memory_space<vmem_shared>>
      tpu.enqueue_dma source(%arg9 : memref<128x128xf32, #tpu.memory_space<vmem>>) target(%dma_start3A_36 : memref<128x128xf32, #tpu.memory_space<vmem_shared>>) target_semaphore(%run_scoped3A : memref<!tpu.dma_semaphore, #tpu.memory_space<semaphore_mem>>)
      %dma_wait3A = arith.constant 0 : i32
      %dma_wait3A_37 = tpu.memref_slice %arg11[%add3A_20, %dma_wait3A] : memref<10240x128xf32, #tpu.memory_space<vmem_shared>> -> memref<128x128xf32, #tpu.memory_space<vmem_shared>>
      %dma_wait3A_38 = arith.constant 0 : i32
      %dma_wait3A_39 = tpu.memref_slice %arg11[%add3A_20, %dma_wait3A_38] : memref<10240x128xf32, #tpu.memory_space<vmem_shared>> -> memref<128x128xf32, #tpu.memory_space<vmem_shared>>
      tpu.wait_dma2 semaphore(%run_scoped3A : memref<!tpu.dma_semaphore, #tpu.memory_space<semaphore_mem>>) src(%arg9 : memref<128x128xf32, #tpu.memory_space<vmem>>) dst(%dma_wait3A_39 : memref<128x128xf32, #tpu.memory_space<vmem_shared>>)
      tpu.yield
    }) : () -> ()
    %add3A_21 = arith.constant 384 : i32
    %add3A_22 = arith.addi %mul3A_14, %add3A_21 : i32
    "tpu.region"() ({
      %run_scoped3A = tpu.sem_alloc : memref<!tpu.dma_semaphore, #tpu.memory_space<semaphore_mem>>
      %dma_start3A = arith.constant 0 : i32
      %dma_start3A_34 = tpu.memref_slice %arg11[%add3A_22, %dma_start3A] : memref<10240x128xf32, #tpu.memory_space<vmem_shared>> -> memref<128x128xf32, #tpu.memory_space<vmem_shared>>
      %dma_start3A_35 = arith.constant 0 : i32
      %dma_start3A_36 = tpu.memref_slice %arg11[%add3A_22, %dma_start3A_35] : memref<10240x128xf32, #tpu.memory_space<vmem_shared>> -> memref<128x128xf32, #tpu.memory_space<vmem_shared>>
      tpu.enqueue_dma source(%arg9 : memref<128x128xf32, #tpu.memory_space<vmem>>) target(%dma_start3A_36 : memref<128x128xf32, #tpu.memory_space<vmem_shared>>) target_semaphore(%run_scoped3A : memref<!tpu.dma_semaphore, #tpu.memory_space<semaphore_mem>>)
      %dma_wait3A = arith.constant 0 : i32
      %dma_wait3A_37 = tpu.memref_slice %arg11[%add3A_22, %dma_wait3A] : memref<10240x128xf32, #tpu.memory_space<vmem_shared>> -> memref<128x128xf32, #tpu.memory_space<vmem_shared>>
      %dma_wait3A_38 = arith.constant 0 : i32
      %dma_wait3A_39 = tpu.memref_slice %arg11[%add3A_22, %dma_wait3A_38] : memref<10240x128xf32, #tpu.memory_space<vmem_shared>> -> memref<128x128xf32, #tpu.memory_space<vmem_shared>>
      tpu.wait_dma2 semaphore(%run_scoped3A : memref<!tpu.dma_semaphore, #tpu.memory_space<semaphore_mem>>) src(%arg9 : memref<128x128xf32, #tpu.memory_space<vmem>>) dst(%dma_wait3A_39 : memref<128x128xf32, #tpu.memory_space<vmem_shared>>)
      tpu.yield
    }) : () -> ()
    %add3A_23 = arith.constant 512 : i32
    %add3A_24 = arith.addi %mul3A_14, %add3A_23 : i32
    "tpu.region"() ({
      %run_scoped3A = tpu.sem_alloc : memref<!tpu.dma_semaphore, #tpu.memory_space<semaphore_mem>>
      %dma_start3A = arith.constant 0 : i32
      %dma_start3A_34 = tpu.memref_slice %arg11[%add3A_24, %dma_start3A] : memref<10240x128xf32, #tpu.memory_space<vmem_shared>> -> memref<128x128xf32, #tpu.memory_space<vmem_shared>>
      %dma_start3A_35 = arith.constant 0 : i32
      %dma_start3A_36 = tpu.memref_slice %arg11[%add3A_24, %dma_start3A_35] : memref<10240x128xf32, #tpu.memory_space<vmem_shared>> -> memref<128x128xf32, #tpu.memory_space<vmem_shared>>
      tpu.enqueue_dma source(%arg9 : memref<128x128xf32, #tpu.memory_space<vmem>>) target(%dma_start3A_36 : memref<128x128xf32, #tpu.memory_space<vmem_shared>>) target_semaphore(%run_scoped3A : memref<!tpu.dma_semaphore, #tpu.memory_space<semaphore_mem>>)
      %dma_wait3A = arith.constant 0 : i32
      %dma_wait3A_37 = tpu.memref_slice %arg11[%add3A_24, %dma_wait3A] : memref<10240x128xf32, #tpu.memory_space<vmem_shared>> -> memref<128x128xf32, #tpu.memory_space<vmem_shared>>
      %dma_wait3A_38 = arith.constant 0 : i32
      %dma_wait3A_39 = tpu.memref_slice %arg11[%add3A_24, %dma_wait3A_38] : memref<10240x128xf32, #tpu.memory_space<vmem_shared>> -> memref<128x128xf32, #tpu.memory_space<vmem_shared>>
      tpu.wait_dma2 semaphore(%run_scoped3A : memref<!tpu.dma_semaphore, #tpu.memory_space<semaphore_mem>>) src(%arg9 : memref<128x128xf32, #tpu.memory_space<vmem>>) dst(%dma_wait3A_39 : memref<128x128xf32, #tpu.memory_space<vmem_shared>>)
      tpu.yield
    }) : () -> ()
    %barrier3A = arith.constant 0 : index
    tpu.barrier barrier_id(%barrier3A)
    "tpu.region"() ({
      %run_scoped3A = tpu.sem_alloc : memref<!tpu.dma_semaphore, #tpu.memory_space<semaphore_mem>>
      %dma_start3A = arith.constant 0 : i32
      %dma_start3A_34 = arith.constant 0 : i32
      %dma_start3A_35 = tpu.memref_slice %arg3[%add3A, %dma_start3A, %dma_start3A_34] : memref<32x40x128xi32, #tpu.memory_space<hbm>> -> memref<1x40x128xi32, #tpu.memory_space<hbm>>
      %dma_start3A_36 = tpu.memref_squeeze %dma_start3A_35 : memref<1x40x128xi32, #tpu.memory_space<hbm>> -> memref<40x128xi32, #tpu.memory_space<hbm>>
      %dma_start3A_37 = arith.constant 0 : i32
      %dma_start3A_38 = arith.constant 0 : i32
      %dma_start3A_39 = tpu.memref_slice %arg3[%add3A, %dma_start3A_37, %dma_start3A_38] : memref<32x40x128xi32, #tpu.memory_space<hbm>> -> memref<1x40x128xi32, #tpu.memory_space<hbm>>
      %dma_start3A_40 = tpu.memref_squeeze %dma_start3A_39 : memref<1x40x128xi32, #tpu.memory_space<hbm>> -> memref<40x128xi32, #tpu.memory_space<hbm>>
      tpu.enqueue_dma source(%dma_start3A_40 : memref<40x128xi32, #tpu.memory_space<hbm>>) target(%arg7 : memref<40x128xi32, #tpu.memory_space<vmem>>) target_semaphore(%run_scoped3A : memref<!tpu.dma_semaphore, #tpu.memory_space<semaphore_mem>>)
      %dma_wait3A = arith.constant 0 : i32
      %dma_wait3A_41 = arith.constant 0 : i32
      %dma_wait3A_42 = tpu.memref_slice %arg3[%add3A, %dma_wait3A, %dma_wait3A_41] : memref<32x40x128xi32, #tpu.memory_space<hbm>> -> memref<1x40x128xi32, #tpu.memory_space<hbm>>
      %dma_wait3A_43 = tpu.memref_squeeze %dma_wait3A_42 : memref<1x40x128xi32, #tpu.memory_space<hbm>> -> memref<40x128xi32, #tpu.memory_space<hbm>>
      %dma_wait3A_44 = arith.constant 0 : i32
      %dma_wait3A_45 = arith.constant 0 : i32
      %dma_wait3A_46 = tpu.memref_slice %arg3[%add3A, %dma_wait3A_44, %dma_wait3A_45] : memref<32x40x128xi32, #tpu.memory_space<hbm>> -> memref<1x40x128xi32, #tpu.memory_space<hbm>>
      %dma_wait3A_47 = tpu.memref_squeeze %dma_wait3A_46 : memref<1x40x128xi32, #tpu.memory_space<hbm>> -> memref<40x128xi32, #tpu.memory_space<hbm>>
      tpu.wait_dma2 semaphore(%run_scoped3A : memref<!tpu.dma_semaphore, #tpu.memory_space<semaphore_mem>>) src(%dma_wait3A_47 : memref<40x128xi32, #tpu.memory_space<hbm>>) dst(%arg7 : memref<40x128xi32, #tpu.memory_space<vmem>>)
      tpu.yield
    }) : () -> ()
    "tpu.region"() ({
      %run_scoped3A = tpu.sem_alloc : memref<!tpu.dma_semaphore, #tpu.memory_space<semaphore_mem>>
      %dma_start3A = arith.constant 0 : i32
      %dma_start3A_34 = arith.constant 0 : i32
      %dma_start3A_35 = tpu.memref_slice %arg4[%add3A, %dma_start3A, %dma_start3A_34] : memref<32x40x128xi32, #tpu.memory_space<hbm>> -> memref<1x40x128xi32, #tpu.memory_space<hbm>>
      %dma_start3A_36 = tpu.memref_squeeze %dma_start3A_35 : memref<1x40x128xi32, #tpu.memory_space<hbm>> -> memref<40x128xi32, #tpu.memory_space<hbm>>
      %dma_start3A_37 = arith.constant 0 : i32
      %dma_start3A_38 = arith.constant 0 : i32
      %dma_start3A_39 = tpu.memref_slice %arg4[%add3A, %dma_start3A_37, %dma_start3A_38] : memref<32x40x128xi32, #tpu.memory_space<hbm>> -> memref<1x40x128xi32, #tpu.memory_space<hbm>>
      %dma_start3A_40 = tpu.memref_squeeze %dma_start3A_39 : memref<1x40x128xi32, #tpu.memory_space<hbm>> -> memref<40x128xi32, #tpu.memory_space<hbm>>
      tpu.enqueue_dma source(%dma_start3A_40 : memref<40x128xi32, #tpu.memory_space<hbm>>) target(%arg8 : memref<40x128xi32, #tpu.memory_space<vmem>>) target_semaphore(%run_scoped3A : memref<!tpu.dma_semaphore, #tpu.memory_space<semaphore_mem>>)
      %dma_wait3A = arith.constant 0 : i32
      %dma_wait3A_41 = arith.constant 0 : i32
      %dma_wait3A_42 = tpu.memref_slice %arg4[%add3A, %dma_wait3A, %dma_wait3A_41] : memref<32x40x128xi32, #tpu.memory_space<hbm>> -> memref<1x40x128xi32, #tpu.memory_space<hbm>>
      %dma_wait3A_43 = tpu.memref_squeeze %dma_wait3A_42 : memref<1x40x128xi32, #tpu.memory_space<hbm>> -> memref<40x128xi32, #tpu.memory_space<hbm>>
      %dma_wait3A_44 = arith.constant 0 : i32
      %dma_wait3A_45 = arith.constant 0 : i32
      %dma_wait3A_46 = tpu.memref_slice %arg4[%add3A, %dma_wait3A_44, %dma_wait3A_45] : memref<32x40x128xi32, #tpu.memory_space<hbm>> -> memref<1x40x128xi32, #tpu.memory_space<hbm>>
      %dma_wait3A_47 = tpu.memref_squeeze %dma_wait3A_46 : memref<1x40x128xi32, #tpu.memory_space<hbm>> -> memref<40x128xi32, #tpu.memory_space<hbm>>
      tpu.wait_dma2 semaphore(%run_scoped3A : memref<!tpu.dma_semaphore, #tpu.memory_space<semaphore_mem>>) src(%dma_wait3A_47 : memref<40x128xi32, #tpu.memory_space<hbm>>) dst(%arg8 : memref<40x128xi32, #tpu.memory_space<vmem>>)
      tpu.yield
    }) : () -> ()
    %broadcast_in_dim3A_25 = arith.constant 1.000000e+00 : f32
    %broadcast_in_dim3A_26 = vector.broadcast %broadcast_in_dim3A_25 : f32 to vector<16xf32>
    %scan3A_27 = arith.constant 0 : i32
    %scan3A_28 = arith.constant 0 : i32
    %scan3A_29 = arith.constant 40 : i32
    %scan3A_30 = arith.addi %scan3A_28, %scan3A_29 : i32
    %scan3A_31 = arith.constant 1 : i32
    scf.for %scan3A_34 = %scan3A_28 to %scan3A_30 step %scan3A_31  : i32 {
      %dma_start3A = arith.constant 0 : i32
      %dma_start3A_35 = tpu.memref_slice %arg7[%scan3A_34, %dma_start3A] : memref<40x128xi32, #tpu.memory_space<vmem>> -> memref<1x128xi32, #tpu.memory_space<vmem>>
      %dma_start3A_36 = tpu.memref_squeeze %dma_start3A_35 : memref<1x128xi32, #tpu.memory_space<vmem>> -> memref<128xi32, #tpu.memory_space<vmem>>
      %dma_start3A_37 = arith.constant 0 : i32
      %dma_start3A_38 = arith.constant 0 : i32
      %dma_start3A_39 = tpu.memref_slice %arg2[%dma_start3A_37, %dma_start3A_38] : memref<10240x128xf32, #tpu.memory_space<hbm>> -> memref<10240x128xf32, #tpu.memory_space<hbm>>
      tpu.enqueue_indirect_dma source(%dma_start3A_39 : memref<10240x128xf32, #tpu.memory_space<hbm>>) target(%arg9 : memref<128x128xf32, #tpu.memory_space<vmem>>) offsets(%dma_start3A_36 : memref<128xi32, #tpu.memory_space<vmem>>) semaphore(%arg12 : memref<!tpu.dma_semaphore, #tpu.memory_space<semaphore_mem>>)
      %dma_wait3A = arith.constant 0 : i32
      %dma_wait3A_40 = tpu.memref_slice %arg7[%scan3A_34, %dma_wait3A] : memref<40x128xi32, #tpu.memory_space<vmem>> -> memref<1x128xi32, #tpu.memory_space<vmem>>
      %dma_wait3A_41 = tpu.memref_squeeze %dma_wait3A_40 : memref<1x128xi32, #tpu.memory_space<vmem>> -> memref<128xi32, #tpu.memory_space<vmem>>
      %dma_wait3A_42 = arith.constant 0 : i32
      %dma_wait3A_43 = arith.constant 0 : i32
      %dma_wait3A_44 = tpu.memref_slice %arg2[%dma_wait3A_42, %dma_wait3A_43] : memref<10240x128xf32, #tpu.memory_space<hbm>> -> memref<10240x128xf32, #tpu.memory_space<hbm>>
      tpu.wait_indirect_dma semaphore(%arg12 : memref<!tpu.dma_semaphore, #tpu.memory_space<semaphore_mem>>) src(%dma_wait3A_44 : memref<10240x128xf32, #tpu.memory_space<hbm>>) dst(%arg9 : memref<128x128xf32, #tpu.memory_space<vmem>>)
      "tpu.region"() ({
        %run_scoped3A = tpu.sem_alloc : memref<!tpu.dma_semaphore, #tpu.memory_space<semaphore_mem>>
        %dma_start3A_68 = arith.constant 0 : i32
        %dma_start3A_69 = tpu.memref_slice %arg8[%scan3A_34, %dma_start3A_68] : memref<40x128xi32, #tpu.memory_space<vmem>> -> memref<1x128xi32, #tpu.memory_space<vmem>>
        %dma_start3A_70 = tpu.memref_squeeze %dma_start3A_69 : memref<1x128xi32, #tpu.memory_space<vmem>> -> memref<128xi32, #tpu.memory_space<vmem>>
        %dma_start3A_71 = arith.constant 0 : i32
        %dma_start3A_72 = arith.constant 0 : i32
        %dma_start3A_73 = tpu.memref_slice %arg11[%dma_start3A_71, %dma_start3A_72] : memref<10240x128xf32, #tpu.memory_space<vmem_shared>> -> memref<10240x128xf32, #tpu.memory_space<vmem_shared>>
        tpu.enqueue_indirect_dma source(%arg9 : memref<128x128xf32, #tpu.memory_space<vmem>>) target(%dma_start3A_73 : memref<10240x128xf32, #tpu.memory_space<vmem_shared>>) offsets(%dma_start3A_70 : memref<128xi32, #tpu.memory_space<vmem>>) semaphore(%run_scoped3A : memref<!tpu.dma_semaphore, #tpu.memory_space<semaphore_mem>>) {add = true}
        %dma_wait3A_74 = arith.constant 0 : i32
        %dma_wait3A_75 = tpu.memref_slice %arg8[%scan3A_34, %dma_wait3A_74] : memref<40x128xi32, #tpu.memory_space<vmem>> -> memref<1x128xi32, #tpu.memory_space<vmem>>
        %dma_wait3A_76 = tpu.memref_squeeze %dma_wait3A_75 : memref<1x128xi32, #tpu.memory_space<vmem>> -> memref<128xi32, #tpu.memory_space<vmem>>
        %dma_wait3A_77 = arith.constant 0 : i32
        %dma_wait3A_78 = arith.constant 0 : i32
        %dma_wait3A_79 = tpu.memref_slice %arg11[%dma_wait3A_77, %dma_wait3A_78] : memref<10240x128xf32, #tpu.memory_space<vmem_shared>> -> memref<10240x128xf32, #tpu.memory_space<vmem_shared>>
        tpu.wait_indirect_dma semaphore(%run_scoped3A : memref<!tpu.dma_semaphore, #tpu.memory_space<semaphore_mem>>) src(%arg9 : memref<128x128xf32, #tpu.memory_space<vmem>>) dst(%dma_wait3A_79 : memref<10240x128xf32, #tpu.memory_space<vmem_shared>>)
        tpu.yield
      }) : () -> ()
      %get3A = arith.index_cast %scan3A_34 : i32 to index
      %get3A_45 = arith.constant 0 : index
      %get3A_46 = tpu.vector_load %arg8[%get3A, %get3A_45] {strides = array<i32>} : memref<40x128xi32, #tpu.memory_space<vmem>>, vector<16xi32>,
      tpu.vector_store_idx %arg10[%get3A_46], %broadcast_in_dim3A_26 {add = true} : memref<10240xf32, #tpu.memory_space<vmem>>[vector<16xi32>], vector<16xf32>,
      %get3A_47 = arith.index_cast %scan3A_34 : i32 to index
      %get3A_48 = arith.constant 16 : index
      %get3A_49 = tpu.vector_load %arg8[%get3A_47, %get3A_48] {strides = array<i32>} : memref<40x128xi32, #tpu.memory_space<vmem>>, vector<16xi32>,
      tpu.vector_store_idx %arg10[%get3A_49], %broadcast_in_dim3A_26 {add = true} : memref<10240xf32, #tpu.memory_space<vmem>>[vector<16xi32>], vector<16xf32>,
      %get3A_50 = arith.index_cast %scan3A_34 : i32 to index
      %get3A_51 = arith.constant 32 : index
      %get3A_52 = tpu.vector_load %arg8[%get3A_50, %get3A_51] {strides = array<i32>} : memref<40x128xi32, #tpu.memory_space<vmem>>, vector<16xi32>,
      tpu.vector_store_idx %arg10[%get3A_52], %broadcast_in_dim3A_26 {add = true} : memref<10240xf32, #tpu.memory_space<vmem>>[vector<16xi32>], vector<16xf32>,
      %get3A_53 = arith.index_cast %scan3A_34 : i32 to index
      %get3A_54 = arith.constant 48 : index
      %get3A_55 = tpu.vector_load %arg8[%get3A_53, %get3A_54] {strides = array<i32>} : memref<40x128xi32, #tpu.memory_space<vmem>>, vector<16xi32>,
      tpu.vector_store_idx %arg10[%get3A_55], %broadcast_in_dim3A_26 {add = true} : memref<10240xf32, #tpu.memory_space<vmem>>[vector<16xi32>], vector<16xf32>,
      %get3A_56 = arith.index_cast %scan3A_34 : i32 to index
      %get3A_57 = arith.constant 64 : index
      %get3A_58 = tpu.vector_load %arg8[%get3A_56, %get3A_57] {strides = array<i32>} : memref<40x128xi32, #tpu.memory_space<vmem>>, vector<16xi32>,
      tpu.vector_store_idx %arg10[%get3A_58], %broadcast_in_dim3A_26 {add = true} : memref<10240xf32, #tpu.memory_space<vmem>>[vector<16xi32>], vector<16xf32>,
      %get3A_59 = arith.index_cast %scan3A_34 : i32 to index
      %get3A_60 = arith.constant 80 : index
      %get3A_61 = tpu.vector_load %arg8[%get3A_59, %get3A_60] {strides = array<i32>} : memref<40x128xi32, #tpu.memory_space<vmem>>, vector<16xi32>,
      tpu.vector_store_idx %arg10[%get3A_61], %broadcast_in_dim3A_26 {add = true} : memref<10240xf32, #tpu.memory_space<vmem>>[vector<16xi32>], vector<16xf32>,
      %get3A_62 = arith.index_cast %scan3A_34 : i32 to index
      %get3A_63 = arith.constant 96 : index
      %get3A_64 = tpu.vector_load %arg8[%get3A_62, %get3A_63] {strides = array<i32>} : memref<40x128xi32, #tpu.memory_space<vmem>>, vector<16xi32>,
      tpu.vector_store_idx %arg10[%get3A_64], %broadcast_in_dim3A_26 {add = true} : memref<10240xf32, #tpu.memory_space<vmem>>[vector<16xi32>], vector<16xf32>,
      %get3A_65 = arith.index_cast %scan3A_34 : i32 to index
      %get3A_66 = arith.constant 112 : index
      %get3A_67 = tpu.vector_load %arg8[%get3A_65, %get3A_66] {strides = array<i32>} : memref<40x128xi32, #tpu.memory_space<vmem>>, vector<16xi32>,
      tpu.vector_store_idx %arg10[%get3A_67], %broadcast_in_dim3A_26 {add = true} : memref<10240xf32, #tpu.memory_space<vmem>>[vector<16xi32>], vector<16xf32>,
    }
    %scan3A_32 = arith.constant 40 : i32
    %barrier3A_33 = arith.constant 0 : index
    tpu.barrier barrier_id(%barrier3A_33)
    "tpu.region"() ({
      %run_scoped3A = tpu.sem_alloc : memref<!tpu.dma_semaphore, #tpu.memory_space<semaphore_mem>>
      %dma_start3A = arith.constant 0 : i32
      %dma_start3A_34 = tpu.memref_slice %arg5[%arg0, %mul3A_14, %dma_start3A] : memref<2x10240x128xf32, #tpu.memory_space<hbm>> -> memref<1x640x128xf32, #tpu.memory_space<hbm>>
      %dma_start3A_35 = tpu.memref_squeeze %dma_start3A_34 : memref<1x640x128xf32, #tpu.memory_space<hbm>> -> memref<640x128xf32, #tpu.memory_space<hbm>>
      %dma_start3A_36 = arith.constant 0 : i32
      %dma_start3A_37 = tpu.memref_slice %arg11[%mul3A_14, %dma_start3A_36] : memref<10240x128xf32, #tpu.memory_space<vmem_shared>> -> memref<640x128xf32, #tpu.memory_space<vmem_shared>>
      tpu.enqueue_dma source(%dma_start3A_37 : memref<640x128xf32, #tpu.memory_space<vmem_shared>>) target(%dma_start3A_35 : memref<640x128xf32, #tpu.memory_space<hbm>>) target_semaphore(%run_scoped3A : memref<!tpu.dma_semaphore, #tpu.memory_space<semaphore_mem>>)
      %dma_wait3A = arith.constant 0 : i32
      %dma_wait3A_38 = tpu.memref_slice %arg5[%arg0, %mul3A_14, %dma_wait3A] : memref<2x10240x128xf32, #tpu.memory_space<hbm>> -> memref<1x640x128xf32, #tpu.memory_space<hbm>>
      %dma_wait3A_39 = tpu.memref_squeeze %dma_wait3A_38 : memref<1x640x128xf32, #tpu.memory_space<hbm>> -> memref<640x128xf32, #tpu.memory_space<hbm>>
      %dma_wait3A_40 = arith.constant 0 : i32
      %dma_wait3A_41 = tpu.memref_slice %arg11[%mul3A_14, %dma_wait3A_40] : memref<10240x128xf32, #tpu.memory_space<vmem_shared>> -> memref<640x128xf32, #tpu.memory_space<vmem_shared>>
      tpu.wait_dma2 semaphore(%run_scoped3A : memref<!tpu.dma_semaphore, #tpu.memory_space<semaphore_mem>>) src(%dma_wait3A_41 : memref<640x128xf32, #tpu.memory_space<vmem_shared>>) dst(%dma_wait3A_39 : memref<640x128xf32, #tpu.memory_space<hbm>>)
      tpu.yield
    }) : () -> ()
    "tpu.region"() ({
      %run_scoped3A = tpu.sem_alloc : memref<!tpu.dma_semaphore, #tpu.memory_space<semaphore_mem>>
      %dma_start3A = arith.constant 0 : i32
      %dma_start3A_34 = tpu.memref_slice %arg6[%add3A, %dma_start3A] : memref<32x10240xf32, #tpu.memory_space<hbm>> -> memref<1x10240xf32, #tpu.memory_space<hbm>>
      %dma_start3A_35 = tpu.memref_squeeze %dma_start3A_34 : memref<1x10240xf32, #tpu.memory_space<hbm>> -> memref<10240xf32, #tpu.memory_space<hbm>>
      %dma_start3A_36 = arith.constant 0 : i32
      %dma_start3A_37 = tpu.memref_slice %arg6[%add3A, %dma_start3A_36] : memref<32x10240xf32, #tpu.memory_space<hbm>> -> memref<1x10240xf32, #tpu.memory_space<hbm>>
      %dma_start3A_38 = tpu.memref_squeeze %dma_start3A_37 : memref<1x10240xf32, #tpu.memory_space<hbm>> -> memref<10240xf32, #tpu.memory_space<hbm>>
      tpu.enqueue_dma source(%arg10 : memref<10240xf32, #tpu.memory_space<vmem>>) target(%dma_start3A_38 : memref<10240xf32, #tpu.memory_space<hbm>>) target_semaphore(%run_scoped3A : memref<!tpu.dma_semaphore, #tpu.memory_space<semaphore_mem>>)
      %dma_wait3A = arith.constant 0 : i32
      %dma_wait3A_39 = tpu.memref_slice %arg6[%add3A, %dma_wait3A] : memref<32x10240xf32, #tpu.memory_space<hbm>> -> memref<1x10240xf32, #tpu.memory_space<hbm>>
      %dma_wait3A_40 = tpu.memref_squeeze %dma_wait3A_39 : memref<1x10240xf32, #tpu.memory_space<hbm>> -> memref<10240xf32, #tpu.memory_space<hbm>>
      %dma_wait3A_41 = arith.constant 0 : i32
      %dma_wait3A_42 = tpu.memref_slice %arg6[%add3A, %dma_wait3A_41] : memref<32x10240xf32, #tpu.memory_space<hbm>> -> memref<1x10240xf32, #tpu.memory_space<hbm>>
      %dma_wait3A_43 = tpu.memref_squeeze %dma_wait3A_42 : memref<1x10240xf32, #tpu.memory_space<hbm>> -> memref<10240xf32, #tpu.memory_space<hbm>>
      tpu.wait_dma2 semaphore(%run_scoped3A : memref<!tpu.dma_semaphore, #tpu.memory_space<semaphore_mem>>) src(%arg10 : memref<10240xf32, #tpu.memory_space<vmem>>) dst(%dma_wait3A_43 : memref<10240xf32, #tpu.memory_space<hbm>>)
      tpu.yield
    }) : () -> ()
    return
  }
}

#map = affine_map<(d0, d1) -> (0, 0)>
#map1 = affine_map<(d0, d1) -> (0, 0, 0)>
module attributes {stable_mosaic.version = 14 : i64} {
  func.func @_sc_agg_body(%arg0: i32, %arg1: i32, %arg2: memref<10240x128xf32, #tpu.memory_space<hbm>>, %arg3: memref<32x20x128xi32, #tpu.memory_space<hbm>>, %arg4: memref<32x20x128xi32, #tpu.memory_space<hbm>>, %arg5: memref<2x10240x128xf32, #tpu.memory_space<hbm>>, %arg6: memref<32x10240xf32, #tpu.memory_space<hbm>>, %arg7: memref<20x128xi32, #tpu.memory_space<vmem>>, %arg8: memref<20x128xi32, #tpu.memory_space<vmem>>, %arg9: memref<128x128xf32, #tpu.memory_space<vmem>>, %arg10: memref<10240xf32, #tpu.memory_space<vmem>>, %arg11: memref<10240x128xf32, #tpu.memory_space<vmem_shared>>, %arg12: memref<!tpu.dma_semaphore, #tpu.memory_space<semaphore_mem>>) attributes {dimension_semantics = [#tpu.dimension_semantics<core_parallel>, #tpu.dimension_semantics<subcore_parallel>], iteration_bounds = array<i64: 2, 16>, scalar_prefetch = 0 : i64, scratch_operands = 6 : i64, tpu.core_type = #tpu.core_type<sc_vector_subcore>, window_params = [{transform_indices = #map}, {transform_indices = #map1}, {transform_indices = #map1}, {transform_indices = #map1}, {transform_indices = #map}]} {
    %mul3A = arith.constant 2 : i32
    %mul3A_0 = arith.muli %arg1, %mul3A : i32
    %add3A = arith.addi %mul3A_0, %arg0 : i32
    %broadcast_in_dim3A = arith.constant 0.000000e+00 : f32
    %broadcast_in_dim3A_1 = vector.broadcast %broadcast_in_dim3A : f32 to vector<16xf32>
    %scan3A = arith.constant 0 : i32
    %scan3A_2 = arith.constant 0 : i32
    %scan3A_3 = arith.constant 128 : i32
    %scan3A_4 = arith.addi %scan3A_2, %scan3A_3 : i32
    %scan3A_5 = arith.constant 1 : i32
    scf.for %scan3A_34 = %scan3A_2 to %scan3A_4 step %scan3A_5  : i32 {
      %swap3A = arith.index_cast %scan3A_34 : i32 to index
      %swap3A_35 = arith.constant 0 : index
      %swap3A_36 = tpu.vector_load %arg9[%swap3A, %swap3A_35] {strides = array<i32>} : memref<128x128xf32, #tpu.memory_space<vmem>>, vector<16xf32>,
      tpu.vector_store %arg9[%swap3A, %swap3A_35], %broadcast_in_dim3A_1 {strides = array<i32>} : memref<128x128xf32, #tpu.memory_space<vmem>>, vector<16xf32>,
      %swap3A_37 = arith.index_cast %scan3A_34 : i32 to index
      %swap3A_38 = arith.constant 16 : index
      %swap3A_39 = tpu.vector_load %arg9[%swap3A_37, %swap3A_38] {strides = array<i32>} : memref<128x128xf32, #tpu.memory_space<vmem>>, vector<16xf32>,
      tpu.vector_store %arg9[%swap3A_37, %swap3A_38], %broadcast_in_dim3A_1 {strides = array<i32>} : memref<128x128xf32, #tpu.memory_space<vmem>>, vector<16xf32>,
      %swap3A_40 = arith.index_cast %scan3A_34 : i32 to index
      %swap3A_41 = arith.constant 32 : index
      %swap3A_42 = tpu.vector_load %arg9[%swap3A_40, %swap3A_41] {strides = array<i32>} : memref<128x128xf32, #tpu.memory_space<vmem>>, vector<16xf32>,
      tpu.vector_store %arg9[%swap3A_40, %swap3A_41], %broadcast_in_dim3A_1 {strides = array<i32>} : memref<128x128xf32, #tpu.memory_space<vmem>>, vector<16xf32>,
      %swap3A_43 = arith.index_cast %scan3A_34 : i32 to index
      %swap3A_44 = arith.constant 48 : index
      %swap3A_45 = tpu.vector_load %arg9[%swap3A_43, %swap3A_44] {strides = array<i32>} : memref<128x128xf32, #tpu.memory_space<vmem>>, vector<16xf32>,
      tpu.vector_store %arg9[%swap3A_43, %swap3A_44], %broadcast_in_dim3A_1 {strides = array<i32>} : memref<128x128xf32, #tpu.memory_space<vmem>>, vector<16xf32>,
      %swap3A_46 = arith.index_cast %scan3A_34 : i32 to index
      %swap3A_47 = arith.constant 64 : index
      %swap3A_48 = tpu.vector_load %arg9[%swap3A_46, %swap3A_47] {strides = array<i32>} : memref<128x128xf32, #tpu.memory_space<vmem>>, vector<16xf32>,
      tpu.vector_store %arg9[%swap3A_46, %swap3A_47], %broadcast_in_dim3A_1 {strides = array<i32>} : memref<128x128xf32, #tpu.memory_space<vmem>>, vector<16xf32>,
      %swap3A_49 = arith.index_cast %scan3A_34 : i32 to index
      %swap3A_50 = arith.constant 80 : index
      %swap3A_51 = tpu.vector_load %arg9[%swap3A_49, %swap3A_50] {strides = array<i32>} : memref<128x128xf32, #tpu.memory_space<vmem>>, vector<16xf32>,
      tpu.vector_store %arg9[%swap3A_49, %swap3A_50], %broadcast_in_dim3A_1 {strides = array<i32>} : memref<128x128xf32, #tpu.memory_space<vmem>>, vector<16xf32>,
      %swap3A_52 = arith.index_cast %scan3A_34 : i32 to index
      %swap3A_53 = arith.constant 96 : index
      %swap3A_54 = tpu.vector_load %arg9[%swap3A_52, %swap3A_53] {strides = array<i32>} : memref<128x128xf32, #tpu.memory_space<vmem>>, vector<16xf32>,
      tpu.vector_store %arg9[%swap3A_52, %swap3A_53], %broadcast_in_dim3A_1 {strides = array<i32>} : memref<128x128xf32, #tpu.memory_space<vmem>>, vector<16xf32>,
      %swap3A_55 = arith.index_cast %scan3A_34 : i32 to index
      %swap3A_56 = arith.constant 112 : index
      %swap3A_57 = tpu.vector_load %arg9[%swap3A_55, %swap3A_56] {strides = array<i32>} : memref<128x128xf32, #tpu.memory_space<vmem>>, vector<16xf32>,
      tpu.vector_store %arg9[%swap3A_55, %swap3A_56], %broadcast_in_dim3A_1 {strides = array<i32>} : memref<128x128xf32, #tpu.memory_space<vmem>>, vector<16xf32>,
    }
    %scan3A_6 = arith.constant 128 : i32
    %scan3A_7 = arith.constant 0 : i32
    %scan3A_8 = arith.constant 0 : i32
    %scan3A_9 = arith.constant 640 : i32
    %scan3A_10 = arith.addi %scan3A_8, %scan3A_9 : i32
    %scan3A_11 = arith.constant 1 : i32
    scf.for %scan3A_34 = %scan3A_8 to %scan3A_10 step %scan3A_11  : i32 {
      %mul3A_35 = arith.constant 16 : i32
      %mul3A_36 = arith.muli %scan3A_34, %mul3A_35 : i32
      %swap3A = arith.index_cast %mul3A_36 : i32 to index
      %swap3A_37 = tpu.vector_load %arg10[%swap3A] {strides = array<i32>} : memref<10240xf32, #tpu.memory_space<vmem>>, vector<16xf32>,
      tpu.vector_store %arg10[%swap3A], %broadcast_in_dim3A_1 {strides = array<i32>} : memref<10240xf32, #tpu.memory_space<vmem>>, vector<16xf32>,
    }
    %scan3A_12 = arith.constant 640 : i32
    %mul3A_13 = arith.constant 640 : i32
    %mul3A_14 = arith.muli %arg1, %mul3A_13 : i32
    %add3A_15 = arith.constant 0 : i32
    %add3A_16 = arith.addi %mul3A_14, %add3A_15 : i32
    "tpu.region"() ({
      %run_scoped3A = tpu.sem_alloc : memref<!tpu.dma_semaphore, #tpu.memory_space<semaphore_mem>>
      %dma_start3A = arith.constant 0 : i32
      %dma_start3A_34 = tpu.memref_slice %arg11[%add3A_16, %dma_start3A] : memref<10240x128xf32, #tpu.memory_space<vmem_shared>> -> memref<128x128xf32, #tpu.memory_space<vmem_shared>>
      %dma_start3A_35 = arith.constant 0 : i32
      %dma_start3A_36 = tpu.memref_slice %arg11[%add3A_16, %dma_start3A_35] : memref<10240x128xf32, #tpu.memory_space<vmem_shared>> -> memref<128x128xf32, #tpu.memory_space<vmem_shared>>
      tpu.enqueue_dma source(%arg9 : memref<128x128xf32, #tpu.memory_space<vmem>>) target(%dma_start3A_36 : memref<128x128xf32, #tpu.memory_space<vmem_shared>>) target_semaphore(%run_scoped3A : memref<!tpu.dma_semaphore, #tpu.memory_space<semaphore_mem>>)
      %dma_wait3A = arith.constant 0 : i32
      %dma_wait3A_37 = tpu.memref_slice %arg11[%add3A_16, %dma_wait3A] : memref<10240x128xf32, #tpu.memory_space<vmem_shared>> -> memref<128x128xf32, #tpu.memory_space<vmem_shared>>
      %dma_wait3A_38 = arith.constant 0 : i32
      %dma_wait3A_39 = tpu.memref_slice %arg11[%add3A_16, %dma_wait3A_38] : memref<10240x128xf32, #tpu.memory_space<vmem_shared>> -> memref<128x128xf32, #tpu.memory_space<vmem_shared>>
      tpu.wait_dma2 semaphore(%run_scoped3A : memref<!tpu.dma_semaphore, #tpu.memory_space<semaphore_mem>>) src(%arg9 : memref<128x128xf32, #tpu.memory_space<vmem>>) dst(%dma_wait3A_39 : memref<128x128xf32, #tpu.memory_space<vmem_shared>>)
      tpu.yield
    }) : () -> ()
    %add3A_17 = arith.constant 128 : i32
    %add3A_18 = arith.addi %mul3A_14, %add3A_17 : i32
    "tpu.region"() ({
      %run_scoped3A = tpu.sem_alloc : memref<!tpu.dma_semaphore, #tpu.memory_space<semaphore_mem>>
      %dma_start3A = arith.constant 0 : i32
      %dma_start3A_34 = tpu.memref_slice %arg11[%add3A_18, %dma_start3A] : memref<10240x128xf32, #tpu.memory_space<vmem_shared>> -> memref<128x128xf32, #tpu.memory_space<vmem_shared>>
      %dma_start3A_35 = arith.constant 0 : i32
      %dma_start3A_36 = tpu.memref_slice %arg11[%add3A_18, %dma_start3A_35] : memref<10240x128xf32, #tpu.memory_space<vmem_shared>> -> memref<128x128xf32, #tpu.memory_space<vmem_shared>>
      tpu.enqueue_dma source(%arg9 : memref<128x128xf32, #tpu.memory_space<vmem>>) target(%dma_start3A_36 : memref<128x128xf32, #tpu.memory_space<vmem_shared>>) target_semaphore(%run_scoped3A : memref<!tpu.dma_semaphore, #tpu.memory_space<semaphore_mem>>)
      %dma_wait3A = arith.constant 0 : i32
      %dma_wait3A_37 = tpu.memref_slice %arg11[%add3A_18, %dma_wait3A] : memref<10240x128xf32, #tpu.memory_space<vmem_shared>> -> memref<128x128xf32, #tpu.memory_space<vmem_shared>>
      %dma_wait3A_38 = arith.constant 0 : i32
      %dma_wait3A_39 = tpu.memref_slice %arg11[%add3A_18, %dma_wait3A_38] : memref<10240x128xf32, #tpu.memory_space<vmem_shared>> -> memref<128x128xf32, #tpu.memory_space<vmem_shared>>
      tpu.wait_dma2 semaphore(%run_scoped3A : memref<!tpu.dma_semaphore, #tpu.memory_space<semaphore_mem>>) src(%arg9 : memref<128x128xf32, #tpu.memory_space<vmem>>) dst(%dma_wait3A_39 : memref<128x128xf32, #tpu.memory_space<vmem_shared>>)
      tpu.yield
    }) : () -> ()
    %add3A_19 = arith.constant 256 : i32
    %add3A_20 = arith.addi %mul3A_14, %add3A_19 : i32
    "tpu.region"() ({
      %run_scoped3A = tpu.sem_alloc : memref<!tpu.dma_semaphore, #tpu.memory_space<semaphore_mem>>
      %dma_start3A = arith.constant 0 : i32
      %dma_start3A_34 = tpu.memref_slice %arg11[%add3A_20, %dma_start3A] : memref<10240x128xf32, #tpu.memory_space<vmem_shared>> -> memref<128x128xf32, #tpu.memory_space<vmem_shared>>
      %dma_start3A_35 = arith.constant 0 : i32
      %dma_start3A_36 = tpu.memref_slice %arg11[%add3A_20, %dma_start3A_35] : memref<10240x128xf32, #tpu.memory_space<vmem_shared>> -> memref<128x128xf32, #tpu.memory_space<vmem_shared>>
      tpu.enqueue_dma source(%arg9 : memref<128x128xf32, #tpu.memory_space<vmem>>) target(%dma_start3A_36 : memref<128x128xf32, #tpu.memory_space<vmem_shared>>) target_semaphore(%run_scoped3A : memref<!tpu.dma_semaphore, #tpu.memory_space<semaphore_mem>>)
      %dma_wait3A = arith.constant 0 : i32
      %dma_wait3A_37 = tpu.memref_slice %arg11[%add3A_20, %dma_wait3A] : memref<10240x128xf32, #tpu.memory_space<vmem_shared>> -> memref<128x128xf32, #tpu.memory_space<vmem_shared>>
      %dma_wait3A_38 = arith.constant 0 : i32
      %dma_wait3A_39 = tpu.memref_slice %arg11[%add3A_20, %dma_wait3A_38] : memref<10240x128xf32, #tpu.memory_space<vmem_shared>> -> memref<128x128xf32, #tpu.memory_space<vmem_shared>>
      tpu.wait_dma2 semaphore(%run_scoped3A : memref<!tpu.dma_semaphore, #tpu.memory_space<semaphore_mem>>) src(%arg9 : memref<128x128xf32, #tpu.memory_space<vmem>>) dst(%dma_wait3A_39 : memref<128x128xf32, #tpu.memory_space<vmem_shared>>)
      tpu.yield
    }) : () -> ()
    %add3A_21 = arith.constant 384 : i32
    %add3A_22 = arith.addi %mul3A_14, %add3A_21 : i32
    "tpu.region"() ({
      %run_scoped3A = tpu.sem_alloc : memref<!tpu.dma_semaphore, #tpu.memory_space<semaphore_mem>>
      %dma_start3A = arith.constant 0 : i32
      %dma_start3A_34 = tpu.memref_slice %arg11[%add3A_22, %dma_start3A] : memref<10240x128xf32, #tpu.memory_space<vmem_shared>> -> memref<128x128xf32, #tpu.memory_space<vmem_shared>>
      %dma_start3A_35 = arith.constant 0 : i32
      %dma_start3A_36 = tpu.memref_slice %arg11[%add3A_22, %dma_start3A_35] : memref<10240x128xf32, #tpu.memory_space<vmem_shared>> -> memref<128x128xf32, #tpu.memory_space<vmem_shared>>
      tpu.enqueue_dma source(%arg9 : memref<128x128xf32, #tpu.memory_space<vmem>>) target(%dma_start3A_36 : memref<128x128xf32, #tpu.memory_space<vmem_shared>>) target_semaphore(%run_scoped3A : memref<!tpu.dma_semaphore, #tpu.memory_space<semaphore_mem>>)
      %dma_wait3A = arith.constant 0 : i32
      %dma_wait3A_37 = tpu.memref_slice %arg11[%add3A_22, %dma_wait3A] : memref<10240x128xf32, #tpu.memory_space<vmem_shared>> -> memref<128x128xf32, #tpu.memory_space<vmem_shared>>
      %dma_wait3A_38 = arith.constant 0 : i32
      %dma_wait3A_39 = tpu.memref_slice %arg11[%add3A_22, %dma_wait3A_38] : memref<10240x128xf32, #tpu.memory_space<vmem_shared>> -> memref<128x128xf32, #tpu.memory_space<vmem_shared>>
      tpu.wait_dma2 semaphore(%run_scoped3A : memref<!tpu.dma_semaphore, #tpu.memory_space<semaphore_mem>>) src(%arg9 : memref<128x128xf32, #tpu.memory_space<vmem>>) dst(%dma_wait3A_39 : memref<128x128xf32, #tpu.memory_space<vmem_shared>>)
      tpu.yield
    }) : () -> ()
    %add3A_23 = arith.constant 512 : i32
    %add3A_24 = arith.addi %mul3A_14, %add3A_23 : i32
    "tpu.region"() ({
      %run_scoped3A = tpu.sem_alloc : memref<!tpu.dma_semaphore, #tpu.memory_space<semaphore_mem>>
      %dma_start3A = arith.constant 0 : i32
      %dma_start3A_34 = tpu.memref_slice %arg11[%add3A_24, %dma_start3A] : memref<10240x128xf32, #tpu.memory_space<vmem_shared>> -> memref<128x128xf32, #tpu.memory_space<vmem_shared>>
      %dma_start3A_35 = arith.constant 0 : i32
      %dma_start3A_36 = tpu.memref_slice %arg11[%add3A_24, %dma_start3A_35] : memref<10240x128xf32, #tpu.memory_space<vmem_shared>> -> memref<128x128xf32, #tpu.memory_space<vmem_shared>>
      tpu.enqueue_dma source(%arg9 : memref<128x128xf32, #tpu.memory_space<vmem>>) target(%dma_start3A_36 : memref<128x128xf32, #tpu.memory_space<vmem_shared>>) target_semaphore(%run_scoped3A : memref<!tpu.dma_semaphore, #tpu.memory_space<semaphore_mem>>)
      %dma_wait3A = arith.constant 0 : i32
      %dma_wait3A_37 = tpu.memref_slice %arg11[%add3A_24, %dma_wait3A] : memref<10240x128xf32, #tpu.memory_space<vmem_shared>> -> memref<128x128xf32, #tpu.memory_space<vmem_shared>>
      %dma_wait3A_38 = arith.constant 0 : i32
      %dma_wait3A_39 = tpu.memref_slice %arg11[%add3A_24, %dma_wait3A_38] : memref<10240x128xf32, #tpu.memory_space<vmem_shared>> -> memref<128x128xf32, #tpu.memory_space<vmem_shared>>
      tpu.wait_dma2 semaphore(%run_scoped3A : memref<!tpu.dma_semaphore, #tpu.memory_space<semaphore_mem>>) src(%arg9 : memref<128x128xf32, #tpu.memory_space<vmem>>) dst(%dma_wait3A_39 : memref<128x128xf32, #tpu.memory_space<vmem_shared>>)
      tpu.yield
    }) : () -> ()
    %barrier3A = arith.constant 0 : index
    tpu.barrier barrier_id(%barrier3A)
    "tpu.region"() ({
      %run_scoped3A = tpu.sem_alloc : memref<!tpu.dma_semaphore, #tpu.memory_space<semaphore_mem>>
      %dma_start3A = arith.constant 0 : i32
      %dma_start3A_34 = arith.constant 0 : i32
      %dma_start3A_35 = tpu.memref_slice %arg3[%add3A, %dma_start3A, %dma_start3A_34] : memref<32x20x128xi32, #tpu.memory_space<hbm>> -> memref<1x20x128xi32, #tpu.memory_space<hbm>>
      %dma_start3A_36 = tpu.memref_squeeze %dma_start3A_35 : memref<1x20x128xi32, #tpu.memory_space<hbm>> -> memref<20x128xi32, #tpu.memory_space<hbm>>
      %dma_start3A_37 = arith.constant 0 : i32
      %dma_start3A_38 = arith.constant 0 : i32
      %dma_start3A_39 = tpu.memref_slice %arg3[%add3A, %dma_start3A_37, %dma_start3A_38] : memref<32x20x128xi32, #tpu.memory_space<hbm>> -> memref<1x20x128xi32, #tpu.memory_space<hbm>>
      %dma_start3A_40 = tpu.memref_squeeze %dma_start3A_39 : memref<1x20x128xi32, #tpu.memory_space<hbm>> -> memref<20x128xi32, #tpu.memory_space<hbm>>
      tpu.enqueue_dma source(%dma_start3A_40 : memref<20x128xi32, #tpu.memory_space<hbm>>) target(%arg7 : memref<20x128xi32, #tpu.memory_space<vmem>>) target_semaphore(%run_scoped3A : memref<!tpu.dma_semaphore, #tpu.memory_space<semaphore_mem>>)
      %dma_wait3A = arith.constant 0 : i32
      %dma_wait3A_41 = arith.constant 0 : i32
      %dma_wait3A_42 = tpu.memref_slice %arg3[%add3A, %dma_wait3A, %dma_wait3A_41] : memref<32x20x128xi32, #tpu.memory_space<hbm>> -> memref<1x20x128xi32, #tpu.memory_space<hbm>>
      %dma_wait3A_43 = tpu.memref_squeeze %dma_wait3A_42 : memref<1x20x128xi32, #tpu.memory_space<hbm>> -> memref<20x128xi32, #tpu.memory_space<hbm>>
      %dma_wait3A_44 = arith.constant 0 : i32
      %dma_wait3A_45 = arith.constant 0 : i32
      %dma_wait3A_46 = tpu.memref_slice %arg3[%add3A, %dma_wait3A_44, %dma_wait3A_45] : memref<32x20x128xi32, #tpu.memory_space<hbm>> -> memref<1x20x128xi32, #tpu.memory_space<hbm>>
      %dma_wait3A_47 = tpu.memref_squeeze %dma_wait3A_46 : memref<1x20x128xi32, #tpu.memory_space<hbm>> -> memref<20x128xi32, #tpu.memory_space<hbm>>
      tpu.wait_dma2 semaphore(%run_scoped3A : memref<!tpu.dma_semaphore, #tpu.memory_space<semaphore_mem>>) src(%dma_wait3A_47 : memref<20x128xi32, #tpu.memory_space<hbm>>) dst(%arg7 : memref<20x128xi32, #tpu.memory_space<vmem>>)
      tpu.yield
    }) : () -> ()
    "tpu.region"() ({
      %run_scoped3A = tpu.sem_alloc : memref<!tpu.dma_semaphore, #tpu.memory_space<semaphore_mem>>
      %dma_start3A = arith.constant 0 : i32
      %dma_start3A_34 = arith.constant 0 : i32
      %dma_start3A_35 = tpu.memref_slice %arg4[%add3A, %dma_start3A, %dma_start3A_34] : memref<32x20x128xi32, #tpu.memory_space<hbm>> -> memref<1x20x128xi32, #tpu.memory_space<hbm>>
      %dma_start3A_36 = tpu.memref_squeeze %dma_start3A_35 : memref<1x20x128xi32, #tpu.memory_space<hbm>> -> memref<20x128xi32, #tpu.memory_space<hbm>>
      %dma_start3A_37 = arith.constant 0 : i32
      %dma_start3A_38 = arith.constant 0 : i32
      %dma_start3A_39 = tpu.memref_slice %arg4[%add3A, %dma_start3A_37, %dma_start3A_38] : memref<32x20x128xi32, #tpu.memory_space<hbm>> -> memref<1x20x128xi32, #tpu.memory_space<hbm>>
      %dma_start3A_40 = tpu.memref_squeeze %dma_start3A_39 : memref<1x20x128xi32, #tpu.memory_space<hbm>> -> memref<20x128xi32, #tpu.memory_space<hbm>>
      tpu.enqueue_dma source(%dma_start3A_40 : memref<20x128xi32, #tpu.memory_space<hbm>>) target(%arg8 : memref<20x128xi32, #tpu.memory_space<vmem>>) target_semaphore(%run_scoped3A : memref<!tpu.dma_semaphore, #tpu.memory_space<semaphore_mem>>)
      %dma_wait3A = arith.constant 0 : i32
      %dma_wait3A_41 = arith.constant 0 : i32
      %dma_wait3A_42 = tpu.memref_slice %arg4[%add3A, %dma_wait3A, %dma_wait3A_41] : memref<32x20x128xi32, #tpu.memory_space<hbm>> -> memref<1x20x128xi32, #tpu.memory_space<hbm>>
      %dma_wait3A_43 = tpu.memref_squeeze %dma_wait3A_42 : memref<1x20x128xi32, #tpu.memory_space<hbm>> -> memref<20x128xi32, #tpu.memory_space<hbm>>
      %dma_wait3A_44 = arith.constant 0 : i32
      %dma_wait3A_45 = arith.constant 0 : i32
      %dma_wait3A_46 = tpu.memref_slice %arg4[%add3A, %dma_wait3A_44, %dma_wait3A_45] : memref<32x20x128xi32, #tpu.memory_space<hbm>> -> memref<1x20x128xi32, #tpu.memory_space<hbm>>
      %dma_wait3A_47 = tpu.memref_squeeze %dma_wait3A_46 : memref<1x20x128xi32, #tpu.memory_space<hbm>> -> memref<20x128xi32, #tpu.memory_space<hbm>>
      tpu.wait_dma2 semaphore(%run_scoped3A : memref<!tpu.dma_semaphore, #tpu.memory_space<semaphore_mem>>) src(%dma_wait3A_47 : memref<20x128xi32, #tpu.memory_space<hbm>>) dst(%arg8 : memref<20x128xi32, #tpu.memory_space<vmem>>)
      tpu.yield
    }) : () -> ()
    %broadcast_in_dim3A_25 = arith.constant 1.000000e+00 : f32
    %broadcast_in_dim3A_26 = vector.broadcast %broadcast_in_dim3A_25 : f32 to vector<16xf32>
    %scan3A_27 = arith.constant 0 : i32
    %scan3A_28 = arith.constant 0 : i32
    %scan3A_29 = arith.constant 20 : i32
    %scan3A_30 = arith.addi %scan3A_28, %scan3A_29 : i32
    %scan3A_31 = arith.constant 1 : i32
    scf.for %scan3A_34 = %scan3A_28 to %scan3A_30 step %scan3A_31  : i32 {
      %dma_start3A = arith.constant 0 : i32
      %dma_start3A_35 = tpu.memref_slice %arg7[%scan3A_34, %dma_start3A] : memref<20x128xi32, #tpu.memory_space<vmem>> -> memref<1x128xi32, #tpu.memory_space<vmem>>
      %dma_start3A_36 = tpu.memref_squeeze %dma_start3A_35 : memref<1x128xi32, #tpu.memory_space<vmem>> -> memref<128xi32, #tpu.memory_space<vmem>>
      %dma_start3A_37 = arith.constant 0 : i32
      %dma_start3A_38 = arith.constant 0 : i32
      %dma_start3A_39 = tpu.memref_slice %arg2[%dma_start3A_37, %dma_start3A_38] : memref<10240x128xf32, #tpu.memory_space<hbm>> -> memref<10240x128xf32, #tpu.memory_space<hbm>>
      tpu.enqueue_indirect_dma source(%dma_start3A_39 : memref<10240x128xf32, #tpu.memory_space<hbm>>) target(%arg9 : memref<128x128xf32, #tpu.memory_space<vmem>>) offsets(%dma_start3A_36 : memref<128xi32, #tpu.memory_space<vmem>>) semaphore(%arg12 : memref<!tpu.dma_semaphore, #tpu.memory_space<semaphore_mem>>)
      %dma_wait3A = arith.constant 0 : i32
      %dma_wait3A_40 = tpu.memref_slice %arg7[%scan3A_34, %dma_wait3A] : memref<20x128xi32, #tpu.memory_space<vmem>> -> memref<1x128xi32, #tpu.memory_space<vmem>>
      %dma_wait3A_41 = tpu.memref_squeeze %dma_wait3A_40 : memref<1x128xi32, #tpu.memory_space<vmem>> -> memref<128xi32, #tpu.memory_space<vmem>>
      %dma_wait3A_42 = arith.constant 0 : i32
      %dma_wait3A_43 = arith.constant 0 : i32
      %dma_wait3A_44 = tpu.memref_slice %arg2[%dma_wait3A_42, %dma_wait3A_43] : memref<10240x128xf32, #tpu.memory_space<hbm>> -> memref<10240x128xf32, #tpu.memory_space<hbm>>
      tpu.wait_indirect_dma semaphore(%arg12 : memref<!tpu.dma_semaphore, #tpu.memory_space<semaphore_mem>>) src(%dma_wait3A_44 : memref<10240x128xf32, #tpu.memory_space<hbm>>) dst(%arg9 : memref<128x128xf32, #tpu.memory_space<vmem>>)
      "tpu.region"() ({
        %run_scoped3A = tpu.sem_alloc : memref<!tpu.dma_semaphore, #tpu.memory_space<semaphore_mem>>
        %dma_start3A_68 = arith.constant 0 : i32
        %dma_start3A_69 = tpu.memref_slice %arg8[%scan3A_34, %dma_start3A_68] : memref<20x128xi32, #tpu.memory_space<vmem>> -> memref<1x128xi32, #tpu.memory_space<vmem>>
        %dma_start3A_70 = tpu.memref_squeeze %dma_start3A_69 : memref<1x128xi32, #tpu.memory_space<vmem>> -> memref<128xi32, #tpu.memory_space<vmem>>
        %dma_start3A_71 = arith.constant 0 : i32
        %dma_start3A_72 = arith.constant 0 : i32
        %dma_start3A_73 = tpu.memref_slice %arg11[%dma_start3A_71, %dma_start3A_72] : memref<10240x128xf32, #tpu.memory_space<vmem_shared>> -> memref<10240x128xf32, #tpu.memory_space<vmem_shared>>
        tpu.enqueue_indirect_dma source(%arg9 : memref<128x128xf32, #tpu.memory_space<vmem>>) target(%dma_start3A_73 : memref<10240x128xf32, #tpu.memory_space<vmem_shared>>) offsets(%dma_start3A_70 : memref<128xi32, #tpu.memory_space<vmem>>) semaphore(%run_scoped3A : memref<!tpu.dma_semaphore, #tpu.memory_space<semaphore_mem>>) {add = true}
        %dma_wait3A_74 = arith.constant 0 : i32
        %dma_wait3A_75 = tpu.memref_slice %arg8[%scan3A_34, %dma_wait3A_74] : memref<20x128xi32, #tpu.memory_space<vmem>> -> memref<1x128xi32, #tpu.memory_space<vmem>>
        %dma_wait3A_76 = tpu.memref_squeeze %dma_wait3A_75 : memref<1x128xi32, #tpu.memory_space<vmem>> -> memref<128xi32, #tpu.memory_space<vmem>>
        %dma_wait3A_77 = arith.constant 0 : i32
        %dma_wait3A_78 = arith.constant 0 : i32
        %dma_wait3A_79 = tpu.memref_slice %arg11[%dma_wait3A_77, %dma_wait3A_78] : memref<10240x128xf32, #tpu.memory_space<vmem_shared>> -> memref<10240x128xf32, #tpu.memory_space<vmem_shared>>
        tpu.wait_indirect_dma semaphore(%run_scoped3A : memref<!tpu.dma_semaphore, #tpu.memory_space<semaphore_mem>>) src(%arg9 : memref<128x128xf32, #tpu.memory_space<vmem>>) dst(%dma_wait3A_79 : memref<10240x128xf32, #tpu.memory_space<vmem_shared>>)
        tpu.yield
      }) : () -> ()
      %get3A = arith.index_cast %scan3A_34 : i32 to index
      %get3A_45 = arith.constant 0 : index
      %get3A_46 = tpu.vector_load %arg8[%get3A, %get3A_45] {strides = array<i32>} : memref<20x128xi32, #tpu.memory_space<vmem>>, vector<16xi32>,
      tpu.vector_store_idx %arg10[%get3A_46], %broadcast_in_dim3A_26 {add = true} : memref<10240xf32, #tpu.memory_space<vmem>>[vector<16xi32>], vector<16xf32>,
      %get3A_47 = arith.index_cast %scan3A_34 : i32 to index
      %get3A_48 = arith.constant 16 : index
      %get3A_49 = tpu.vector_load %arg8[%get3A_47, %get3A_48] {strides = array<i32>} : memref<20x128xi32, #tpu.memory_space<vmem>>, vector<16xi32>,
      tpu.vector_store_idx %arg10[%get3A_49], %broadcast_in_dim3A_26 {add = true} : memref<10240xf32, #tpu.memory_space<vmem>>[vector<16xi32>], vector<16xf32>,
      %get3A_50 = arith.index_cast %scan3A_34 : i32 to index
      %get3A_51 = arith.constant 32 : index
      %get3A_52 = tpu.vector_load %arg8[%get3A_50, %get3A_51] {strides = array<i32>} : memref<20x128xi32, #tpu.memory_space<vmem>>, vector<16xi32>,
      tpu.vector_store_idx %arg10[%get3A_52], %broadcast_in_dim3A_26 {add = true} : memref<10240xf32, #tpu.memory_space<vmem>>[vector<16xi32>], vector<16xf32>,
      %get3A_53 = arith.index_cast %scan3A_34 : i32 to index
      %get3A_54 = arith.constant 48 : index
      %get3A_55 = tpu.vector_load %arg8[%get3A_53, %get3A_54] {strides = array<i32>} : memref<20x128xi32, #tpu.memory_space<vmem>>, vector<16xi32>,
      tpu.vector_store_idx %arg10[%get3A_55], %broadcast_in_dim3A_26 {add = true} : memref<10240xf32, #tpu.memory_space<vmem>>[vector<16xi32>], vector<16xf32>,
      %get3A_56 = arith.index_cast %scan3A_34 : i32 to index
      %get3A_57 = arith.constant 64 : index
      %get3A_58 = tpu.vector_load %arg8[%get3A_56, %get3A_57] {strides = array<i32>} : memref<20x128xi32, #tpu.memory_space<vmem>>, vector<16xi32>,
      tpu.vector_store_idx %arg10[%get3A_58], %broadcast_in_dim3A_26 {add = true} : memref<10240xf32, #tpu.memory_space<vmem>>[vector<16xi32>], vector<16xf32>,
      %get3A_59 = arith.index_cast %scan3A_34 : i32 to index
      %get3A_60 = arith.constant 80 : index
      %get3A_61 = tpu.vector_load %arg8[%get3A_59, %get3A_60] {strides = array<i32>} : memref<20x128xi32, #tpu.memory_space<vmem>>, vector<16xi32>,
      tpu.vector_store_idx %arg10[%get3A_61], %broadcast_in_dim3A_26 {add = true} : memref<10240xf32, #tpu.memory_space<vmem>>[vector<16xi32>], vector<16xf32>,
      %get3A_62 = arith.index_cast %scan3A_34 : i32 to index
      %get3A_63 = arith.constant 96 : index
      %get3A_64 = tpu.vector_load %arg8[%get3A_62, %get3A_63] {strides = array<i32>} : memref<20x128xi32, #tpu.memory_space<vmem>>, vector<16xi32>,
      tpu.vector_store_idx %arg10[%get3A_64], %broadcast_in_dim3A_26 {add = true} : memref<10240xf32, #tpu.memory_space<vmem>>[vector<16xi32>], vector<16xf32>,
      %get3A_65 = arith.index_cast %scan3A_34 : i32 to index
      %get3A_66 = arith.constant 112 : index
      %get3A_67 = tpu.vector_load %arg8[%get3A_65, %get3A_66] {strides = array<i32>} : memref<20x128xi32, #tpu.memory_space<vmem>>, vector<16xi32>,
      tpu.vector_store_idx %arg10[%get3A_67], %broadcast_in_dim3A_26 {add = true} : memref<10240xf32, #tpu.memory_space<vmem>>[vector<16xi32>], vector<16xf32>,
    }
    %scan3A_32 = arith.constant 20 : i32
    %barrier3A_33 = arith.constant 0 : index
    tpu.barrier barrier_id(%barrier3A_33)
    "tpu.region"() ({
      %run_scoped3A = tpu.sem_alloc : memref<!tpu.dma_semaphore, #tpu.memory_space<semaphore_mem>>
      %dma_start3A = arith.constant 0 : i32
      %dma_start3A_34 = tpu.memref_slice %arg5[%arg0, %mul3A_14, %dma_start3A] : memref<2x10240x128xf32, #tpu.memory_space<hbm>> -> memref<1x640x128xf32, #tpu.memory_space<hbm>>
      %dma_start3A_35 = tpu.memref_squeeze %dma_start3A_34 : memref<1x640x128xf32, #tpu.memory_space<hbm>> -> memref<640x128xf32, #tpu.memory_space<hbm>>
      %dma_start3A_36 = arith.constant 0 : i32
      %dma_start3A_37 = tpu.memref_slice %arg11[%mul3A_14, %dma_start3A_36] : memref<10240x128xf32, #tpu.memory_space<vmem_shared>> -> memref<640x128xf32, #tpu.memory_space<vmem_shared>>
      tpu.enqueue_dma source(%dma_start3A_37 : memref<640x128xf32, #tpu.memory_space<vmem_shared>>) target(%dma_start3A_35 : memref<640x128xf32, #tpu.memory_space<hbm>>) target_semaphore(%run_scoped3A : memref<!tpu.dma_semaphore, #tpu.memory_space<semaphore_mem>>)
      %dma_wait3A = arith.constant 0 : i32
      %dma_wait3A_38 = tpu.memref_slice %arg5[%arg0, %mul3A_14, %dma_wait3A] : memref<2x10240x128xf32, #tpu.memory_space<hbm>> -> memref<1x640x128xf32, #tpu.memory_space<hbm>>
      %dma_wait3A_39 = tpu.memref_squeeze %dma_wait3A_38 : memref<1x640x128xf32, #tpu.memory_space<hbm>> -> memref<640x128xf32, #tpu.memory_space<hbm>>
      %dma_wait3A_40 = arith.constant 0 : i32
      %dma_wait3A_41 = tpu.memref_slice %arg11[%mul3A_14, %dma_wait3A_40] : memref<10240x128xf32, #tpu.memory_space<vmem_shared>> -> memref<640x128xf32, #tpu.memory_space<vmem_shared>>
      tpu.wait_dma2 semaphore(%run_scoped3A : memref<!tpu.dma_semaphore, #tpu.memory_space<semaphore_mem>>) src(%dma_wait3A_41 : memref<640x128xf32, #tpu.memory_space<vmem_shared>>) dst(%dma_wait3A_39 : memref<640x128xf32, #tpu.memory_space<hbm>>)
      tpu.yield
    }) : () -> ()
    "tpu.region"() ({
      %run_scoped3A = tpu.sem_alloc : memref<!tpu.dma_semaphore, #tpu.memory_space<semaphore_mem>>
      %dma_start3A = arith.constant 0 : i32
      %dma_start3A_34 = tpu.memref_slice %arg6[%add3A, %dma_start3A] : memref<32x10240xf32, #tpu.memory_space<hbm>> -> memref<1x10240xf32, #tpu.memory_space<hbm>>
      %dma_start3A_35 = tpu.memref_squeeze %dma_start3A_34 : memref<1x10240xf32, #tpu.memory_space<hbm>> -> memref<10240xf32, #tpu.memory_space<hbm>>
      %dma_start3A_36 = arith.constant 0 : i32
      %dma_start3A_37 = tpu.memref_slice %arg6[%add3A, %dma_start3A_36] : memref<32x10240xf32, #tpu.memory_space<hbm>> -> memref<1x10240xf32, #tpu.memory_space<hbm>>
      %dma_start3A_38 = tpu.memref_squeeze %dma_start3A_37 : memref<1x10240xf32, #tpu.memory_space<hbm>> -> memref<10240xf32, #tpu.memory_space<hbm>>
      tpu.enqueue_dma source(%arg10 : memref<10240xf32, #tpu.memory_space<vmem>>) target(%dma_start3A_38 : memref<10240xf32, #tpu.memory_space<hbm>>) target_semaphore(%run_scoped3A : memref<!tpu.dma_semaphore, #tpu.memory_space<semaphore_mem>>)
      %dma_wait3A = arith.constant 0 : i32
      %dma_wait3A_39 = tpu.memref_slice %arg6[%add3A, %dma_wait3A] : memref<32x10240xf32, #tpu.memory_space<hbm>> -> memref<1x10240xf32, #tpu.memory_space<hbm>>
      %dma_wait3A_40 = tpu.memref_squeeze %dma_wait3A_39 : memref<1x10240xf32, #tpu.memory_space<hbm>> -> memref<10240xf32, #tpu.memory_space<hbm>>
      %dma_wait3A_41 = arith.constant 0 : i32
      %dma_wait3A_42 = tpu.memref_slice %arg6[%add3A, %dma_wait3A_41] : memref<32x10240xf32, #tpu.memory_space<hbm>> -> memref<1x10240xf32, #tpu.memory_space<hbm>>
      %dma_wait3A_43 = tpu.memref_squeeze %dma_wait3A_42 : memref<1x10240xf32, #tpu.memory_space<hbm>> -> memref<10240xf32, #tpu.memory_space<hbm>>
      tpu.wait_dma2 semaphore(%run_scoped3A : memref<!tpu.dma_semaphore, #tpu.memory_space<semaphore_mem>>) src(%arg10 : memref<10240xf32, #tpu.memory_space<vmem>>) dst(%dma_wait3A_43 : memref<10240xf32, #tpu.memory_space<hbm>>)
      tpu.yield
    }) : () -> ()
    return
  }
}

module attributes {stable_mosaic.version = 14 : i64} {
  func.func @_stage_body(%arg0: i32, %arg1: memref<1x1xf32, #tpu.memory_space<smem>>, %arg2: memref<2x1280x128xf32, #tpu.memory_space<vmem>>, %arg3: memref<32x1280xf32, #tpu.memory_space<vmem>>, %arg4: memref<1280x128xf32, #tpu.memory_space<vmem>>, %arg5: memref<128x128xf32, #tpu.memory_space<vmem>>, %arg6: memref<1280x128xf32, #tpu.memory_space<vmem>>, %arg7: memref<1280x128xf32, #tpu.memory_space<vmem>>) attributes {dimension_semantics = [#tpu.dimension_semantics<arbitrary>], iteration_bounds = array<i64: 8>, scalar_prefetch = 0 : i64, scratch_operands = 0 : i64, tpu.core_type = #tpu.core_type<tc>, window_params = [{transform_indices = @transform_0, window_bounds = array<i64: 1, 1>}, {transform_indices = @transform_1, window_bounds = array<i64: 2, 1280, 128>}, {transform_indices = @transform_2, window_bounds = array<i64: 32, 1280>}, {transform_indices = @transform_3, window_bounds = array<i64: 1280, 128>}, {pipeline_mode = #tpu.pipeline_mode<synchronous>, transform_indices = @transform_4, window_bounds = array<i64: 128, 128>}, {transform_indices = @transform_5, window_bounds = array<i64: 1280, 128>}, {transform_indices = @transform_6, window_bounds = array<i64: 1280, 128>}]} {
    %get3A = arith.constant 0 : index
    %get3A_0 = arith.constant 0 : index
    %get3A_1 = arith.constant 0 : index
    %get3A_2 = vector.load %arg2[%get3A, %get3A_0, %get3A_1] : memref<2x1280x128xf32, #tpu.memory_space<vmem>>, vector<1x1280x128xf32>
    %get3A_3 = vector.shape_cast %get3A_2 : vector<1x1280x128xf32> to vector<1280x128xf32>
    %get3A_4 = arith.constant 1 : index
    %get3A_5 = arith.constant 0 : index
    %get3A_6 = arith.constant 0 : index
    %get3A_7 = vector.load %arg2[%get3A_4, %get3A_5, %get3A_6] : memref<2x1280x128xf32, #tpu.memory_space<vmem>>, vector<1x1280x128xf32>
    %get3A_8 = vector.shape_cast %get3A_7 : vector<1x1280x128xf32> to vector<1280x128xf32>
    %add3A = arith.addf %get3A_3, %get3A_8 : vector<1280x128xf32>
    %get3A_9 = arith.constant 0 : index
    %get3A_10 = arith.constant 0 : index
    %get3A_11 = vector.load %arg3[%get3A_9, %get3A_10] : memref<32x1280xf32, #tpu.memory_space<vmem>>, vector<32x1280xf32>
    %broadcast_in_dim3A = arith.constant 1.000000e+00 : f32
    %broadcast_in_dim3A_12 = vector.broadcast %broadcast_in_dim3A : f32 to vector<32x1xf32>
    %dot_general3A = arith.constant dense<0.000000e+00> : vector<1280x1xf32>
    %dot_general3A_13 = tpu.matmul %get3A_11, %broadcast_in_dim3A_12, %dot_general3A {dimension_numbers = #tpu.dot_dimension_numbers<[0], [0], [1], [1], [0, 1, 1, 1], [], []>, transpose_lhs_hint = false} : vector<32x1280xf32>, vector<32x1xf32>, vector<1280x1xf32> -> vector<1280x1xf32>
    %max3A = arith.constant 1.000000e+00 : f32
    %max3A_14 = vector.broadcast %max3A : f32 to vector<1280x1xf32>
    %max3A_15 = arith.maximumf %dot_general3A_13, %max3A_14 : vector<1280x1xf32>
    %div3A = arith.constant 1.000000e+00 : f32
    %div3A_16 = vector.broadcast %div3A : f32 to vector<1280x1xf32>
    %div3A_17 = arith.divf %div3A_16, %max3A_15 : vector<1280x1xf32>
    %mul3A = vector.broadcast %div3A_17 : vector<1280x1xf32> to vector<1280x128xf32>
    %mul3A_18 = arith.mulf %add3A, %mul3A : vector<1280x128xf32>
    %max3A_19 = arith.constant 0.000000e+00 : f32
    %max3A_20 = vector.broadcast %max3A_19 : f32 to vector<1280x128xf32>
    %max3A_21 = arith.maximumf %mul3A_18, %max3A_20 : vector<1280x128xf32>
    %get3A_22 = arith.constant 0 : index
    %get3A_23 = arith.constant 0 : index
    %get3A_24 = memref.load %arg1[%get3A_22, %get3A_23] : memref<1x1xf32, #tpu.memory_space<smem>>
    %mul3A_25 = vector.broadcast %get3A_24 : f32 to vector<1280x128xf32>
    %mul3A_26 = arith.mulf %mul3A_25, %max3A_21 : vector<1280x128xf32>
    %sub3A = arith.constant 1.000000e+00 : f32
    %sub3A_27 = arith.subf %sub3A, %get3A_24 : f32
    %get3A_28 = arith.constant 0 : index
    %get3A_29 = arith.constant 0 : index
    %get3A_30 = vector.load %arg4[%get3A_28, %get3A_29] : memref<1280x128xf32, #tpu.memory_space<vmem>>, vector<1280x128xf32>
    %mul3A_31 = vector.broadcast %sub3A_27 : f32 to vector<1280x128xf32>
    %mul3A_32 = arith.mulf %mul3A_31, %get3A_30 : vector<1280x128xf32>
    %add3A_33 = arith.addf %mul3A_26, %mul3A_32 : vector<1280x128xf32>
    %swap3A = arith.constant 0 : index
    %swap3A_34 = arith.constant 0 : index
    %swap3A_35 = vector.load %arg6[%swap3A, %swap3A_34] : memref<1280x128xf32, #tpu.memory_space<vmem>>, vector<1280x128xf32>
    tpu.vector_store %arg6[%swap3A, %swap3A_34], %add3A_33 {strides = array<i32>} : memref<1280x128xf32, #tpu.memory_space<vmem>>, vector<1280x128xf32>,
    %get3A_36 = arith.constant 0 : index
    %get3A_37 = arith.constant 0 : index
    %get3A_38 = vector.load %arg5[%get3A_36, %get3A_37] : memref<128x128xf32, #tpu.memory_space<vmem>>, vector<128x128xf32>
    %dot_general3A_39 = arith.constant dense<0.000000e+00> : vector<1280x128xf32>
    %dot_general3A_40 = tpu.matmul %add3A_33, %get3A_38, %dot_general3A_39 {dimension_numbers = #tpu.dot_dimension_numbers<[1], [0], [0], [1], [0, 0, 1, 1], [], []>, transpose_lhs_hint = false} : vector<1280x128xf32>, vector<128x128xf32>, vector<1280x128xf32> -> vector<1280x128xf32>
    %swap3A_41 = arith.constant 0 : index
    %swap3A_42 = arith.constant 0 : index
    %swap3A_43 = vector.load %arg7[%swap3A_41, %swap3A_42] : memref<1280x128xf32, #tpu.memory_space<vmem>>, vector<1280x128xf32>
    tpu.vector_store %arg7[%swap3A_41, %swap3A_42], %dot_general3A_40 {strides = array<i32>} : memref<1280x128xf32, #tpu.memory_space<vmem>>, vector<1280x128xf32>,
    return
  }
  func.func @transform_0(%arg0: i32) -> (i32, i32) {
    %c0_i32 = arith.constant 0 : i32
    %c0_i32_0 = arith.constant 0 : i32
    %c0_i32_1 = arith.constant 0 : i32
    return %c0_i32, %c0_i32_0 : i32, i32
  }
  func.func @transform_1(%arg0: i32) -> (i32, i32, i32) {
    %c0_i32 = arith.constant 0 : i32
    %c0_i32_0 = arith.constant 0 : i32
    %c0_i32_1 = arith.constant 0 : i32
    return %c0_i32, %arg0, %c0_i32_0 : i32, i32, i32
  }
  func.func @transform_2(%arg0: i32) -> (i32, i32) {
    %c0_i32 = arith.constant 0 : i32
    %c0_i32_0 = arith.constant 0 : i32
    return %c0_i32, %arg0 : i32, i32
  }
  func.func @transform_3(%arg0: i32) -> (i32, i32) {
    %c0_i32 = arith.constant 0 : i32
    %c0_i32_0 = arith.constant 0 : i32
    return %arg0, %c0_i32 : i32, i32
  }
  func.func @transform_4(%arg0: i32) -> (i32, i32) {
    %c0_i32 = arith.constant 0 : i32
    %c0_i32_0 = arith.constant 0 : i32
    %c0_i32_1 = arith.constant 0 : i32
    return %c0_i32, %c0_i32_0 : i32, i32
  }
  func.func @transform_5(%arg0: i32) -> (i32, i32) {
    %c0_i32 = arith.constant 0 : i32
    %c0_i32_0 = arith.constant 0 : i32
    return %arg0, %c0_i32 : i32, i32
  }
  func.func @transform_6(%arg0: i32) -> (i32, i32) {
    %c0_i32 = arith.constant 0 : i32
    %c0_i32_0 = arith.constant 0 : i32
    return %arg0, %c0_i32 : i32, i32
  }
}

module attributes {stable_mosaic.version = 14 : i64} {
  func.func @_mm_body(%arg0: i32, %arg1: memref<1280x128xf32, #tpu.memory_space<vmem>>, %arg2: memref<128x128xf32, #tpu.memory_space<vmem>>, %arg3: memref<1280x128xf32, #tpu.memory_space<vmem>>) attributes {dimension_semantics = [#tpu.dimension_semantics<arbitrary>], iteration_bounds = array<i64: 8>, scalar_prefetch = 0 : i64, scratch_operands = 0 : i64, tpu.core_type = #tpu.core_type<tc>, window_params = [{transform_indices = @transform_0, window_bounds = array<i64: 1280, 128>}, {pipeline_mode = #tpu.pipeline_mode<synchronous>, transform_indices = @transform_1, window_bounds = array<i64: 128, 128>}, {transform_indices = @transform_2, window_bounds = array<i64: 1280, 128>}]} {
    %get3A = arith.constant 0 : index
    %get3A_0 = arith.constant 0 : index
    %get3A_1 = vector.load %arg1[%get3A, %get3A_0] : memref<1280x128xf32, #tpu.memory_space<vmem>>, vector<1280x128xf32>
    %get3A_2 = arith.constant 0 : index
    %get3A_3 = arith.constant 0 : index
    %get3A_4 = vector.load %arg2[%get3A_2, %get3A_3] : memref<128x128xf32, #tpu.memory_space<vmem>>, vector<128x128xf32>
    %dot_general3A = arith.constant dense<0.000000e+00> : vector<1280x128xf32>
    %dot_general3A_5 = tpu.matmul %get3A_1, %get3A_4, %dot_general3A {dimension_numbers = #tpu.dot_dimension_numbers<[1], [0], [0], [1], [0, 0, 1, 1], [], []>, transpose_lhs_hint = false} : vector<1280x128xf32>, vector<128x128xf32>, vector<1280x128xf32> -> vector<1280x128xf32>
    %swap3A = arith.constant 0 : index
    %swap3A_6 = arith.constant 0 : index
    %swap3A_7 = vector.load %arg3[%swap3A, %swap3A_6] : memref<1280x128xf32, #tpu.memory_space<vmem>>, vector<1280x128xf32>
    tpu.vector_store %arg3[%swap3A, %swap3A_6], %dot_general3A_5 {strides = array<i32>} : memref<1280x128xf32, #tpu.memory_space<vmem>>, vector<1280x128xf32>,
    return
  }
  func.func @transform_0(%arg0: i32) -> (i32, i32) {
    %c0_i32 = arith.constant 0 : i32
    %c0_i32_0 = arith.constant 0 : i32
    return %arg0, %c0_i32 : i32, i32
  }
  func.func @transform_1(%arg0: i32) -> (i32, i32) {
    %c0_i32 = arith.constant 0 : i32
    %c0_i32_0 = arith.constant 0 : i32
    %c0_i32_1 = arith.constant 0 : i32
    return %c0_i32, %c0_i32_0 : i32, i32
  }
  func.func @transform_2(%arg0: i32) -> (i32, i32) {
    %c0_i32 = arith.constant 0 : i32
    %c0_i32_0 = arith.constant 0 : i32
    return %arg0, %c0_i32 : i32, i32
  }
}

module attributes {stable_mosaic.version = 14 : i64} {
  func.func @_final_body(%arg0: i32, %arg1: memref<1x1xf32, #tpu.memory_space<smem>>, %arg2: memref<2x1280x128xf32, #tpu.memory_space<vmem>>, %arg3: memref<32x1280xf32, #tpu.memory_space<vmem>>, %arg4: memref<1280x128xf32, #tpu.memory_space<vmem>>, %arg5: memref<1280x128xf32, #tpu.memory_space<vmem>>, %arg6: memref<1280x256xf32, #tpu.memory_space<vmem>>) attributes {dimension_semantics = [#tpu.dimension_semantics<arbitrary>], iteration_bounds = array<i64: 8>, scalar_prefetch = 0 : i64, scratch_operands = 0 : i64, tpu.core_type = #tpu.core_type<tc>, window_params = [{transform_indices = @transform_0, window_bounds = array<i64: 1, 1>}, {transform_indices = @transform_1, window_bounds = array<i64: 2, 1280, 128>}, {transform_indices = @transform_2, window_bounds = array<i64: 32, 1280>}, {transform_indices = @transform_3, window_bounds = array<i64: 1280, 128>}, {transform_indices = @transform_4, window_bounds = array<i64: 1280, 128>}, {transform_indices = @transform_5, window_bounds = array<i64: 1280, 256>}]} {
    %get3A = arith.constant 0 : index
    %get3A_0 = arith.constant 0 : index
    %get3A_1 = arith.constant 0 : index
    %get3A_2 = vector.load %arg2[%get3A, %get3A_0, %get3A_1] : memref<2x1280x128xf32, #tpu.memory_space<vmem>>, vector<1x1280x128xf32>
    %get3A_3 = vector.shape_cast %get3A_2 : vector<1x1280x128xf32> to vector<1280x128xf32>
    %get3A_4 = arith.constant 1 : index
    %get3A_5 = arith.constant 0 : index
    %get3A_6 = arith.constant 0 : index
    %get3A_7 = vector.load %arg2[%get3A_4, %get3A_5, %get3A_6] : memref<2x1280x128xf32, #tpu.memory_space<vmem>>, vector<1x1280x128xf32>
    %get3A_8 = vector.shape_cast %get3A_7 : vector<1x1280x128xf32> to vector<1280x128xf32>
    %add3A = arith.addf %get3A_3, %get3A_8 : vector<1280x128xf32>
    %get3A_9 = arith.constant 0 : index
    %get3A_10 = arith.constant 0 : index
    %get3A_11 = vector.load %arg3[%get3A_9, %get3A_10] : memref<32x1280xf32, #tpu.memory_space<vmem>>, vector<32x1280xf32>
    %broadcast_in_dim3A = arith.constant 1.000000e+00 : f32
    %broadcast_in_dim3A_12 = vector.broadcast %broadcast_in_dim3A : f32 to vector<32x1xf32>
    %dot_general3A = arith.constant dense<0.000000e+00> : vector<1280x1xf32>
    %dot_general3A_13 = tpu.matmul %get3A_11, %broadcast_in_dim3A_12, %dot_general3A {dimension_numbers = #tpu.dot_dimension_numbers<[0], [0], [1], [1], [0, 1, 1, 1], [], []>, transpose_lhs_hint = false} : vector<32x1280xf32>, vector<32x1xf32>, vector<1280x1xf32> -> vector<1280x1xf32>
    %max3A = arith.constant 1.000000e+00 : f32
    %max3A_14 = vector.broadcast %max3A : f32 to vector<1280x1xf32>
    %max3A_15 = arith.maximumf %dot_general3A_13, %max3A_14 : vector<1280x1xf32>
    %div3A = arith.constant 1.000000e+00 : f32
    %div3A_16 = vector.broadcast %div3A : f32 to vector<1280x1xf32>
    %div3A_17 = arith.divf %div3A_16, %max3A_15 : vector<1280x1xf32>
    %mul3A = vector.broadcast %div3A_17 : vector<1280x1xf32> to vector<1280x128xf32>
    %mul3A_18 = arith.mulf %add3A, %mul3A : vector<1280x128xf32>
    %max3A_19 = arith.constant 0.000000e+00 : f32
    %max3A_20 = vector.broadcast %max3A_19 : f32 to vector<1280x128xf32>
    %max3A_21 = arith.maximumf %mul3A_18, %max3A_20 : vector<1280x128xf32>
    %get3A_22 = arith.constant 0 : index
    %get3A_23 = arith.constant 0 : index
    %get3A_24 = memref.load %arg1[%get3A_22, %get3A_23] : memref<1x1xf32, #tpu.memory_space<smem>>
    %mul3A_25 = vector.broadcast %get3A_24 : f32 to vector<1280x128xf32>
    %mul3A_26 = arith.mulf %mul3A_25, %max3A_21 : vector<1280x128xf32>
    %sub3A = arith.constant 1.000000e+00 : f32
    %sub3A_27 = arith.subf %sub3A, %get3A_24 : f32
    %get3A_28 = arith.constant 0 : index
    %get3A_29 = arith.constant 0 : index
    %get3A_30 = vector.load %arg4[%get3A_28, %get3A_29] : memref<1280x128xf32, #tpu.memory_space<vmem>>, vector<1280x128xf32>
    %mul3A_31 = vector.broadcast %sub3A_27 : f32 to vector<1280x128xf32>
    %mul3A_32 = arith.mulf %mul3A_31, %get3A_30 : vector<1280x128xf32>
    %add3A_33 = arith.addf %mul3A_26, %mul3A_32 : vector<1280x128xf32>
    %get3A_34 = arith.constant 0 : index
    %get3A_35 = arith.constant 0 : index
    %get3A_36 = vector.load %arg5[%get3A_34, %get3A_35] : memref<1280x128xf32, #tpu.memory_space<vmem>>, vector<1280x128xf32>
    %concatenate3A = tpu.concatenate %add3A_33, %get3A_36 in 1 : vector<1280x128xf32>, vector<1280x128xf32> -> vector<1280x256xf32>
    %swap3A = arith.constant 0 : index
    %swap3A_37 = arith.constant 0 : index
    %swap3A_38 = vector.load %arg6[%swap3A, %swap3A_37] : memref<1280x256xf32, #tpu.memory_space<vmem>>, vector<1280x256xf32>
    tpu.vector_store %arg6[%swap3A, %swap3A_37], %concatenate3A {strides = array<i32>} : memref<1280x256xf32, #tpu.memory_space<vmem>>, vector<1280x256xf32>,
    return
  }
  func.func @transform_0(%arg0: i32) -> (i32, i32) {
    %c0_i32 = arith.constant 0 : i32
    %c0_i32_0 = arith.constant 0 : i32
    %c0_i32_1 = arith.constant 0 : i32
    return %c0_i32, %c0_i32_0 : i32, i32
  }
  func.func @transform_1(%arg0: i32) -> (i32, i32, i32) {
    %c0_i32 = arith.constant 0 : i32
    %c0_i32_0 = arith.constant 0 : i32
    %c0_i32_1 = arith.constant 0 : i32
    return %c0_i32, %arg0, %c0_i32_0 : i32, i32, i32
  }
  func.func @transform_2(%arg0: i32) -> (i32, i32) {
    %c0_i32 = arith.constant 0 : i32
    %c0_i32_0 = arith.constant 0 : i32
    return %c0_i32, %arg0 : i32, i32
  }
  func.func @transform_3(%arg0: i32) -> (i32, i32) {
    %c0_i32 = arith.constant 0 : i32
    %c0_i32_0 = arith.constant 0 : i32
    return %arg0, %c0_i32 : i32, i32
  }
  func.func @transform_4(%arg0: i32) -> (i32, i32) {
    %c0_i32 = arith.constant 0 : i32
    %c0_i32_0 = arith.constant 0 : i32
    return %arg0, %c0_i32 : i32, i32
  }
  func.func @transform_5(%arg0: i32) -> (i32, i32) {
    %c0_i32 = arith.constant 0 : i32
    %c0_i32_0 = arith.constant 0 : i32
    return %arg0, %c0_i32 : i32, i32
  }
}

</mosaic_0001>

<sc_bundles>
// kernel: kernel.11.cloned.1.call-start
scs
__scs_entry_jumppad:
0x0: {  	(pc) =	sbr.rel $0x88, $3  }
0x1: {  	(tag) =	ssettag $0x0;
	lr =	simm.s32 $0x1  }
0x2: {  	[smem:$0x3F9A] =	sst lr;
	_ =	strace $0xD0000000  }
0x3: {  	_ = 	snop  }
0x4: {  	_ = 	snop  }
0x5: {  	_ = 	snop  }
0x6: {  	_ = 	snop  }
0x7: {  	_ = 	snop  }
__scs_overlays_trampoline_lowered:
0x8: {  	[smem:$0x3FA9] =	sst s0  }
0x9: {  	[smem:$0x3FAA] =	sst s1  }
0xa: {  	[smem:$0x3FAB] =	sst s2  }
0xb: {  	[smem:$0x3FAC] =	sst s3  }
0xc: {  	[smem:$0x3FAD] =	sst s4  }
0xd: {  	[smem:$0x3FAE] =	sst s5  }
0xe: {  	[smem:$0x3FAF] =	sst s6  }
0xf: {  	[smem:$0x3FB0] =	sst s7  }
0x10: {  	[smem:$0x3FB1] =	sst s8  }
0x11: {  	[smem:$0x3FB2] =	sst s9;
	s0 =	simm.s32 @!p0 $0x0  }
0x12: {  	s1 =	sld [smem:$0x3F98];
	s0 =	simm.s32 @p0 $0x1  }
0x13: {  	[smem:$0x3FB3] =	sst s0;
	s0 =	simm.s32 @!p1 $0x0  }
0x14: {  	s2 =	sld [smem:$0x3F97];
	s0 =	simm.s32 @p1 $0x1  }
0x15: {  	[smem:$0x3FB4] =	sst s0;
	s0 =	simm.s32 @!p2 $0x0  }
0x16: {  	s3 =	sld [smem:$0x3FDB];
	s0 =	simm.s32 @p2 $0x1  }
0x17: {  	s4 =	simm.s32 $0x1BF5;
	[smem:$0x3FB6] =	sst s0  }
0x18: {  	s0 =	sld [smem:$0x3F99];
	_ =	swait.ge [sflag:s4], $0x0  }
0x19: {  	s7 =	sld [smem:$0x3F9A]  }
0x1a: {  	s8 =	sadd.s32 $0xFFFFE003, lr  }
0x1b: {  	s9 =	sadd.s32 $0xFFFFFEF7, lr;
	s5 =	simm.s32 $0xFFFFFFFF;
	p2 =	slt.u32 s8, $0xFFFFF086  }
0x1c: {  	p1 =	slt.u32 s9, $0xF7A;
	s5 =	simm.s32 @!p2 $0x0  }
0x1d: {  	s5 =	simm.s32 @p1 $0x1;
	p0 =	seq.s32 s7, s2  }
0x1e: {  	s7 =	smul.u32 @!p0 $0xF7A, s2;
	p2 =	seq.s32 @!p0 s5, $0x0  }
0x1f: {  	s9 =	smul.u32 $0xF7A, s1;
	s8 =	simm.s32 @!p0 $0x1BF5;
	p2 =	por !p2, p0  }
0x20: {  	[sflag:s8] =	ssyncset.s32 @!p0 $0xFFFFF086;
	s6 =	sadd.s32 @!p0 s3, s7;
	s7 =	simm.s32 @!p0 $0x108  }
0x21: {  	s3 =	sadd.s32 s3, s9;
	s6 =	sadd.s32 @!p0 $0x88, s6;
	s7 =	simm.s32 @p2 $0x1082  }
0x22: {  	[simem:s7], [sflag:s8] =	dma.local @!p0 [hbm:s6], $0xF7A  }
0x23: {  	s9 =	sor.u32 $0xD0000000, s2;
	s6 =	simm.s32 $0x108;
	_ =	swait.ge @!p0 [sflag:s8], $0x0  }
0x24: {  	s3 =	sadd.s32 $0x88, s3;
	s6 =	simm.s32 @!p1 $0x1082;
	[sflag:s4] =	ssyncset.s32 $0xFFFFF086  }
0x25: {  	[simem:s6], [sflag:s4] =	dma.local [hbm:s3], $0xF7A  }
0x26: {  	[smem:$0x3F9A] =	sst s1;
	(tag) =	ssettag s2;
	_ =	strace s9  }
0x27: {  	s1 =	sld [smem:$0x3FAA]  }
0x28: {  	s2 =	sld [smem:$0x3FAB]  }
0x29: {  	s4 =	sld [smem:$0x3FAD]  }
0x2a: {  	p0 =	seq.s32 s5, $0x0;
	s5 =	sld [smem:$0x3FAE]  }
0x2b: {  	s6 =	sld [smem:$0x3FAF]  }
0x2c: {  	s7 =	sld [smem:$0x3FB0]  }
0x2d: {  	s3 =	simm.s32 $0x108;
	s8 =	sld [smem:$0x3FB1]  }
0x2e: {  	s3 =	simm.s32 @!p0 $0x1082;
	s9 =	sld [smem:$0x3FB2]  }
0x2f: {  	lr =	sadd.s32 s0, s3;
	s0 =	sld [smem:$0x3FA9]  }
0x30: {  	s3 =	sld [smem:$0x3FAC]  }
0x31: {  	[smem:$0x3FB5] =	sst s10  }
0x32: {  	s10 =	sld [smem:$0x3FB3];
	_ =	sdelay $0x3  }
0x33: {  	p0 =	seq.s32 s10, $0x1;
	s10 =	sld [smem:$0x3FB5];
	_ =	sdelay $0x3  }
0x34: {  	[smem:$0x3FB5] =	sst s10  }
0x35: {  	s10 =	sld [smem:$0x3FB4];
	_ =	sdelay $0x3  }
0x36: {  	p1 =	seq.s32 s10, $0x1;
	s10 =	sld [smem:$0x3FB5];
	_ =	sdelay $0x3  }
0x37: {  	[smem:$0x3FB5] =	sst s10  }
0x38: {  	s10 =	sld [smem:$0x3FB6]  }
0x39: {  	_ = 	snop;
	(pc) =	sbr.ind lr, $3  }
0x3a: {  	_ = 	snop  }
0x3b: {  	_ = 	snop  }
0x3c: {  	p2 =	seq.s32 s10, $0x1;
	s10 =	sld [smem:$0x3FB5]  }
0x3d: {  	_ =	shalt  }
0x3e: {  	_ =	shalt  }
0x3f: {  	_ =	shalt  }
0x40: {  	_ =	shalt  }
0x41: {  	_ =	shalt  }
0x42: {  	_ =	shalt  }
0x43: {  	_ =	shalt  }
0x44: {  	_ =	shalt  }
0x45: {  	_ =	shalt  }
0x46: {  	_ =	shalt  }
0x47: {  	_ =	shalt  }
0x48: {  	_ =	shalt  }
0x49: {  	_ =	shalt  }
0x4a: {  	_ =	shalt  }
0x4b: {  	_ =	shalt  }
0x4c: {  	_ =	shalt  }
0x4d: {  	_ =	shalt  }
0x4e: {  	_ =	shalt  }
0x4f: {  	_ =	shalt  }
0x50: {  	_ =	shalt  }
0x51: {  	_ =	shalt  }
0x52: {  	_ =	shalt  }
0x53: {  	_ =	shalt  }
0x54: {  	_ =	shalt  }
0x55: {  	_ =	shalt  }
0x56: {  	_ =	shalt  }
0x57: {  	_ =	shalt  }
0x58: {  	_ =	shalt  }
0x59: {  	_ =	shalt  }
0x5a: {  	_ =	shalt  }
0x5b: {  	_ =	shalt  }
0x5c: {  	_ =	shalt  }
0x5d: {  	_ =	shalt  }
0x5e: {  	_ =	shalt  }
0x5f: {  	_ =	shalt  }
0x60: {  	_ =	shalt  }
0x61: {  	_ =	shalt  }
0x62: {  	_ =	shalt  }
0x63: {  	_ =	shalt  }
0x64: {  	_ =	shalt  }
0x65: {  	_ =	shalt  }
0x66: {  	_ =	shalt  }
0x67: {  	_ =	shalt  }
0x68: {  	_ =	shalt  }
0x69: {  	_ =	shalt  }
0x6a: {  	_ =	shalt  }
0x6b: {  	_ =	shalt  }
0x6c: {  	_ =	shalt  }
0x6d: {  	_ =	shalt  }
0x6e: {  	_ =	shalt  }
0x6f: {  	_ =	shalt  }
0x70: {  	_ =	shalt  }
0x71: {  	_ =	shalt  }
0x72: {  	_ =	shalt  }
0x73: {  	_ =	shalt  }
0x74: {  	_ =	shalt  }
0x75: {  	_ =	shalt  }
0x76: {  	_ =	shalt  }
0x77: {  	_ =	shalt  }
0x78: {  	_ =	shalt  }
0x79: {  	_ =	shalt  }
0x7a: {  	_ =	shalt  }
0x7b: {  	_ =	shalt  }
0x7c: {  	_ =	shalt  }
0x7d: {  	_ =	shalt  }
0x7e: {  	_ =	shalt  }
0x7f: {  	_ =	shalt  }
0x80: {  	_ =	shalt  }
0x81: {  	_ =	shalt  }
0x82: {  	_ =	shalt  }
0x83: {  	_ =	shalt  }
0x84: {  	_ =	shalt  }
0x85: {  	_ =	shalt  }
0x86: {  	_ =	shalt  }
0x87: {  	_ =	shalt  }
.Lfunc_end0:
.L_simem_size_0:
called_computation_lowered:
.L_overlay_start_0:
0x88: {  	s2 =	sld [smem:$0x3FD9]  }
0x89: {  	s3 =	sld [smem:$0x3FFE];
	_ =	sdelay $0x1  }
0x8a: {  	s1 =	srdreg.scid  }
0x8b: {  	s0 =	sand.u32 $0x1, s1  }
0x8c: {  	s17 =	sshll.u32 s0, $0xA;
	s2 =	sadd.s32 s3, s2  }
0x8d: {  	s2 =	sadd.s32 s2, s17  }
0x8e: {  	[smem:$0x3FC1] =	sst s2  }
0x8f: {  	_ = 	snop  }
0x90: {  	s2 =	sld [smem:$0x3FD0];
	(tm) =	ssettm $0x1  }
0x91: {  	s18 =	sld [smem:$0x3FFB];
	_ =	sdelay $0x3  }
0x92: {  	_ =	strace s18  }
0x93: {  	s3 =	sld [smem:$0x3FFC];
	_ =	sdelay $0x3  }
0x94: {  	_ =	strace s3  }
0x95: {  	s3 =	sld [smem:$0x3FFD];
	_ =	sdelay $0x3  }
0x96: {  	_ =	strace s3  }
0x97: {  	_ =	strace $0x8FFFFFFF  }
0x98: {  	s19 =	sld [smem:$0x3FDB];
	_ =	sdelay $0x1  }
0x99: {  	s4 =	simm.s32 $_scs_section_size  }
0x9a: {  	s5 =	simm.s32 $_size__tile_overlayer_lowered;
	s6 =	simm.s32 $_tile_overlayer_lowered  }
0x9b: {  	s22 =	simm.s32 $0x1BFF;
	s21 =	sshll.u32 s6, $0x1;
	s3 =	sadd.s32 s4, s19  }
0x9c: {  	s7 =	simm.s32 $0x0;
	s20 =	sshll.u32 s5, $0x1;
	s5 =	sadd.s32 s21, s3  }
0x9d: {  	[timem:s7], [sflag:s22] =	dma.local [hbm:s5], s20  }
0x9e: {  	_ =	swait.ge [sflag:s22], s20  }
0x9f: {  	s4 =	ssub.s32 $0x0, s20;
	[sflag:s22] =	ssyncset.done $0x0  }
0xa0: {  	[sflag:s22] =	ssyncadd.s32 s4;
	_ =	sdelay $0x1  }
0xa1: {  	s23 =	simm.s32 $0x1B8B  }
0xa2: {  	_ =	swait.ge [sflag:s23], $0x1  }
0xa3: {  	[sflag:s23] =	ssyncset.done $0x0  }
0xa4: {  	s25 =	simm.s32 $0x1B8E;
	s24 =	sld [smem:$0x3FFE];
	[sflag:s23] =	ssyncadd.s32 $0xFFFFFFFF  }
0xa5: {  	s26 =	simm.s32 $execute0_lowered;
	[smem:$0x3FD2] =	sst s25  }
0xa6: {  	s5 =	sshll.u32 s26, $0x1;
	_ =	strace $0x80000046;
	[dreg:$0x1] =	wrdreg $0xFFFFFFFF  }
0xa7: {  	s28 =	simm.s32 $_size_execute0_lowered;
	s3 =	sadd.s32 s3, s5;
	[dreg:$0x0] =	wrdreg $0x0  }
0xa8: {  	s5 =	sshll.u32 s28, $0x1;
	[dreg:$0x2] =	wrdreg s3  }
0xa9: {  	[dreg:$0x3] =	wrdreg s5  }
0xaa: {  	[dreg:$0x4] =	wrdreg $0xC0  }
0xab: {  	_ =	task [dreg:s7], $0x5FFFF  }
0xac: {  	[dreg:$0x1] =	wrdreg $0xFFFFFFFF  }
0xad: {  	[dreg:$0x0] =	wrdreg $0x60  }
0xae: {  	[dreg:$0x2] =	wrdreg s2  }
0xaf: {  	[dreg:$0x3] =	wrdreg s24  }
0xb0: {  	[dreg:$0x4] =	wrdreg $0xB8000  }
0xb1: {  	[dreg:$0x5] =	wrdreg $0x9  }
0xb2: {  	_ =	task.clear_ibuf [dreg:s7], $0x6FFFF;
	_ =	strace $0x90000046  }
0xb3: {  	s29 =	simm.s32 $0x9;
	_ =	strace $0x80000048  }
0xb4: {  	_ =	swait.ge [sflag:s29], $0x1  }
0xb5: {  	[sflag:s29] =	ssyncadd.s32 $0xFFFFFFFF  }
0xb6: {  	_ =	strace $0x90000048  }
0xb7: {  	_ =	sfence  }
0xb8: {  	s30 =	sld [smem:$0x0];
	_ =	sdelay $0x2  }
0xb9: {  	s31 =	sshll.u32 s1, $0xD;
	s1 =	sshrl.u32 s1, $0x2  }
0xba: {  	s3 =	sand.u32 $0x4000, s31;
	s1 =	sadd.s32 s1, s30  }
0xbb: {  	s0 =	sor.u32 s3, s0;
	s1 =	sshll.u32 s1, $0x11  }
0xbc: {  	s0 =	sor.u32 s1, s0  }
0xbd: {  	s0 =	sadd.s32 $0x8F2B, s0  }
0xbe: {  	[sflag:s0] =	ssyncadd.remote.s32 $0x1  }
0xbf: {  	_ =	sfence.sel $0xFFFF  }
0xc0: {  	[dreg:$0x0] =	wrdreg $0xFFFFFFFF;
	(pc) =	sbr.abs _section_cstart, $3  }
0xc1: {  	[dreg:$0x1] =	wrdreg $0xFFFFFFFF  }
0xc2: {  	_ =	task.clear_ibuf [dreg:s7], $0x2FFFF;
	_ =	strace $0x9FFFFFFF  }
0xc3: {  	(tm) =	ssettm $0x7FFFFFFF  }
tec
execute0_lowered:
.L_overlay_start_1:
0x0: {  	(tag) =	ssettag $0x1  }
0x1: {  	s2 =	rddreg [dreg:$0x0]  }
0x2: {  	s6 =	rddreg [dreg:$0x1];
	s0 =	srdreg.scid  }
0x3: {  	s3 =	rddreg [dreg:$0x2];
	s1 =	stileid.u32;
	s4 =	simm.s32 $0x0  }
0x4: {  	s16 =	simm.s32 $0x2;
	s17 =	simm.s32 $0x2800;
	s18 =	simm.s32 $0x80  }
0x5: {  	s19 =	simm.s32 $0x1;
	s20 =	simm.s32 $0x9000;
	s21 =	simm.s32 $0x400  }
0x6: {  	s5 =	sand.u32 $0x1, s0;
	s0 =	rddreg [dreg:$0x3];
	s9 =	smul.u32 $0x14000, s1  }
0x7: {  	s7 =	sshll.u32 s1, $0x1;
	[smem:$0x7FF] =	sst s4;
	s28 =	smul.u32 $0x50000, s1  }
0x8: {  	s11 =	sshrl.u32 s1, $0x2;
	s8 =	smul.u32 $0x140000, s5;
	s7 =	sor.u32 s5, s7  }
0x9: {  	_ =	strace $0x80000047;
	s26 =	smul.u32 $0x14000, s11;
	s29 =	ssub.s32 $0x2, s5  }
0xa: {  	s10 =	smul.u32 $0x500, s7;
	s7 =	sshll.u32 s7, $0x7;
	s30 =	sshrl.u32 s28, $0x2  }
0xb: {  	s31 =	sshrl.u32 s29, $0x1;
	s8 =	sadd.s32 s9, s8;
	s7 =	sand.u32 $0x380, s7  }
0xc: {  	s5 =	sadd.s32 s30, s3;
	s15 =	ssub.s32 s29, s31;
	s8 =	sshrl.u32 s8, $0x3  }
0xd: {  	s12 =	sadd.s32 s10, s6;
	s7 =	sor.u32 s26, s7;
	s9 =	sadd.s32 $0x10000, s5  }
0xe: {  	s13 =	sadd.s32 s8, s6;
	s7 =	sshrl.u32 s7, $0x3;
	s8 =	sadd.s32 $0xC000, s5  }
0xf: {  	s10 =	sadd.s32 $0xE000, s12;
	s11 =	sadd.s32 $0x4000, s12;
	s14 =	sadd.s32 s7, s6  }
0x10: {  	s6 =	sadd.s32 $0x4000, s5;
	s7 =	sadd.s32 $0x8000, s5;
	s12 =	sadd.s32 $0x22000, s13  }
0x11: {  	v0 =	vimm.f32 $0.0e+00;
	v1 =	vimm.f32 $1.000000000e+00;
	s13 =	sadd.s32 $0x18000, s14;
	s14 =	smax.u32 s15, $0x1;
	s15 =	simm.s32 $0x5000  }
.LBB2_1:
0x12: {  	s22 =	simm.s32 $0x0;
	s23 =	simm.s32 $0x200  }
.LBB2_2:
0x13: {  	p0 =	sne.s32 s23, $0xFE00;
	[tilespmem:s22+$0x5070] =	vst v0  }
0x14: {  	[tilespmem:s22+$0x5000] =	vst v0  }
0x15: {  	[tilespmem:s22+$0x5010] =	vst v0  }
.Ltmp0:
0x16: {  	[tilespmem:s22+$0x5020] =	vst v0;
	(pc) =	sbr.rel @p0 .LBB2_2-.Ltmp0, $4  }
0x17: {  	[tilespmem:s22+$0x5030] =	vst v0  }
0x18: {  	[tilespmem:s22+$0x5040] =	vst v0  }
0x19: {  	[tilespmem:s22+$0x5050] =	vst v0  }
0x1a: {  	[tilespmem:s22+$0x5060] =	vst v0;
	s22 =	sshra.s32 s23, $0x2;
	s23 =	sadd.s32 $0x200, s23  }
0x1b: {  	[tilespmem:s22+$0x5070] =	vst v0  }
0x1c: {  	[tilespmem:s22+$0x5000] =	vst v0  }
0x1d: {  	[tilespmem:s22+$0x5010] =	vst v0  }
0x1e: {  	[tilespmem:s22+$0x5020] =	vst v0  }
0x1f: {  	[tilespmem:s22+$0x5030] =	vst v0  }
0x20: {  	[tilespmem:s22+$0x5040] =	vst v0  }
0x21: {  	[tilespmem:s22+$0x5050] =	vst v0  }
0x22: {  	[tilespmem:s22+$0x5060] =	vst v0;
	s22 =	simm.s32 $0x40;
	s23 =	simm.s32 $0x0  }
.LBB2_4:
0x23: {  	p0 =	sne.s32 s22, $0x9FC0;
	[tilespmem:s23+$0x9000] =	vst v0;
	s23 =	smov.u32 s22;
	s22 =	sadd.s32 $0x40, s22  }
.Ltmp1:
0x24: {  	(pc) =	sbr.rel @p0 .LBB2_4-.Ltmp1, $2  }
0x25: {  	_ =	sdelay $0x2  }
0x26: {  	s23 =	sshra.s32 s23, $0x2  }
0x27: {  	[tilespmem:s23+$0x9000] =	vst v0  }
0x28: {  	[spmem:s5] =	stream.linear.scatter [tilespmem:s15], [sflag:$0x2], $0x4000, $0x38;
	[tilespmem:$0x1F800] =	vst v63  }
0x29: {  	_ =	swait.ge [sflag:s16], $0x4000  }
0x2a: {  	[sflag:s16] =	ssyncset.done $0x0  }
0x2b: {  	[sflag:s16] =	ssyncadd.s32 $0xFFFFC000  }
0x2c: {  	[spmem:s6] =	stream.linear.scatter [tilespmem:s15], [sflag:$0x2], $0x4000, $0x38;
	[tilespmem:$0x1F800] =	vst v63  }
0x2d: {  	_ =	swait.ge [sflag:s16], $0x4000  }
0x2e: {  	[sflag:s16] =	ssyncset.done $0x0  }
0x2f: {  	[sflag:s16] =	ssyncadd.s32 $0xFFFFC000  }
0x30: {  	[spmem:s7] =	stream.linear.scatter [tilespmem:s15], [sflag:$0x2], $0x4000, $0x38;
	[tilespmem:$0x1F800] =	vst v63  }
0x31: {  	_ =	swait.ge [sflag:s16], $0x4000  }
0x32: {  	[sflag:s16] =	ssyncset.done $0x0  }
0x33: {  	[sflag:s16] =	ssyncadd.s32 $0xFFFFC000  }
0x34: {  	[spmem:s8] =	stream.linear.scatter [tilespmem:s15], [sflag:$0x2], $0x4000, $0x38;
	[tilespmem:$0x1F800] =	vst v63  }
0x35: {  	_ =	swait.ge [sflag:s16], $0x4000  }
0x36: {  	[sflag:s16] =	ssyncset.done $0x0  }
0x37: {  	[sflag:s16] =	ssyncadd.s32 $0xFFFFC000  }
0x38: {  	[spmem:s9] =	stream.linear.scatter [tilespmem:s15], [sflag:$0x2], $0x4000, $0x38;
	[tilespmem:$0x1F800] =	vst v63  }
0x39: {  	_ =	swait.ge [sflag:s16], $0x4000  }
0x3a: {  	[sflag:s16] =	ssyncset.done $0x0  }
0x3b: {  	[sflag:s16] =	ssyncadd.s32 $0xFFFFC000  }
0x3c: {  	s22 =	simm.s32 $0x0;
	[bflag:$0x0] =	sbarrier.arrive $0xFFFF  }
0x3d: {  	[tilespmem:s22], [sflag:$0x2] =	stream.linear.gather [hbm4b:s10+s22], $0x2780, $0x38;
	[tilespmem:$0x1F800] =	vst v63  }
0x3e: {  	_ =	swait.ge [sflag:s16], $0x2780  }
0x3f: {  	[sflag:s16] =	ssyncset.done $0x0  }
0x40: {  	[sflag:s16] =	ssyncadd.s32 $0xFFFFD880  }
0x41: {  	[tilespmem:s17], [sflag:$0x2] =	stream.linear.gather [hbm4b:s11+s22], $0x2780, $0x38;
	[tilespmem:$0x1F800] =	vst v63  }
0x42: {  	_ =	swait.ge [sflag:s16], $0x2780  }
0x43: {  	[sflag:s16] =	ssyncset.done $0x0  }
0x44: {  	[sflag:s16] =	ssyncadd.s32 $0xFFFFD880  }
.LBB2_6:
0x45: {  	s23 =	sshra.s32 s22, $0x2  }
0x46: {  	[tilespmem:s15], [sflag:$0x1] =	stream.indirect.gather [hbm4b:s2+s18], $0x80, s23, s18, $0xb8;
	[tilespmem:$0x1F800] =	vst v63  }
0x47: {  	_ =	swait.ge [sflag:s19], $0x4000  }
0x48: {  	[sflag:s19] =	ssyncset.done $0x0  }
0x49: {  	s24 =	sadd.s32 $0x2800, s23;
	[sflag:s19] =	ssyncadd.s32 $0xFFFFC000  }
0x4a: {  	[spmem:s3] =	stream.indirect.scatter.add.f32 [tilespmem:s15], [sflag:$0x2], $0x80, s24, s18, $0xb8;
	[tilespmem:$0x1F800] =	vst v63  }
0x4b: {  	_ =	swait.ge [sflag:s16], $0x4000  }
0x4c: {  	[sflag:s16] =	ssyncset.done $0x0  }
0x4d: {  	[sflag:s16] =	ssyncadd.s32 $0xFFFFC000  }
0x4e: {  	v2 =	vld [tilespmem:s23+$0x2800];
	_ =	sdelay $0x7  }
0x4f: {  	[tilespmem:v2+s20+$0x0] =	vst.idx.add.f32.msk $0xffff, v1  }
0x50: {  	v2 =	vld [tilespmem:s23+$0x2810];
	_ =	sdelay $0x7  }
0x51: {  	[tilespmem:v2+s20+$0x0] =	vst.idx.add.f32.msk $0xffff, v1  }
0x52: {  	v2 =	vld [tilespmem:s23+$0x2820];
	_ =	sdelay $0x7  }
0x53: {  	[tilespmem:v2+s20+$0x0] =	vst.idx.add.f32.msk $0xffff, v1  }
0x54: {  	v2 =	vld [tilespmem:s23+$0x2830];
	_ =	sdelay $0x7  }
0x55: {  	[tilespmem:v2+s20+$0x0] =	vst.idx.add.f32.msk $0xffff, v1  }
0x56: {  	v2 =	vld [tilespmem:s23+$0x2840];
	_ =	sdelay $0x7  }
0x57: {  	[tilespmem:v2+s20+$0x0] =	vst.idx.add.f32.msk $0xffff, v1  }
0x58: {  	v2 =	vld [tilespmem:s23+$0x2850];
	_ =	sdelay $0x7  }
0x59: {  	[tilespmem:v2+s20+$0x0] =	vst.idx.add.f32.msk $0xffff, v1  }
0x5a: {  	v2 =	vld [tilespmem:s23+$0x2860];
	_ =	sdelay $0x7  }
0x5b: {  	[tilespmem:v2+s20+$0x0] =	vst.idx.add.f32.msk $0xffff, v1  }
0x5c: {  	v2 =	vld [tilespmem:s23+$0x2870];
	_ =	sdelay $0x2  }
0x5d: {  	p0 =	sne.s32 s22, $0x9C00  }
.Ltmp2:
0x5e: {  	_ = 	snop;
	(pc) =	sbr.rel @p0 .LBB2_6-.Ltmp2, $2  }
0x5f: {  	_ =	sdelay $0x2  }
0x60: {  	s22 =	sadd.s32 $0x200, s22;
	[tilespmem:v2+s20+$0x0] =	vst.idx.add.f32.msk $0xffff, v1  }
0x61: {  	s22 =	sshll.u32 s1, $0x6  }
0x62: {  	[bflag:$0x0] =	sbarrier.arrive $0xFFFF;
	s23 =	sshrl.u32 s5, $0x3;
	s22 =	sor.u32 $0x1C02, s22  }
0x63: {  	[hbm:s12], [sflag:s22] =	dma.local [spmem:s23], $0x2800  }
0x64: {  	s4 =	sadd.s32 $0x1, s4;
	_ =	swait.ge [sflag:s16], $0x2800  }
0x65: {  	p0 =	sne.s32 s4, s14;
	[sflag:s16] =	ssyncset.done $0x0  }
.Ltmp3:
0x66: {  	[sflag:s16] =	ssyncadd.s32 $0xFFFFD800;
	(pc) =	sbr.rel @p0 .LBB2_1-.Ltmp3, $4  }
0x67: {  	[hbm4b:s13+s18] =	stream.strided.scatter [tilespmem:s20], [sflag:$0x2], $0x2800, s21, s18, $0x38;
	[tilespmem:$0x1F800] =	vst v63  }
0x68: {  	_ =	swait.ge [sflag:s16], $0x2800  }
0x69: {  	[sflag:s16] =	ssyncset.done $0x0  }
0x6a: {  	[sflag:s16] =	ssyncadd.s32 $0xFFFFD800  }
0x6b: {  	_ =	sfence.sel $0x180000  }
0x6c: {  	[bflag:$0x0] =	sbarrier.arrive $0xFFFF  }
0x6d: {  	p0 =	sne.s32 s1, $0x0;
	_ =	strace $0x90000047  }
0x6e: {  	s0 =	sadd.s32 @!p0 $0x100000, s0;
	[bflag:$0x2] =	sbarrier.arrive $0xFFFF  }
0x6f: {  	[sflag:s0] =	ssyncadd.tile.s32 @!p0 $0x1;
	_ =	shalt  }
.Lfunc_end2:
_tile_overlayer_lowered:
.L_overlay_start_2:
0x70: {  	(tag) =	ssettag $0x2  }
0x71: {  	s0 =	rddreg [dreg:$0x0];
	s2 =	stileid.u32  }
0x72: {  	s1 =	rddreg [dreg:$0x1];
	p0 =	sne.s32 s2, $0x0  }
0x73: {  	s3 =	rddreg [dreg:$0x2];
	[bflag:$0x3] =	sbarrier.arrive $0xFFFF;
	s2 =	simm.s32 @!p0 $0x1C02  }
0x74: {  	[timem:s3], [sflag:s2] =	dma.local @!p0 [hbm:s0], s1  }
0x75: {  	s0 =	simm.s32 @!p0 $0x2  }
0x76: {  	_ =	swait.ge @!p0 [sflag:s0], s1  }
0x77: {  	s1 =	ssub.s32 @!p0 $0x0, s1;
	[sflag:s0] =	ssyncset.done @!p0 $0x0  }
0x78: {  	[sflag:s0] =	ssyncadd.s32 @!p0 s1  }
0x79: {  	[bflag:$0x3] =	sbarrier.arrive $0xFFFF  }
0x7a: {  	_ =	shalt  }

// kernel: kernel.14.cloned.1.call-start
scs
__scs_entry_jumppad:
0x0: {  	(pc) =	sbr.rel $0x88, $3  }
0x1: {  	(tag) =	ssettag $0x0;
	lr =	simm.s32 $0x1  }
0x2: {  	[smem:$0x3F9A] =	sst lr;
	_ =	strace $0xD0000000  }
0x3: {  	_ = 	snop  }
0x4: {  	_ = 	snop  }
0x5: {  	_ = 	snop  }
0x6: {  	_ = 	snop  }
0x7: {  	_ = 	snop  }
__scs_overlays_trampoline_lowered:
0x8: {  	[smem:$0x3FA9] =	sst s0  }
0x9: {  	[smem:$0x3FAA] =	sst s1  }
0xa: {  	[smem:$0x3FAB] =	sst s2  }
0xb: {  	[smem:$0x3FAC] =	sst s3  }
0xc: {  	[smem:$0x3FAD] =	sst s4  }
0xd: {  	[smem:$0x3FAE] =	sst s5  }
0xe: {  	[smem:$0x3FAF] =	sst s6  }
0xf: {  	[smem:$0x3FB0] =	sst s7  }
0x10: {  	[smem:$0x3FB1] =	sst s8  }
0x11: {  	[smem:$0x3FB2] =	sst s9;
	s0 =	simm.s32 @!p0 $0x0  }
0x12: {  	s1 =	sld [smem:$0x3F98];
	s0 =	simm.s32 @p0 $0x1  }
0x13: {  	[smem:$0x3FB3] =	sst s0;
	s0 =	simm.s32 @!p1 $0x0  }
0x14: {  	s2 =	sld [smem:$0x3F97];
	s0 =	simm.s32 @p1 $0x1  }
0x15: {  	[smem:$0x3FB4] =	sst s0;
	s0 =	simm.s32 @!p2 $0x0  }
0x16: {  	s3 =	sld [smem:$0x3FDB];
	s0 =	simm.s32 @p2 $0x1  }
0x17: {  	s4 =	simm.s32 $0x1BF5;
	[smem:$0x3FB6] =	sst s0  }
0x18: {  	s0 =	sld [smem:$0x3F99];
	_ =	swait.ge [sflag:s4], $0x0  }
0x19: {  	s7 =	sld [smem:$0x3F9A]  }
0x1a: {  	s8 =	sadd.s32 $0xFFFFE003, lr  }
0x1b: {  	s9 =	sadd.s32 $0xFFFFFEF7, lr;
	s5 =	simm.s32 $0xFFFFFFFF;
	p2 =	slt.u32 s8, $0xFFFFF086  }
0x1c: {  	p1 =	slt.u32 s9, $0xF7A;
	s5 =	simm.s32 @!p2 $0x0  }
0x1d: {  	s5 =	simm.s32 @p1 $0x1;
	p0 =	seq.s32 s7, s2  }
0x1e: {  	s7 =	smul.u32 @!p0 $0xF7A, s2;
	p2 =	seq.s32 @!p0 s5, $0x0  }
0x1f: {  	s9 =	smul.u32 $0xF7A, s1;
	s8 =	simm.s32 @!p0 $0x1BF5;
	p2 =	por !p2, p0  }
0x20: {  	[sflag:s8] =	ssyncset.s32 @!p0 $0xFFFFF086;
	s6 =	sadd.s32 @!p0 s3, s7;
	s7 =	simm.s32 @!p0 $0x108  }
0x21: {  	s3 =	sadd.s32 s3, s9;
	s6 =	sadd.s32 @!p0 $0x88, s6;
	s7 =	simm.s32 @p2 $0x1082  }
0x22: {  	[simem:s7], [sflag:s8] =	dma.local @!p0 [hbm:s6], $0xF7A  }
0x23: {  	s9 =	sor.u32 $0xD0000000, s2;
	s6 =	simm.s32 $0x108;
	_ =	swait.ge @!p0 [sflag:s8], $0x0  }
0x24: {  	s3 =	sadd.s32 $0x88, s3;
	s6 =	simm.s32 @!p1 $0x1082;
	[sflag:s4] =	ssyncset.s32 $0xFFFFF086  }
0x25: {  	[simem:s6], [sflag:s4] =	dma.local [hbm:s3], $0xF7A  }
0x26: {  	[smem:$0x3F9A] =	sst s1;
	(tag) =	ssettag s2;
	_ =	strace s9  }
0x27: {  	s1 =	sld [smem:$0x3FAA]  }
0x28: {  	s2 =	sld [smem:$0x3FAB]  }
0x29: {  	s4 =	sld [smem:$0x3FAD]  }
0x2a: {  	p0 =	seq.s32 s5, $0x0;
	s5 =	sld [smem:$0x3FAE]  }
0x2b: {  	s6 =	sld [smem:$0x3FAF]  }
0x2c: {  	s7 =	sld [smem:$0x3FB0]  }
0x2d: {  	s3 =	simm.s32 $0x108;
	s8 =	sld [smem:$0x3FB1]  }
0x2e: {  	s3 =	simm.s32 @!p0 $0x1082;
	s9 =	sld [smem:$0x3FB2]  }
0x2f: {  	lr =	sadd.s32 s0, s3;
	s0 =	sld [smem:$0x3FA9]  }
0x30: {  	s3 =	sld [smem:$0x3FAC]  }
0x31: {  	[smem:$0x3FB5] =	sst s10  }
0x32: {  	s10 =	sld [smem:$0x3FB3];
	_ =	sdelay $0x3  }
0x33: {  	p0 =	seq.s32 s10, $0x1;
	s10 =	sld [smem:$0x3FB5];
	_ =	sdelay $0x3  }
0x34: {  	[smem:$0x3FB5] =	sst s10  }
0x35: {  	s10 =	sld [smem:$0x3FB4];
	_ =	sdelay $0x3  }
0x36: {  	p1 =	seq.s32 s10, $0x1;
	s10 =	sld [smem:$0x3FB5];
	_ =	sdelay $0x3  }
0x37: {  	[smem:$0x3FB5] =	sst s10  }
0x38: {  	s10 =	sld [smem:$0x3FB6]  }
0x39: {  	_ = 	snop;
	(pc) =	sbr.ind lr, $3  }
0x3a: {  	_ = 	snop  }
0x3b: {  	_ = 	snop  }
0x3c: {  	p2 =	seq.s32 s10, $0x1;
	s10 =	sld [smem:$0x3FB5]  }
0x3d: {  	_ =	shalt  }
0x3e: {  	_ =	shalt  }
0x3f: {  	_ =	shalt  }
0x40: {  	_ =	shalt  }
0x41: {  	_ =	shalt  }
0x42: {  	_ =	shalt  }
0x43: {  	_ =	shalt  }
0x44: {  	_ =	shalt  }
0x45: {  	_ =	shalt  }
0x46: {  	_ =	shalt  }
0x47: {  	_ =	shalt  }
0x48: {  	_ =	shalt  }
0x49: {  	_ =	shalt  }
0x4a: {  	_ =	shalt  }
0x4b: {  	_ =	shalt  }
0x4c: {  	_ =	shalt  }
0x4d: {  	_ =	shalt  }
0x4e: {  	_ =	shalt  }
0x4f: {  	_ =	shalt  }
0x50: {  	_ =	shalt  }
0x51: {  	_ =	shalt  }
0x52: {  	_ =	shalt  }
0x53: {  	_ =	shalt  }
0x54: {  	_ =	shalt  }
0x55: {  	_ =	shalt  }
0x56: {  	_ =	shalt  }
0x57: {  	_ =	shalt  }
0x58: {  	_ =	shalt  }
0x59: {  	_ =	shalt  }
0x5a: {  	_ =	shalt  }
0x5b: {  	_ =	shalt  }
0x5c: {  	_ =	shalt  }
0x5d: {  	_ =	shalt  }
0x5e: {  	_ =	shalt  }
0x5f: {  	_ =	shalt  }
0x60: {  	_ =	shalt  }
0x61: {  	_ =	shalt  }
0x62: {  	_ =	shalt  }
0x63: {  	_ =	shalt  }
0x64: {  	_ =	shalt  }
0x65: {  	_ =	shalt  }
0x66: {  	_ =	shalt  }
0x67: {  	_ =	shalt  }
0x68: {  	_ =	shalt  }
0x69: {  	_ =	shalt  }
0x6a: {  	_ =	shalt  }
0x6b: {  	_ =	shalt  }
0x6c: {  	_ =	shalt  }
0x6d: {  	_ =	shalt  }
0x6e: {  	_ =	shalt  }
0x6f: {  	_ =	shalt  }
0x70: {  	_ =	shalt  }
0x71: {  	_ =	shalt  }
0x72: {  	_ =	shalt  }
0x73: {  	_ =	shalt  }
0x74: {  	_ =	shalt  }
0x75: {  	_ =	shalt  }
0x76: {  	_ =	shalt  }
0x77: {  	_ =	shalt  }
0x78: {  	_ =	shalt  }
0x79: {  	_ =	shalt  }
0x7a: {  	_ =	shalt  }
0x7b: {  	_ =	shalt  }
0x7c: {  	_ =	shalt  }
0x7d: {  	_ =	shalt  }
0x7e: {  	_ =	shalt  }
0x7f: {  	_ =	shalt  }
0x80: {  	_ =	shalt  }
0x81: {  	_ =	shalt  }
0x82: {  	_ =	shalt  }
0x83: {  	_ =	shalt  }
0x84: {  	_ =	shalt  }
0x85: {  	_ =	shalt  }
0x86: {  	_ =	shalt  }
0x87: {  	_ =	shalt  }
.Lfunc_end0:
.L_simem_size_0:
called_computation.1_lowered:
.L_overlay_start_0:
0x88: {  	s2 =	sld [smem:$0x3FD9]  }
0x89: {  	s3 =	sld [smem:$0x3FFE];
	_ =	sdelay $0x1  }
0x8a: {  	s1 =	srdreg.scid  }
0x8b: {  	s0 =	sand.u32 $0x1, s1  }
0x8c: {  	s17 =	sshll.u32 s0, $0xA;
	s2 =	sadd.s32 s3, s2  }
0x8d: {  	s2 =	sadd.s32 s2, s17  }
0x8e: {  	[smem:$0x3FC1] =	sst s2  }
0x8f: {  	_ = 	snop  }
0x90: {  	s2 =	sld [smem:$0x3FD0];
	(tm) =	ssettm $0x1  }
0x91: {  	s18 =	sld [smem:$0x3FFB];
	_ =	sdelay $0x3  }
0x92: {  	_ =	strace s18  }
0x93: {  	s3 =	sld [smem:$0x3FFC];
	_ =	sdelay $0x3  }
0x94: {  	_ =	strace s3  }
0x95: {  	s3 =	sld [smem:$0x3FFD];
	_ =	sdelay $0x3  }
0x96: {  	_ =	strace s3  }
0x97: {  	_ =	strace $0x8FFFFFFF  }
0x98: {  	s19 =	sld [smem:$0x3FDB];
	_ =	sdelay $0x1  }
0x99: {  	s4 =	simm.s32 $_scs_section_size  }
0x9a: {  	s5 =	simm.s32 $_size__tile_overlayer_lowered;
	s6 =	simm.s32 $_tile_overlayer_lowered  }
0x9b: {  	s22 =	simm.s32 $0x1BFF;
	s21 =	sshll.u32 s6, $0x1;
	s3 =	sadd.s32 s4, s19  }
0x9c: {  	s7 =	simm.s32 $0x0;
	s20 =	sshll.u32 s5, $0x1;
	s5 =	sadd.s32 s21, s3  }
0x9d: {  	[timem:s7], [sflag:s22] =	dma.local [hbm:s5], s20  }
0x9e: {  	_ =	swait.ge [sflag:s22], s20  }
0x9f: {  	s4 =	ssub.s32 $0x0, s20;
	[sflag:s22] =	ssyncset.done $0x0  }
0xa0: {  	[sflag:s22] =	ssyncadd.s32 s4;
	_ =	sdelay $0x1  }
0xa1: {  	s23 =	simm.s32 $0x1B8B  }
0xa2: {  	_ =	swait.ge [sflag:s23], $0x1  }
0xa3: {  	[sflag:s23] =	ssyncset.done $0x0  }
0xa4: {  	s25 =	simm.s32 $0x1B8E;
	s24 =	sld [smem:$0x3FFE];
	[sflag:s23] =	ssyncadd.s32 $0xFFFFFFFF  }
0xa5: {  	s26 =	simm.s32 $execute0_lowered;
	[smem:$0x3FD2] =	sst s25  }
0xa6: {  	s5 =	sshll.u32 s26, $0x1;
	_ =	strace $0x80000049;
	[dreg:$0x1] =	wrdreg $0xFFFFFFFF  }
0xa7: {  	s28 =	simm.s32 $_size_execute0_lowered;
	s3 =	sadd.s32 s3, s5;
	[dreg:$0x0] =	wrdreg $0x0  }
0xa8: {  	s5 =	sshll.u32 s28, $0x1;
	[dreg:$0x2] =	wrdreg s3  }
0xa9: {  	[dreg:$0x3] =	wrdreg s5  }
0xaa: {  	[dreg:$0x4] =	wrdreg $0xC0  }
0xab: {  	_ =	task [dreg:s7], $0x5FFFF  }
0xac: {  	[dreg:$0x1] =	wrdreg $0xFFFFFFFF  }
0xad: {  	[dreg:$0x0] =	wrdreg $0x60  }
0xae: {  	[dreg:$0x2] =	wrdreg s2  }
0xaf: {  	[dreg:$0x3] =	wrdreg s24  }
0xb0: {  	[dreg:$0x4] =	wrdreg $0xB8000  }
0xb1: {  	[dreg:$0x5] =	wrdreg $0x9  }
0xb2: {  	_ =	task.clear_ibuf [dreg:s7], $0x6FFFF;
	_ =	strace $0x90000049  }
0xb3: {  	s29 =	simm.s32 $0x9;
	_ =	strace $0x8000004B  }
0xb4: {  	_ =	swait.ge [sflag:s29], $0x1  }
0xb5: {  	[sflag:s29] =	ssyncadd.s32 $0xFFFFFFFF  }
0xb6: {  	_ =	strace $0x9000004B  }
0xb7: {  	_ =	sfence  }
0xb8: {  	s30 =	sld [smem:$0x0];
	_ =	sdelay $0x2  }
0xb9: {  	s31 =	sshll.u32 s1, $0xD;
	s1 =	sshrl.u32 s1, $0x2  }
0xba: {  	s3 =	sand.u32 $0x4000, s31;
	s1 =	sadd.s32 s1, s30  }
0xbb: {  	s0 =	sor.u32 s3, s0;
	s1 =	sshll.u32 s1, $0x11  }
0xbc: {  	s0 =	sor.u32 s1, s0  }
0xbd: {  	s0 =	sadd.s32 $0x8F2B, s0  }
0xbe: {  	[sflag:s0] =	ssyncadd.remote.s32 $0x1  }
0xbf: {  	_ =	sfence.sel $0xFFFF  }
0xc0: {  	[dreg:$0x0] =	wrdreg $0xFFFFFFFF;
	(pc) =	sbr.abs _section_cstart, $3  }
0xc1: {  	[dreg:$0x1] =	wrdreg $0xFFFFFFFF  }
0xc2: {  	_ =	task.clear_ibuf [dreg:s7], $0x2FFFF;
	_ =	strace $0x9FFFFFFF  }
0xc3: {  	(tm) =	ssettm $0x7FFFFFFF  }
tec
execute0_lowered:
.L_overlay_start_1:
0x0: {  	(tag) =	ssettag $0x1  }
0x1: {  	s2 =	rddreg [dreg:$0x0]  }
0x2: {  	s6 =	rddreg [dreg:$0x1];
	s0 =	srdreg.scid  }
0x3: {  	s3 =	rddreg [dreg:$0x2];
	s1 =	stileid.u32;
	s4 =	simm.s32 $0x0  }
0x4: {  	s16 =	simm.s32 $0x2;
	s17 =	simm.s32 $0x2800;
	s18 =	simm.s32 $0x80  }
0x5: {  	s19 =	simm.s32 $0x1;
	s20 =	simm.s32 $0x9000;
	s21 =	simm.s32 $0x400  }
0x6: {  	s5 =	sand.u32 $0x1, s0;
	s0 =	rddreg [dreg:$0x3];
	s9 =	smul.u32 $0x14000, s1  }
0x7: {  	s7 =	sshll.u32 s1, $0x1;
	[smem:$0x7FF] =	sst s4;
	s28 =	smul.u32 $0x50000, s1  }
0x8: {  	s11 =	sshrl.u32 s1, $0x2;
	s8 =	smul.u32 $0x140000, s5;
	s7 =	sor.u32 s5, s7  }
0x9: {  	_ =	strace $0x8000004A;
	s26 =	smul.u32 $0x14000, s11;
	s29 =	ssub.s32 $0x2, s5  }
0xa: {  	s10 =	smul.u32 $0x500, s7;
	s7 =	sshll.u32 s7, $0x7;
	s30 =	sshrl.u32 s28, $0x2  }
0xb: {  	s31 =	sshrl.u32 s29, $0x1;
	s8 =	sadd.s32 s9, s8;
	s7 =	sand.u32 $0x380, s7  }
0xc: {  	s5 =	sadd.s32 s30, s3;
	s15 =	ssub.s32 s29, s31;
	s8 =	sshrl.u32 s8, $0x3  }
0xd: {  	s12 =	sadd.s32 s10, s6;
	s7 =	sor.u32 s26, s7;
	s9 =	sadd.s32 $0x10000, s5  }
0xe: {  	s13 =	sadd.s32 s8, s6;
	s7 =	sshrl.u32 s7, $0x3;
	s8 =	sadd.s32 $0xC000, s5  }
0xf: {  	s10 =	sadd.s32 $0xE000, s12;
	s11 =	sadd.s32 $0x4000, s12;
	s14 =	sadd.s32 s7, s6  }
0x10: {  	s6 =	sadd.s32 $0x4000, s5;
	s7 =	sadd.s32 $0x8000, s5;
	s12 =	sadd.s32 $0x22000, s13  }
0x11: {  	v0 =	vimm.f32 $0.0e+00;
	v1 =	vimm.f32 $1.000000000e+00;
	s13 =	sadd.s32 $0x18000, s14;
	s14 =	smax.u32 s15, $0x1;
	s15 =	simm.s32 $0x5000  }
.LBB2_1:
0x12: {  	s22 =	simm.s32 $0x0;
	s23 =	simm.s32 $0x200  }
.LBB2_2:
0x13: {  	p0 =	sne.s32 s23, $0xFE00;
	[tilespmem:s22+$0x5070] =	vst v0  }
0x14: {  	[tilespmem:s22+$0x5000] =	vst v0  }
0x15: {  	[tilespmem:s22+$0x5010] =	vst v0  }
.Ltmp0:
0x16: {  	[tilespmem:s22+$0x5020] =	vst v0;
	(pc) =	sbr.rel @p0 .LBB2_2-.Ltmp0, $4  }
0x17: {  	[tilespmem:s22+$0x5030] =	vst v0  }
0x18: {  	[tilespmem:s22+$0x5040] =	vst v0  }
0x19: {  	[tilespmem:s22+$0x5050] =	vst v0  }
0x1a: {  	[tilespmem:s22+$0x5060] =	vst v0;
	s22 =	sshra.s32 s23, $0x2;
	s23 =	sadd.s32 $0x200, s23  }
0x1b: {  	[tilespmem:s22+$0x5070] =	vst v0  }
0x1c: {  	[tilespmem:s22+$0x5000] =	vst v0  }
0x1d: {  	[tilespmem:s22+$0x5010] =	vst v0  }
0x1e: {  	[tilespmem:s22+$0x5020] =	vst v0  }
0x1f: {  	[tilespmem:s22+$0x5030] =	vst v0  }
0x20: {  	[tilespmem:s22+$0x5040] =	vst v0  }
0x21: {  	[tilespmem:s22+$0x5050] =	vst v0  }
0x22: {  	[tilespmem:s22+$0x5060] =	vst v0;
	s22 =	simm.s32 $0x40;
	s23 =	simm.s32 $0x0  }
.LBB2_4:
0x23: {  	p0 =	sne.s32 s22, $0x9FC0;
	[tilespmem:s23+$0x9000] =	vst v0;
	s23 =	smov.u32 s22;
	s22 =	sadd.s32 $0x40, s22  }
.Ltmp1:
0x24: {  	(pc) =	sbr.rel @p0 .LBB2_4-.Ltmp1, $2  }
0x25: {  	_ =	sdelay $0x2  }
0x26: {  	s23 =	sshra.s32 s23, $0x2  }
0x27: {  	[tilespmem:s23+$0x9000] =	vst v0  }
0x28: {  	[spmem:s5] =	stream.linear.scatter [tilespmem:s15], [sflag:$0x2], $0x4000, $0x38;
	[tilespmem:$0x1F800] =	vst v63  }
0x29: {  	_ =	swait.ge [sflag:s16], $0x4000  }
0x2a: {  	[sflag:s16] =	ssyncset.done $0x0  }
0x2b: {  	[sflag:s16] =	ssyncadd.s32 $0xFFFFC000  }
0x2c: {  	[spmem:s6] =	stream.linear.scatter [tilespmem:s15], [sflag:$0x2], $0x4000, $0x38;
	[tilespmem:$0x1F800] =	vst v63  }
0x2d: {  	_ =	swait.ge [sflag:s16], $0x4000  }
0x2e: {  	[sflag:s16] =	ssyncset.done $0x0  }
0x2f: {  	[sflag:s16] =	ssyncadd.s32 $0xFFFFC000  }
0x30: {  	[spmem:s7] =	stream.linear.scatter [tilespmem:s15], [sflag:$0x2], $0x4000, $0x38;
	[tilespmem:$0x1F800] =	vst v63  }
0x31: {  	_ =	swait.ge [sflag:s16], $0x4000  }
0x32: {  	[sflag:s16] =	ssyncset.done $0x0  }
0x33: {  	[sflag:s16] =	ssyncadd.s32 $0xFFFFC000  }
0x34: {  	[spmem:s8] =	stream.linear.scatter [tilespmem:s15], [sflag:$0x2], $0x4000, $0x38;
	[tilespmem:$0x1F800] =	vst v63  }
0x35: {  	_ =	swait.ge [sflag:s16], $0x4000  }
0x36: {  	[sflag:s16] =	ssyncset.done $0x0  }
0x37: {  	[sflag:s16] =	ssyncadd.s32 $0xFFFFC000  }
0x38: {  	[spmem:s9] =	stream.linear.scatter [tilespmem:s15], [sflag:$0x2], $0x4000, $0x38;
	[tilespmem:$0x1F800] =	vst v63  }
0x39: {  	_ =	swait.ge [sflag:s16], $0x4000  }
0x3a: {  	[sflag:s16] =	ssyncset.done $0x0  }
0x3b: {  	[sflag:s16] =	ssyncadd.s32 $0xFFFFC000  }
0x3c: {  	s22 =	simm.s32 $0x0;
	[bflag:$0x0] =	sbarrier.arrive $0xFFFF  }
0x3d: {  	[tilespmem:s22], [sflag:$0x2] =	stream.linear.gather [hbm4b:s10+s22], $0x2780, $0x38;
	[tilespmem:$0x1F800] =	vst v63  }
0x3e: {  	_ =	swait.ge [sflag:s16], $0x2780  }
0x3f: {  	[sflag:s16] =	ssyncset.done $0x0  }
0x40: {  	[sflag:s16] =	ssyncadd.s32 $0xFFFFD880  }
0x41: {  	[tilespmem:s17], [sflag:$0x2] =	stream.linear.gather [hbm4b:s11+s22], $0x2780, $0x38;
	[tilespmem:$0x1F800] =	vst v63  }
0x42: {  	_ =	swait.ge [sflag:s16], $0x2780  }
0x43: {  	[sflag:s16] =	ssyncset.done $0x0  }
0x44: {  	[sflag:s16] =	ssyncadd.s32 $0xFFFFD880  }
.LBB2_6:
0x45: {  	s23 =	sshra.s32 s22, $0x2  }
0x46: {  	[tilespmem:s15], [sflag:$0x1] =	stream.indirect.gather [hbm4b:s2+s18], $0x80, s23, s18, $0xb8;
	[tilespmem:$0x1F800] =	vst v63  }
0x47: {  	_ =	swait.ge [sflag:s19], $0x4000  }
0x48: {  	[sflag:s19] =	ssyncset.done $0x0  }
0x49: {  	s24 =	sadd.s32 $0x2800, s23;
	[sflag:s19] =	ssyncadd.s32 $0xFFFFC000  }
0x4a: {  	[spmem:s3] =	stream.indirect.scatter.add.f32 [tilespmem:s15], [sflag:$0x2], $0x80, s24, s18, $0xb8;
	[tilespmem:$0x1F800] =	vst v63  }
0x4b: {  	_ =	swait.ge [sflag:s16], $0x4000  }
0x4c: {  	[sflag:s16] =	ssyncset.done $0x0  }
0x4d: {  	[sflag:s16] =	ssyncadd.s32 $0xFFFFC000  }
0x4e: {  	v2 =	vld [tilespmem:s23+$0x2800];
	_ =	sdelay $0x7  }
0x4f: {  	[tilespmem:v2+s20+$0x0] =	vst.idx.add.f32.msk $0xffff, v1  }
0x50: {  	v2 =	vld [tilespmem:s23+$0x2810];
	_ =	sdelay $0x7  }
0x51: {  	[tilespmem:v2+s20+$0x0] =	vst.idx.add.f32.msk $0xffff, v1  }
0x52: {  	v2 =	vld [tilespmem:s23+$0x2820];
	_ =	sdelay $0x7  }
0x53: {  	[tilespmem:v2+s20+$0x0] =	vst.idx.add.f32.msk $0xffff, v1  }
0x54: {  	v2 =	vld [tilespmem:s23+$0x2830];
	_ =	sdelay $0x7  }
0x55: {  	[tilespmem:v2+s20+$0x0] =	vst.idx.add.f32.msk $0xffff, v1  }
0x56: {  	v2 =	vld [tilespmem:s23+$0x2840];
	_ =	sdelay $0x7  }
0x57: {  	[tilespmem:v2+s20+$0x0] =	vst.idx.add.f32.msk $0xffff, v1  }
0x58: {  	v2 =	vld [tilespmem:s23+$0x2850];
	_ =	sdelay $0x7  }
0x59: {  	[tilespmem:v2+s20+$0x0] =	vst.idx.add.f32.msk $0xffff, v1  }
0x5a: {  	v2 =	vld [tilespmem:s23+$0x2860];
	_ =	sdelay $0x7  }
0x5b: {  	[tilespmem:v2+s20+$0x0] =	vst.idx.add.f32.msk $0xffff, v1  }
0x5c: {  	v2 =	vld [tilespmem:s23+$0x2870];
	_ =	sdelay $0x2  }
0x5d: {  	p0 =	sne.s32 s22, $0x9C00  }
.Ltmp2:
0x5e: {  	_ = 	snop;
	(pc) =	sbr.rel @p0 .LBB2_6-.Ltmp2, $2  }
0x5f: {  	_ =	sdelay $0x2  }
0x60: {  	s22 =	sadd.s32 $0x200, s22;
	[tilespmem:v2+s20+$0x0] =	vst.idx.add.f32.msk $0xffff, v1  }
0x61: {  	s22 =	sshll.u32 s1, $0x6  }
0x62: {  	[bflag:$0x0] =	sbarrier.arrive $0xFFFF;
	s23 =	sshrl.u32 s5, $0x3;
	s22 =	sor.u32 $0x1C02, s22  }
0x63: {  	[hbm:s12], [sflag:s22] =	dma.local [spmem:s23], $0x2800  }
0x64: {  	s4 =	sadd.s32 $0x1, s4;
	_ =	swait.ge [sflag:s16], $0x2800  }
0x65: {  	p0 =	sne.s32 s4, s14;
	[sflag:s16] =	ssyncset.done $0x0  }
.Ltmp3:
0x66: {  	[sflag:s16] =	ssyncadd.s32 $0xFFFFD800;
	(pc) =	sbr.rel @p0 .LBB2_1-.Ltmp3, $4  }
0x67: {  	[hbm4b:s13+s18] =	stream.strided.scatter [tilespmem:s20], [sflag:$0x2], $0x2800, s21, s18, $0x38;
	[tilespmem:$0x1F800] =	vst v63  }
0x68: {  	_ =	swait.ge [sflag:s16], $0x2800  }
0x69: {  	[sflag:s16] =	ssyncset.done $0x0  }
0x6a: {  	[sflag:s16] =	ssyncadd.s32 $0xFFFFD800  }
0x6b: {  	_ =	sfence.sel $0x180000  }
0x6c: {  	[bflag:$0x0] =	sbarrier.arrive $0xFFFF  }
0x6d: {  	p0 =	sne.s32 s1, $0x0;
	_ =	strace $0x9000004A  }
0x6e: {  	s0 =	sadd.s32 @!p0 $0x100000, s0;
	[bflag:$0x2] =	sbarrier.arrive $0xFFFF  }
0x6f: {  	[sflag:s0] =	ssyncadd.tile.s32 @!p0 $0x1;
	_ =	shalt  }
.Lfunc_end2:
_tile_overlayer_lowered:
.L_overlay_start_2:
0x70: {  	(tag) =	ssettag $0x2  }
0x71: {  	s0 =	rddreg [dreg:$0x0];
	s2 =	stileid.u32  }
0x72: {  	s1 =	rddreg [dreg:$0x1];
	p0 =	sne.s32 s2, $0x0  }
0x73: {  	s3 =	rddreg [dreg:$0x2];
	[bflag:$0x3] =	sbarrier.arrive $0xFFFF;
	s2 =	simm.s32 @!p0 $0x1C02  }
0x74: {  	[timem:s3], [sflag:s2] =	dma.local @!p0 [hbm:s0], s1  }
0x75: {  	s0 =	simm.s32 @!p0 $0x2  }
0x76: {  	_ =	swait.ge @!p0 [sflag:s0], s1  }
0x77: {  	s1 =	ssub.s32 @!p0 $0x0, s1;
	[sflag:s0] =	ssyncset.done @!p0 $0x0  }
0x78: {  	[sflag:s0] =	ssyncadd.s32 @!p0 s1  }
0x79: {  	[bflag:$0x3] =	sbarrier.arrive $0xFFFF  }
0x7a: {  	_ =	shalt  }

// kernel: kernel.17.cloned.1.call-start
scs
__scs_entry_jumppad:
0x0: {  	(pc) =	sbr.rel $0x88, $3  }
0x1: {  	(tag) =	ssettag $0x0;
	lr =	simm.s32 $0x1  }
0x2: {  	[smem:$0x3F9A] =	sst lr;
	_ =	strace $0xD0000000  }
0x3: {  	_ = 	snop  }
0x4: {  	_ = 	snop  }
0x5: {  	_ = 	snop  }
0x6: {  	_ = 	snop  }
0x7: {  	_ = 	snop  }
__scs_overlays_trampoline_lowered:
0x8: {  	[smem:$0x3FA9] =	sst s0  }
0x9: {  	[smem:$0x3FAA] =	sst s1  }
0xa: {  	[smem:$0x3FAB] =	sst s2  }
0xb: {  	[smem:$0x3FAC] =	sst s3  }
0xc: {  	[smem:$0x3FAD] =	sst s4  }
0xd: {  	[smem:$0x3FAE] =	sst s5  }
0xe: {  	[smem:$0x3FAF] =	sst s6  }
0xf: {  	[smem:$0x3FB0] =	sst s7  }
0x10: {  	[smem:$0x3FB1] =	sst s8  }
0x11: {  	[smem:$0x3FB2] =	sst s9;
	s0 =	simm.s32 @!p0 $0x0  }
0x12: {  	s1 =	sld [smem:$0x3F98];
	s0 =	simm.s32 @p0 $0x1  }
0x13: {  	[smem:$0x3FB3] =	sst s0;
	s0 =	simm.s32 @!p1 $0x0  }
0x14: {  	s2 =	sld [smem:$0x3F97];
	s0 =	simm.s32 @p1 $0x1  }
0x15: {  	[smem:$0x3FB4] =	sst s0;
	s0 =	simm.s32 @!p2 $0x0  }
0x16: {  	s3 =	sld [smem:$0x3FDB];
	s0 =	simm.s32 @p2 $0x1  }
0x17: {  	s4 =	simm.s32 $0x1BF5;
	[smem:$0x3FB6] =	sst s0  }
0x18: {  	s0 =	sld [smem:$0x3F99];
	_ =	swait.ge [sflag:s4], $0x0  }
0x19: {  	s7 =	sld [smem:$0x3F9A]  }
0x1a: {  	s8 =	sadd.s32 $0xFFFFE003, lr  }
0x1b: {  	s9 =	sadd.s32 $0xFFFFFEF7, lr;
	s5 =	simm.s32 $0xFFFFFFFF;
	p2 =	slt.u32 s8, $0xFFFFF086  }
0x1c: {  	p1 =	slt.u32 s9, $0xF7A;
	s5 =	simm.s32 @!p2 $0x0  }
0x1d: {  	s5 =	simm.s32 @p1 $0x1;
	p0 =	seq.s32 s7, s2  }
0x1e: {  	s7 =	smul.u32 @!p0 $0xF7A, s2;
	p2 =	seq.s32 @!p0 s5, $0x0  }
0x1f: {  	s9 =	smul.u32 $0xF7A, s1;
	s8 =	simm.s32 @!p0 $0x1BF5;
	p2 =	por !p2, p0  }
0x20: {  	[sflag:s8] =	ssyncset.s32 @!p0 $0xFFFFF086;
	s6 =	sadd.s32 @!p0 s3, s7;
	s7 =	simm.s32 @!p0 $0x108  }
0x21: {  	s3 =	sadd.s32 s3, s9;
	s6 =	sadd.s32 @!p0 $0x88, s6;
	s7 =	simm.s32 @p2 $0x1082  }
0x22: {  	[simem:s7], [sflag:s8] =	dma.local @!p0 [hbm:s6], $0xF7A  }
0x23: {  	s9 =	sor.u32 $0xD0000000, s2;
	s6 =	simm.s32 $0x108;
	_ =	swait.ge @!p0 [sflag:s8], $0x0  }
0x24: {  	s3 =	sadd.s32 $0x88, s3;
	s6 =	simm.s32 @!p1 $0x1082;
	[sflag:s4] =	ssyncset.s32 $0xFFFFF086  }
0x25: {  	[simem:s6], [sflag:s4] =	dma.local [hbm:s3], $0xF7A  }
0x26: {  	[smem:$0x3F9A] =	sst s1;
	(tag) =	ssettag s2;
	_ =	strace s9  }
0x27: {  	s1 =	sld [smem:$0x3FAA]  }
0x28: {  	s2 =	sld [smem:$0x3FAB]  }
0x29: {  	s4 =	sld [smem:$0x3FAD]  }
0x2a: {  	p0 =	seq.s32 s5, $0x0;
	s5 =	sld [smem:$0x3FAE]  }
0x2b: {  	s6 =	sld [smem:$0x3FAF]  }
0x2c: {  	s7 =	sld [smem:$0x3FB0]  }
0x2d: {  	s3 =	simm.s32 $0x108;
	s8 =	sld [smem:$0x3FB1]  }
0x2e: {  	s3 =	simm.s32 @!p0 $0x1082;
	s9 =	sld [smem:$0x3FB2]  }
0x2f: {  	lr =	sadd.s32 s0, s3;
	s0 =	sld [smem:$0x3FA9]  }
0x30: {  	s3 =	sld [smem:$0x3FAC]  }
0x31: {  	[smem:$0x3FB5] =	sst s10  }
0x32: {  	s10 =	sld [smem:$0x3FB3];
	_ =	sdelay $0x3  }
0x33: {  	p0 =	seq.s32 s10, $0x1;
	s10 =	sld [smem:$0x3FB5];
	_ =	sdelay $0x3  }
0x34: {  	[smem:$0x3FB5] =	sst s10  }
0x35: {  	s10 =	sld [smem:$0x3FB4];
	_ =	sdelay $0x3  }
0x36: {  	p1 =	seq.s32 s10, $0x1;
	s10 =	sld [smem:$0x3FB5];
	_ =	sdelay $0x3  }
0x37: {  	[smem:$0x3FB5] =	sst s10  }
0x38: {  	s10 =	sld [smem:$0x3FB6]  }
0x39: {  	_ = 	snop;
	(pc) =	sbr.ind lr, $3  }
0x3a: {  	_ = 	snop  }
0x3b: {  	_ = 	snop  }
0x3c: {  	p2 =	seq.s32 s10, $0x1;
	s10 =	sld [smem:$0x3FB5]  }
0x3d: {  	_ =	shalt  }
0x3e: {  	_ =	shalt  }
0x3f: {  	_ =	shalt  }
0x40: {  	_ =	shalt  }
0x41: {  	_ =	shalt  }
0x42: {  	_ =	shalt  }
0x43: {  	_ =	shalt  }
0x44: {  	_ =	shalt  }
0x45: {  	_ =	shalt  }
0x46: {  	_ =	shalt  }
0x47: {  	_ =	shalt  }
0x48: {  	_ =	shalt  }
0x49: {  	_ =	shalt  }
0x4a: {  	_ =	shalt  }
0x4b: {  	_ =	shalt  }
0x4c: {  	_ =	shalt  }
0x4d: {  	_ =	shalt  }
0x4e: {  	_ =	shalt  }
0x4f: {  	_ =	shalt  }
0x50: {  	_ =	shalt  }
0x51: {  	_ =	shalt  }
0x52: {  	_ =	shalt  }
0x53: {  	_ =	shalt  }
0x54: {  	_ =	shalt  }
0x55: {  	_ =	shalt  }
0x56: {  	_ =	shalt  }
0x57: {  	_ =	shalt  }
0x58: {  	_ =	shalt  }
0x59: {  	_ =	shalt  }
0x5a: {  	_ =	shalt  }
0x5b: {  	_ =	shalt  }
0x5c: {  	_ =	shalt  }
0x5d: {  	_ =	shalt  }
0x5e: {  	_ =	shalt  }
0x5f: {  	_ =	shalt  }
0x60: {  	_ =	shalt  }
0x61: {  	_ =	shalt  }
0x62: {  	_ =	shalt  }
0x63: {  	_ =	shalt  }
0x64: {  	_ =	shalt  }
0x65: {  	_ =	shalt  }
0x66: {  	_ =	shalt  }
0x67: {  	_ =	shalt  }
0x68: {  	_ =	shalt  }
0x69: {  	_ =	shalt  }
0x6a: {  	_ =	shalt  }
0x6b: {  	_ =	shalt  }
0x6c: {  	_ =	shalt  }
0x6d: {  	_ =	shalt  }
0x6e: {  	_ =	shalt  }
0x6f: {  	_ =	shalt  }
0x70: {  	_ =	shalt  }
0x71: {  	_ =	shalt  }
0x72: {  	_ =	shalt  }
0x73: {  	_ =	shalt  }
0x74: {  	_ =	shalt  }
0x75: {  	_ =	shalt  }
0x76: {  	_ =	shalt  }
0x77: {  	_ =	shalt  }
0x78: {  	_ =	shalt  }
0x79: {  	_ =	shalt  }
0x7a: {  	_ =	shalt  }
0x7b: {  	_ =	shalt  }
0x7c: {  	_ =	shalt  }
0x7d: {  	_ =	shalt  }
0x7e: {  	_ =	shalt  }
0x7f: {  	_ =	shalt  }
0x80: {  	_ =	shalt  }
0x81: {  	_ =	shalt  }
0x82: {  	_ =	shalt  }
0x83: {  	_ =	shalt  }
0x84: {  	_ =	shalt  }
0x85: {  	_ =	shalt  }
0x86: {  	_ =	shalt  }
0x87: {  	_ =	shalt  }
.Lfunc_end0:
.L_simem_size_0:
called_computation.2_lowered:
.L_overlay_start_0:
0x88: {  	s2 =	sld [smem:$0x3FD9]  }
0x89: {  	s3 =	sld [smem:$0x3FFE];
	_ =	sdelay $0x1  }
0x8a: {  	s1 =	srdreg.scid  }
0x8b: {  	s0 =	sand.u32 $0x1, s1  }
0x8c: {  	s17 =	sshll.u32 s0, $0xA;
	s2 =	sadd.s32 s3, s2  }
0x8d: {  	s2 =	sadd.s32 s2, s17  }
0x8e: {  	[smem:$0x3FC1] =	sst s2  }
0x8f: {  	_ = 	snop  }
0x90: {  	s2 =	sld [smem:$0x3FD0];
	(tm) =	ssettm $0x1  }
0x91: {  	s18 =	sld [smem:$0x3FFB];
	_ =	sdelay $0x3  }
0x92: {  	_ =	strace s18  }
0x93: {  	s3 =	sld [smem:$0x3FFC];
	_ =	sdelay $0x3  }
0x94: {  	_ =	strace s3  }
0x95: {  	s3 =	sld [smem:$0x3FFD];
	_ =	sdelay $0x3  }
0x96: {  	_ =	strace s3  }
0x97: {  	_ =	strace $0x8FFFFFFF  }
0x98: {  	s19 =	sld [smem:$0x3FDB];
	_ =	sdelay $0x1  }
0x99: {  	s4 =	simm.s32 $_scs_section_size  }
0x9a: {  	s5 =	simm.s32 $_size__tile_overlayer_lowered;
	s6 =	simm.s32 $_tile_overlayer_lowered  }
0x9b: {  	s22 =	simm.s32 $0x1BFF;
	s21 =	sshll.u32 s6, $0x1;
	s3 =	sadd.s32 s4, s19  }
0x9c: {  	s7 =	simm.s32 $0x0;
	s20 =	sshll.u32 s5, $0x1;
	s5 =	sadd.s32 s21, s3  }
0x9d: {  	[timem:s7], [sflag:s22] =	dma.local [hbm:s5], s20  }
0x9e: {  	_ =	swait.ge [sflag:s22], s20  }
0x9f: {  	s4 =	ssub.s32 $0x0, s20;
	[sflag:s22] =	ssyncset.done $0x0  }
0xa0: {  	[sflag:s22] =	ssyncadd.s32 s4;
	_ =	sdelay $0x1  }
0xa1: {  	s23 =	simm.s32 $0x1B8B  }
0xa2: {  	_ =	swait.ge [sflag:s23], $0x1  }
0xa3: {  	[sflag:s23] =	ssyncset.done $0x0  }
0xa4: {  	s25 =	simm.s32 $0x1B8E;
	s24 =	sld [smem:$0x3FFE];
	[sflag:s23] =	ssyncadd.s32 $0xFFFFFFFF  }
0xa5: {  	s26 =	simm.s32 $execute0_lowered;
	[smem:$0x3FD2] =	sst s25  }
0xa6: {  	s5 =	sshll.u32 s26, $0x1;
	_ =	strace $0x8000004C;
	[dreg:$0x1] =	wrdreg $0xFFFFFFFF  }
0xa7: {  	s28 =	simm.s32 $_size_execute0_lowered;
	s3 =	sadd.s32 s3, s5;
	[dreg:$0x0] =	wrdreg $0x0  }
0xa8: {  	s5 =	sshll.u32 s28, $0x1;
	[dreg:$0x2] =	wrdreg s3  }
0xa9: {  	[dreg:$0x3] =	wrdreg s5  }
0xaa: {  	[dreg:$0x4] =	wrdreg $0xC0  }
0xab: {  	_ =	task [dreg:s7], $0x5FFFF  }
0xac: {  	[dreg:$0x1] =	wrdreg $0xFFFFFFFF  }
0xad: {  	[dreg:$0x0] =	wrdreg $0x60  }
0xae: {  	[dreg:$0x2] =	wrdreg s2  }
0xaf: {  	[dreg:$0x3] =	wrdreg s24  }
0xb0: {  	[dreg:$0x4] =	wrdreg $0x90000  }
0xb1: {  	[dreg:$0x5] =	wrdreg $0x9  }
0xb2: {  	_ =	task.clear_ibuf [dreg:s7], $0x6FFFF;
	_ =	strace $0x9000004C  }
0xb3: {  	s29 =	simm.s32 $0x9;
	_ =	strace $0x8000004E  }
0xb4: {  	_ =	swait.ge [sflag:s29], $0x1  }
0xb5: {  	[sflag:s29] =	ssyncadd.s32 $0xFFFFFFFF  }
0xb6: {  	_ =	strace $0x9000004E  }
0xb7: {  	_ =	sfence  }
0xb8: {  	s30 =	sld [smem:$0x0];
	_ =	sdelay $0x2  }
0xb9: {  	s31 =	sshll.u32 s1, $0xD;
	s1 =	sshrl.u32 s1, $0x2  }
0xba: {  	s3 =	sand.u32 $0x4000, s31;
	s1 =	sadd.s32 s1, s30  }
0xbb: {  	s0 =	sor.u32 s3, s0;
	s1 =	sshll.u32 s1, $0x11  }
0xbc: {  	s0 =	sor.u32 s1, s0  }
0xbd: {  	s0 =	sadd.s32 $0x8F2B, s0  }
0xbe: {  	[sflag:s0] =	ssyncadd.remote.s32 $0x1  }
0xbf: {  	_ =	sfence.sel $0xFFFF  }
0xc0: {  	[dreg:$0x0] =	wrdreg $0xFFFFFFFF;
	(pc) =	sbr.abs _section_cstart, $3  }
0xc1: {  	[dreg:$0x1] =	wrdreg $0xFFFFFFFF  }
0xc2: {  	_ =	task.clear_ibuf [dreg:s7], $0x2FFFF;
	_ =	strace $0x9FFFFFFF  }
0xc3: {  	(tm) =	ssettm $0x7FFFFFFF  }
tec
execute0_lowered:
.L_overlay_start_1:
0x0: {  	(tag) =	ssettag $0x1  }
0x1: {  	s2 =	rddreg [dreg:$0x0]  }
0x2: {  	s6 =	rddreg [dreg:$0x1];
	s0 =	srdreg.scid  }
0x3: {  	s3 =	rddreg [dreg:$0x2];
	s1 =	stileid.u32;
	s4 =	simm.s32 $0x0  }
0x4: {  	s16 =	simm.s32 $0x2;
	s17 =	simm.s32 $0x1400;
	s18 =	simm.s32 $0x80  }
0x5: {  	s19 =	simm.s32 $0x1;
	s20 =	simm.s32 $0x6800;
	s21 =	simm.s32 $0x400  }
0x6: {  	s5 =	sand.u32 $0x1, s0;
	s0 =	rddreg [dreg:$0x3];
	s9 =	smul.u32 $0x14000, s1  }
0x7: {  	s7 =	sshll.u32 s1, $0x1;
	[smem:$0x7FF] =	sst s4;
	s28 =	smul.u32 $0x50000, s1  }
0x8: {  	s11 =	sshrl.u32 s1, $0x2;
	s8 =	smul.u32 $0x140000, s5;
	s7 =	sor.u32 s5, s7  }
0x9: {  	_ =	strace $0x8000004D;
	s26 =	smul.u32 $0x14000, s11;
	s29 =	ssub.s32 $0x2, s5  }
0xa: {  	s10 =	smul.u32 $0x280, s7;
	s7 =	sshll.u32 s7, $0x7;
	s30 =	sshrl.u32 s28, $0x2  }
0xb: {  	s31 =	sshrl.u32 s29, $0x1;
	s8 =	sadd.s32 s9, s8;
	s7 =	sand.u32 $0x380, s7  }
0xc: {  	s5 =	sadd.s32 s30, s3;
	s15 =	ssub.s32 s29, s31;
	s8 =	sshrl.u32 s8, $0x3  }
0xd: {  	s12 =	sadd.s32 s10, s6;
	s7 =	sor.u32 s26, s7;
	s9 =	sadd.s32 $0x10000, s5  }
0xe: {  	s13 =	sadd.s32 s8, s6;
	s7 =	sshrl.u32 s7, $0x3;
	s8 =	sadd.s32 $0xC000, s5  }
0xf: {  	s10 =	sadd.s32 $0x77000, s12;
	s11 =	sadd.s32 $0x72000, s12;
	s14 =	sadd.s32 s7, s6  }
0x10: {  	s6 =	sadd.s32 $0x4000, s5;
	s7 =	sadd.s32 $0x8000, s5;
	s12 =	sadd.s32 $0xE000, s13  }
0x11: {  	v0 =	vimm.f32 $0.0e+00;
	v1 =	vimm.f32 $1.000000000e+00;
	s13 =	sadd.s32 $0x4000, s14;
	s14 =	smax.u32 s15, $0x1;
	s15 =	simm.s32 $0x2800  }
.LBB2_1:
0x12: {  	s22 =	simm.s32 $0x0;
	s23 =	simm.s32 $0x200  }
.LBB2_2:
0x13: {  	p0 =	sne.s32 s23, $0xFE00;
	[tilespmem:s22+$0x2870] =	vst v0  }
0x14: {  	[tilespmem:s22+$0x2800] =	vst v0  }
0x15: {  	[tilespmem:s22+$0x2810] =	vst v0  }
.Ltmp0:
0x16: {  	[tilespmem:s22+$0x2820] =	vst v0;
	(pc) =	sbr.rel @p0 .LBB2_2-.Ltmp0, $4  }
0x17: {  	[tilespmem:s22+$0x2830] =	vst v0  }
0x18: {  	[tilespmem:s22+$0x2840] =	vst v0  }
0x19: {  	[tilespmem:s22+$0x2850] =	vst v0  }
0x1a: {  	[tilespmem:s22+$0x2860] =	vst v0;
	s22 =	sshra.s32 s23, $0x2;
	s23 =	sadd.s32 $0x200, s23  }
0x1b: {  	[tilespmem:s22+$0x2870] =	vst v0  }
0x1c: {  	[tilespmem:s22+$0x2800] =	vst v0  }
0x1d: {  	[tilespmem:s22+$0x2810] =	vst v0  }
0x1e: {  	[tilespmem:s22+$0x2820] =	vst v0  }
0x1f: {  	[tilespmem:s22+$0x2830] =	vst v0  }
0x20: {  	[tilespmem:s22+$0x2840] =	vst v0  }
0x21: {  	[tilespmem:s22+$0x2850] =	vst v0  }
0x22: {  	[tilespmem:s22+$0x2860] =	vst v0;
	s22 =	simm.s32 $0x40;
	s23 =	simm.s32 $0x0  }
.LBB2_4:
0x23: {  	p0 =	sne.s32 s22, $0x9FC0;
	[tilespmem:s23+$0x6800] =	vst v0;
	s23 =	smov.u32 s22;
	s22 =	sadd.s32 $0x40, s22  }
.Ltmp1:
0x24: {  	(pc) =	sbr.rel @p0 .LBB2_4-.Ltmp1, $2  }
0x25: {  	_ =	sdelay $0x2  }
0x26: {  	s23 =	sshra.s32 s23, $0x2  }
0x27: {  	[tilespmem:s23+$0x6800] =	vst v0  }
0x28: {  	[spmem:s5] =	stream.linear.scatter [tilespmem:s15], [sflag:$0x2], $0x4000, $0x38;
	[tilespmem:$0x1D000] =	vst v63  }
0x29: {  	_ =	swait.ge [sflag:s16], $0x4000  }
0x2a: {  	[sflag:s16] =	ssyncset.done $0x0  }
0x2b: {  	[sflag:s16] =	ssyncadd.s32 $0xFFFFC000  }
0x2c: {  	[spmem:s6] =	stream.linear.scatter [tilespmem:s15], [sflag:$0x2], $0x4000, $0x38;
	[tilespmem:$0x1D000] =	vst v63  }
0x2d: {  	_ =	swait.ge [sflag:s16], $0x4000  }
0x2e: {  	[sflag:s16] =	ssyncset.done $0x0  }
0x2f: {  	[sflag:s16] =	ssyncadd.s32 $0xFFFFC000  }
0x30: {  	[spmem:s7] =	stream.linear.scatter [tilespmem:s15], [sflag:$0x2], $0x4000, $0x38;
	[tilespmem:$0x1D000] =	vst v63  }
0x31: {  	_ =	swait.ge [sflag:s16], $0x4000  }
0x32: {  	[sflag:s16] =	ssyncset.done $0x0  }
0x33: {  	[sflag:s16] =	ssyncadd.s32 $0xFFFFC000  }
0x34: {  	[spmem:s8] =	stream.linear.scatter [tilespmem:s15], [sflag:$0x2], $0x4000, $0x38;
	[tilespmem:$0x1D000] =	vst v63  }
0x35: {  	_ =	swait.ge [sflag:s16], $0x4000  }
0x36: {  	[sflag:s16] =	ssyncset.done $0x0  }
0x37: {  	[sflag:s16] =	ssyncadd.s32 $0xFFFFC000  }
0x38: {  	[spmem:s9] =	stream.linear.scatter [tilespmem:s15], [sflag:$0x2], $0x4000, $0x38;
	[tilespmem:$0x1D000] =	vst v63  }
0x39: {  	_ =	swait.ge [sflag:s16], $0x4000  }
0x3a: {  	[sflag:s16] =	ssyncset.done $0x0  }
0x3b: {  	[sflag:s16] =	ssyncadd.s32 $0xFFFFC000  }
0x3c: {  	s22 =	simm.s32 $0x0;
	[bflag:$0x0] =	sbarrier.arrive $0xFFFF  }
0x3d: {  	[tilespmem:s22], [sflag:$0x2] =	stream.linear.gather [hbm4b:s10+s22], $0x1400, $0x38;
	[tilespmem:$0x1D000] =	vst v63  }
0x3e: {  	_ =	swait.ge [sflag:s16], $0x1400  }
0x3f: {  	[sflag:s16] =	ssyncset.done $0x0  }
0x40: {  	[sflag:s16] =	ssyncadd.s32 $0xFFFFEC00  }
0x41: {  	[tilespmem:s17], [sflag:$0x2] =	stream.linear.gather [hbm4b:s11+s22], $0x1400, $0x38;
	[tilespmem:$0x1D000] =	vst v63  }
0x42: {  	_ =	swait.ge [sflag:s16], $0x1400  }
0x43: {  	[sflag:s16] =	ssyncset.done $0x0  }
0x44: {  	[sflag:s16] =	ssyncadd.s32 $0xFFFFEC00  }
.LBB2_6:
0x45: {  	s23 =	sshra.s32 s22, $0x2  }
0x46: {  	[tilespmem:s15], [sflag:$0x1] =	stream.indirect.gather [hbm4b:s2+s18], $0x80, s23, s18, $0xb8;
	[tilespmem:$0x1D000] =	vst v63  }
0x47: {  	_ =	swait.ge [sflag:s19], $0x4000  }
0x48: {  	[sflag:s19] =	ssyncset.done $0x0  }
0x49: {  	s24 =	sadd.s32 $0x1400, s23;
	[sflag:s19] =	ssyncadd.s32 $0xFFFFC000  }
0x4a: {  	[spmem:s3] =	stream.indirect.scatter.add.f32 [tilespmem:s15], [sflag:$0x2], $0x80, s24, s18, $0xb8;
	[tilespmem:$0x1D000] =	vst v63  }
0x4b: {  	_ =	swait.ge [sflag:s16], $0x4000  }
0x4c: {  	[sflag:s16] =	ssyncset.done $0x0  }
0x4d: {  	[sflag:s16] =	ssyncadd.s32 $0xFFFFC000  }
0x4e: {  	v2 =	vld [tilespmem:s23+$0x1400];
	_ =	sdelay $0x7  }
0x4f: {  	[tilespmem:v2+s20+$0x0] =	vst.idx.add.f32.msk $0xffff, v1  }
0x50: {  	v2 =	vld [tilespmem:s23+$0x1410];
	_ =	sdelay $0x7  }
0x51: {  	[tilespmem:v2+s20+$0x0] =	vst.idx.add.f32.msk $0xffff, v1  }
0x52: {  	v2 =	vld [tilespmem:s23+$0x1420];
	_ =	sdelay $0x7  }
0x53: {  	[tilespmem:v2+s20+$0x0] =	vst.idx.add.f32.msk $0xffff, v1  }
0x54: {  	v2 =	vld [tilespmem:s23+$0x1430];
	_ =	sdelay $0x7  }
0x55: {  	[tilespmem:v2+s20+$0x0] =	vst.idx.add.f32.msk $0xffff, v1  }
0x56: {  	v2 =	vld [tilespmem:s23+$0x1440];
	_ =	sdelay $0x7  }
0x57: {  	[tilespmem:v2+s20+$0x0] =	vst.idx.add.f32.msk $0xffff, v1  }
0x58: {  	v2 =	vld [tilespmem:s23+$0x1450];
	_ =	sdelay $0x7  }
0x59: {  	[tilespmem:v2+s20+$0x0] =	vst.idx.add.f32.msk $0xffff, v1  }
0x5a: {  	v2 =	vld [tilespmem:s23+$0x1460];
	_ =	sdelay $0x7  }
0x5b: {  	[tilespmem:v2+s20+$0x0] =	vst.idx.add.f32.msk $0xffff, v1  }
0x5c: {  	v2 =	vld [tilespmem:s23+$0x1470];
	_ =	sdelay $0x2  }
0x5d: {  	p0 =	sne.s32 s22, $0x4E00  }
.Ltmp2:
0x5e: {  	_ = 	snop;
	(pc) =	sbr.rel @p0 .LBB2_6-.Ltmp2, $2  }
0x5f: {  	_ =	sdelay $0x2  }
0x60: {  	s22 =	sadd.s32 $0x200, s22;
	[tilespmem:v2+s20+$0x0] =	vst.idx.add.f32.msk $0xffff, v1  }
0x61: {  	s22 =	sshll.u32 s1, $0x6  }
0x62: {  	[bflag:$0x0] =	sbarrier.arrive $0xFFFF;
	s23 =	sshrl.u32 s5, $0x3;
	s22 =	sor.u32 $0x1C02, s22  }
0x63: {  	[hbm:s12], [sflag:s22] =	dma.local [spmem:s23], $0x2800  }
0x64: {  	s4 =	sadd.s32 $0x1, s4;
	_ =	swait.ge [sflag:s16], $0x2800  }
0x65: {  	p0 =	sne.s32 s4, s14;
	[sflag:s16] =	ssyncset.done $0x0  }
.Ltmp3:
0x66: {  	[sflag:s16] =	ssyncadd.s32 $0xFFFFD800;
	(pc) =	sbr.rel @p0 .LBB2_1-.Ltmp3, $4  }
0x67: {  	[hbm4b:s13+s18] =	stream.strided.scatter [tilespmem:s20], [sflag:$0x2], $0x2800, s21, s18, $0x38;
	[tilespmem:$0x1D000] =	vst v63  }
0x68: {  	_ =	swait.ge [sflag:s16], $0x2800  }
0x69: {  	[sflag:s16] =	ssyncset.done $0x0  }
0x6a: {  	[sflag:s16] =	ssyncadd.s32 $0xFFFFD800  }
0x6b: {  	_ =	sfence.sel $0x180000  }
0x6c: {  	[bflag:$0x0] =	sbarrier.arrive $0xFFFF  }
0x6d: {  	p0 =	sne.s32 s1, $0x0;
	_ =	strace $0x9000004D  }
0x6e: {  	s0 =	sadd.s32 @!p0 $0x100000, s0;
	[bflag:$0x2] =	sbarrier.arrive $0xFFFF  }
0x6f: {  	[sflag:s0] =	ssyncadd.tile.s32 @!p0 $0x1;
	_ =	shalt  }
.Lfunc_end2:
_tile_overlayer_lowered:
.L_overlay_start_2:
0x70: {  	(tag) =	ssettag $0x2  }
0x71: {  	s0 =	rddreg [dreg:$0x0];
	s2 =	stileid.u32  }
0x72: {  	s1 =	rddreg [dreg:$0x1];
	p0 =	sne.s32 s2, $0x0  }
0x73: {  	s3 =	rddreg [dreg:$0x2];
	[bflag:$0x3] =	sbarrier.arrive $0xFFFF;
	s2 =	simm.s32 @!p0 $0x1C02  }
0x74: {  	[timem:s3], [sflag:s2] =	dma.local @!p0 [hbm:s0], s1  }
0x75: {  	s0 =	simm.s32 @!p0 $0x2  }
0x76: {  	_ =	swait.ge @!p0 [sflag:s0], s1  }
0x77: {  	s1 =	ssub.s32 @!p0 $0x0, s1;
	[sflag:s0] =	ssyncset.done @!p0 $0x0  }
0x78: {  	[sflag:s0] =	ssyncadd.s32 @!p0 s1  }
0x79: {  	[bflag:$0x3] =	sbarrier.arrive $0xFFFF  }
0x7a: {  	_ =	shalt  }

// kernel: kernel.20.cloned.1.call-start
scs
__scs_entry_jumppad:
0x0: {  	(pc) =	sbr.rel $0x88, $3  }
0x1: {  	(tag) =	ssettag $0x0;
	lr =	simm.s32 $0x1  }
0x2: {  	[smem:$0x3F9A] =	sst lr;
	_ =	strace $0xD0000000  }
0x3: {  	_ = 	snop  }
0x4: {  	_ = 	snop  }
0x5: {  	_ = 	snop  }
0x6: {  	_ = 	snop  }
0x7: {  	_ = 	snop  }
__scs_overlays_trampoline_lowered:
0x8: {  	[smem:$0x3FA9] =	sst s0  }
0x9: {  	[smem:$0x3FAA] =	sst s1  }
0xa: {  	[smem:$0x3FAB] =	sst s2  }
0xb: {  	[smem:$0x3FAC] =	sst s3  }
0xc: {  	[smem:$0x3FAD] =	sst s4  }
0xd: {  	[smem:$0x3FAE] =	sst s5  }
0xe: {  	[smem:$0x3FAF] =	sst s6  }
0xf: {  	[smem:$0x3FB0] =	sst s7  }
0x10: {  	[smem:$0x3FB1] =	sst s8  }
0x11: {  	[smem:$0x3FB2] =	sst s9;
	s0 =	simm.s32 @!p0 $0x0  }
0x12: {  	s1 =	sld [smem:$0x3F98];
	s0 =	simm.s32 @p0 $0x1  }
0x13: {  	[smem:$0x3FB3] =	sst s0;
	s0 =	simm.s32 @!p1 $0x0  }
0x14: {  	s2 =	sld [smem:$0x3F97];
	s0 =	simm.s32 @p1 $0x1  }
0x15: {  	[smem:$0x3FB4] =	sst s0;
	s0 =	simm.s32 @!p2 $0x0  }
0x16: {  	s3 =	sld [smem:$0x3FDB];
	s0 =	simm.s32 @p2 $0x1  }
0x17: {  	s4 =	simm.s32 $0x1BF5;
	[smem:$0x3FB6] =	sst s0  }
0x18: {  	s0 =	sld [smem:$0x3F99];
	_ =	swait.ge [sflag:s4], $0x0  }
0x19: {  	s7 =	sld [smem:$0x3F9A]  }
0x1a: {  	s8 =	sadd.s32 $0xFFFFE003, lr  }
0x1b: {  	s9 =	sadd.s32 $0xFFFFFEF7, lr;
	s5 =	simm.s32 $0xFFFFFFFF;
	p2 =	slt.u32 s8, $0xFFFFF086  }
0x1c: {  	p1 =	slt.u32 s9, $0xF7A;
	s5 =	simm.s32 @!p2 $0x0  }
0x1d: {  	s5 =	simm.s32 @p1 $0x1;
	p0 =	seq.s32 s7, s2  }
0x1e: {  	s7 =	smul.u32 @!p0 $0xF7A, s2;
	p2 =	seq.s32 @!p0 s5, $0x0  }
0x1f: {  	s9 =	smul.u32 $0xF7A, s1;
	s8 =	simm.s32 @!p0 $0x1BF5;
	p2 =	por !p2, p0  }
0x20: {  	[sflag:s8] =	ssyncset.s32 @!p0 $0xFFFFF086;
	s6 =	sadd.s32 @!p0 s3, s7;
	s7 =	simm.s32 @!p0 $0x108  }
0x21: {  	s3 =	sadd.s32 s3, s9;
	s6 =	sadd.s32 @!p0 $0x88, s6;
	s7 =	simm.s32 @p2 $0x1082  }
0x22: {  	[simem:s7], [sflag:s8] =	dma.local @!p0 [hbm:s6], $0xF7A  }
0x23: {  	s9 =	sor.u32 $0xD0000000, s2;
	s6 =	simm.s32 $0x108;
	_ =	swait.ge @!p0 [sflag:s8], $0x0  }
0x24: {  	s3 =	sadd.s32 $0x88, s3;
	s6 =	simm.s32 @!p1 $0x1082;
	[sflag:s4] =	ssyncset.s32 $0xFFFFF086  }
0x25: {  	[simem:s6], [sflag:s4] =	dma.local [hbm:s3], $0xF7A  }
0x26: {  	[smem:$0x3F9A] =	sst s1;
	(tag) =	ssettag s2;
	_ =	strace s9  }
0x27: {  	s1 =	sld [smem:$0x3FAA]  }
0x28: {  	s2 =	sld [smem:$0x3FAB]  }
0x29: {  	s4 =	sld [smem:$0x3FAD]  }
0x2a: {  	p0 =	seq.s32 s5, $0x0;
	s5 =	sld [smem:$0x3FAE]  }
0x2b: {  	s6 =	sld [smem:$0x3FAF]  }
0x2c: {  	s7 =	sld [smem:$0x3FB0]  }
0x2d: {  	s3 =	simm.s32 $0x108;
	s8 =	sld [smem:$0x3FB1]  }
0x2e: {  	s3 =	simm.s32 @!p0 $0x1082;
	s9 =	sld [smem:$0x3FB2]  }
0x2f: {  	lr =	sadd.s32 s0, s3;
	s0 =	sld [smem:$0x3FA9]  }
0x30: {  	s3 =	sld [smem:$0x3FAC]  }
0x31: {  	[smem:$0x3FB5] =	sst s10  }
0x32: {  	s10 =	sld [smem:$0x3FB3];
	_ =	sdelay $0x3  }
0x33: {  	p0 =	seq.s32 s10, $0x1;
	s10 =	sld [smem:$0x3FB5];
	_ =	sdelay $0x3  }
0x34: {  	[smem:$0x3FB5] =	sst s10  }
0x35: {  	s10 =	sld [smem:$0x3FB4];
	_ =	sdelay $0x3  }
0x36: {  	p1 =	seq.s32 s10, $0x1;
	s10 =	sld [smem:$0x3FB5];
	_ =	sdelay $0x3  }
0x37: {  	[smem:$0x3FB5] =	sst s10  }
0x38: {  	s10 =	sld [smem:$0x3FB6]  }
0x39: {  	_ = 	snop;
	(pc) =	sbr.ind lr, $3  }
0x3a: {  	_ = 	snop  }
0x3b: {  	_ = 	snop  }
0x3c: {  	p2 =	seq.s32 s10, $0x1;
	s10 =	sld [smem:$0x3FB5]  }
0x3d: {  	_ =	shalt  }
0x3e: {  	_ =	shalt  }
0x3f: {  	_ =	shalt  }
0x40: {  	_ =	shalt  }
0x41: {  	_ =	shalt  }
0x42: {  	_ =	shalt  }
0x43: {  	_ =	shalt  }
0x44: {  	_ =	shalt  }
0x45: {  	_ =	shalt  }
0x46: {  	_ =	shalt  }
0x47: {  	_ =	shalt  }
0x48: {  	_ =	shalt  }
0x49: {  	_ =	shalt  }
0x4a: {  	_ =	shalt  }
0x4b: {  	_ =	shalt  }
0x4c: {  	_ =	shalt  }
0x4d: {  	_ =	shalt  }
0x4e: {  	_ =	shalt  }
0x4f: {  	_ =	shalt  }
0x50: {  	_ =	shalt  }
0x51: {  	_ =	shalt  }
0x52: {  	_ =	shalt  }
0x53: {  	_ =	shalt  }
0x54: {  	_ =	shalt  }
0x55: {  	_ =	shalt  }
0x56: {  	_ =	shalt  }
0x57: {  	_ =	shalt  }
0x58: {  	_ =	shalt  }
0x59: {  	_ =	shalt  }
0x5a: {  	_ =	shalt  }
0x5b: {  	_ =	shalt  }
0x5c: {  	_ =	shalt  }
0x5d: {  	_ =	shalt  }
0x5e: {  	_ =	shalt  }
0x5f: {  	_ =	shalt  }
0x60: {  	_ =	shalt  }
0x61: {  	_ =	shalt  }
0x62: {  	_ =	shalt  }
0x63: {  	_ =	shalt  }
0x64: {  	_ =	shalt  }
0x65: {  	_ =	shalt  }
0x66: {  	_ =	shalt  }
0x67: {  	_ =	shalt  }
0x68: {  	_ =	shalt  }
0x69: {  	_ =	shalt  }
0x6a: {  	_ =	shalt  }
0x6b: {  	_ =	shalt  }
0x6c: {  	_ =	shalt  }
0x6d: {  	_ =	shalt  }
0x6e: {  	_ =	shalt  }
0x6f: {  	_ =	shalt  }
0x70: {  	_ =	shalt  }
0x71: {  	_ =	shalt  }
0x72: {  	_ =	shalt  }
0x73: {  	_ =	shalt  }
0x74: {  	_ =	shalt  }
0x75: {  	_ =	shalt  }
0x76: {  	_ =	shalt  }
0x77: {  	_ =	shalt  }
0x78: {  	_ =	shalt  }
0x79: {  	_ =	shalt  }
0x7a: {  	_ =	shalt  }
0x7b: {  	_ =	shalt  }
0x7c: {  	_ =	shalt  }
0x7d: {  	_ =	shalt  }
0x7e: {  	_ =	shalt  }
0x7f: {  	_ =	shalt  }
0x80: {  	_ =	shalt  }
0x81: {  	_ =	shalt  }
0x82: {  	_ =	shalt  }
0x83: {  	_ =	shalt  }
0x84: {  	_ =	shalt  }
0x85: {  	_ =	shalt  }
0x86: {  	_ =	shalt  }
0x87: {  	_ =	shalt  }
.Lfunc_end0:
.L_simem_size_0:
called_computation.3_lowered:
.L_overlay_start_0:
0x88: {  	s2 =	sld [smem:$0x3FD9]  }
0x89: {  	s3 =	sld [smem:$0x3FFE];
	_ =	sdelay $0x1  }
0x8a: {  	s1 =	srdreg.scid  }
0x8b: {  	s0 =	sand.u32 $0x1, s1  }
0x8c: {  	s17 =	sshll.u32 s0, $0xA;
	s2 =	sadd.s32 s3, s2  }
0x8d: {  	s2 =	sadd.s32 s2, s17  }
0x8e: {  	[smem:$0x3FC1] =	sst s2  }
0x8f: {  	_ = 	snop  }
0x90: {  	s2 =	sld [smem:$0x3FD0];
	(tm) =	ssettm $0x1  }
0x91: {  	s18 =	sld [smem:$0x3FFB];
	_ =	sdelay $0x3  }
0x92: {  	_ =	strace s18  }
0x93: {  	s3 =	sld [smem:$0x3FFC];
	_ =	sdelay $0x3  }
0x94: {  	_ =	strace s3  }
0x95: {  	s3 =	sld [smem:$0x3FFD];
	_ =	sdelay $0x3  }
0x96: {  	_ =	strace s3  }
0x97: {  	_ =	strace $0x8FFFFFFF  }
0x98: {  	s19 =	sld [smem:$0x3FDB];
	_ =	sdelay $0x1  }
0x99: {  	s4 =	simm.s32 $_scs_section_size  }
0x9a: {  	s5 =	simm.s32 $_size__tile_overlayer_lowered;
	s6 =	simm.s32 $_tile_overlayer_lowered  }
0x9b: {  	s22 =	simm.s32 $0x1BFF;
	s21 =	sshll.u32 s6, $0x1;
	s3 =	sadd.s32 s4, s19  }
0x9c: {  	s7 =	simm.s32 $0x0;
	s20 =	sshll.u32 s5, $0x1;
	s5 =	sadd.s32 s21, s3  }
0x9d: {  	[timem:s7], [sflag:s22] =	dma.local [hbm:s5], s20  }
0x9e: {  	_ =	swait.ge [sflag:s22], s20  }
0x9f: {  	s4 =	ssub.s32 $0x0, s20;
	[sflag:s22] =	ssyncset.done $0x0  }
0xa0: {  	[sflag:s22] =	ssyncadd.s32 s4;
	_ =	sdelay $0x1  }
0xa1: {  	s23 =	simm.s32 $0x1B8B  }
0xa2: {  	_ =	swait.ge [sflag:s23], $0x1  }
0xa3: {  	[sflag:s23] =	ssyncset.done $0x0  }
0xa4: {  	s25 =	simm.s32 $0x1B8E;
	s24 =	sld [smem:$0x3FFE];
	[sflag:s23] =	ssyncadd.s32 $0xFFFFFFFF  }
0xa5: {  	s26 =	simm.s32 $execute0_lowered;
	[smem:$0x3FD2] =	sst s25  }
0xa6: {  	s5 =	sshll.u32 s26, $0x1;
	_ =	strace $0x8000004F;
	[dreg:$0x1] =	wrdreg $0xFFFFFFFF  }
0xa7: {  	s28 =	simm.s32 $_size_execute0_lowered;
	s3 =	sadd.s32 s3, s5;
	[dreg:$0x0] =	wrdreg $0x0  }
0xa8: {  	s5 =	sshll.u32 s28, $0x1;
	[dreg:$0x2] =	wrdreg s3  }
0xa9: {  	[dreg:$0x3] =	wrdreg s5  }
0xaa: {  	[dreg:$0x4] =	wrdreg $0xC0  }
0xab: {  	_ =	task [dreg:s7], $0x5FFFF  }
0xac: {  	[dreg:$0x1] =	wrdreg $0xFFFFFFFF  }
0xad: {  	[dreg:$0x0] =	wrdreg $0x60  }
0xae: {  	[dreg:$0x2] =	wrdreg s2  }
0xaf: {  	[dreg:$0x3] =	wrdreg s24  }
0xb0: {  	[dreg:$0x4] =	wrdreg $0x80000  }
0xb1: {  	[dreg:$0x5] =	wrdreg $0x9  }
0xb2: {  	_ =	task.clear_ibuf [dreg:s7], $0x6FFFF;
	_ =	strace $0x9000004F  }
0xb3: {  	s29 =	simm.s32 $0x9;
	_ =	strace $0x80000051  }
0xb4: {  	_ =	swait.ge [sflag:s29], $0x1  }
0xb5: {  	[sflag:s29] =	ssyncadd.s32 $0xFFFFFFFF  }
0xb6: {  	_ =	strace $0x90000051  }
0xb7: {  	_ =	sfence  }
0xb8: {  	s30 =	sld [smem:$0x0];
	_ =	sdelay $0x2  }
0xb9: {  	s31 =	sshll.u32 s1, $0xD;
	s1 =	sshrl.u32 s1, $0x2  }
0xba: {  	s3 =	sand.u32 $0x4000, s31;
	s1 =	sadd.s32 s1, s30  }
0xbb: {  	s0 =	sor.u32 s3, s0;
	s1 =	sshll.u32 s1, $0x11  }
0xbc: {  	s0 =	sor.u32 s1, s0  }
0xbd: {  	s0 =	sadd.s32 $0x8F2B, s0  }
0xbe: {  	[sflag:s0] =	ssyncadd.remote.s32 $0x1  }
0xbf: {  	_ =	sfence.sel $0xFFFF  }
0xc0: {  	[dreg:$0x0] =	wrdreg $0xFFFFFFFF;
	(pc) =	sbr.abs _section_cstart, $3  }
0xc1: {  	[dreg:$0x1] =	wrdreg $0xFFFFFFFF  }
0xc2: {  	_ =	task.clear_ibuf [dreg:s7], $0x2FFFF;
	_ =	strace $0x9FFFFFFF  }
0xc3: {  	(tm) =	ssettm $0x7FFFFFFF  }
tec
execute0_lowered:
.L_overlay_start_1:
0x0: {  	(tag) =	ssettag $0x1  }
0x1: {  	s2 =	rddreg [dreg:$0x0]  }
0x2: {  	s6 =	rddreg [dreg:$0x1];
	s0 =	srdreg.scid  }
0x3: {  	s3 =	rddreg [dreg:$0x2];
	s1 =	stileid.u32;
	s4 =	simm.s32 $0x0  }
0x4: {  	s16 =	simm.s32 $0x2;
	s17 =	simm.s32 $0xC00;
	s18 =	simm.s32 $0x80  }
0x5: {  	s19 =	simm.s32 $0x1;
	s20 =	simm.s32 $0x5800;
	s21 =	simm.s32 $0x400  }
0x6: {  	s5 =	sand.u32 $0x1, s0;
	s0 =	rddreg [dreg:$0x3];
	s9 =	smul.u32 $0x14000, s1  }
0x7: {  	s7 =	sshll.u32 s1, $0x1;
	[smem:$0x7FF] =	sst s4;
	s28 =	smul.u32 $0x50000, s1  }
0x8: {  	s11 =	sshrl.u32 s1, $0x2;
	s8 =	smul.u32 $0x140000, s5;
	s7 =	sor.u32 s5, s7  }
0x9: {  	_ =	strace $0x80000050;
	s26 =	smul.u32 $0x14000, s11;
	s29 =	ssub.s32 $0x2, s5  }
0xa: {  	s10 =	smul.u32 $0x180, s7;
	s7 =	sshll.u32 s7, $0x7;
	s30 =	sshrl.u32 s28, $0x2  }
0xb: {  	s31 =	sshrl.u32 s29, $0x1;
	s8 =	sadd.s32 s9, s8;
	s7 =	sand.u32 $0x380, s7  }
0xc: {  	s5 =	sadd.s32 s30, s3;
	s15 =	ssub.s32 s29, s31;
	s8 =	sshrl.u32 s8, $0x3  }
0xd: {  	s12 =	sadd.s32 s10, s6;
	s7 =	sor.u32 s26, s7;
	s9 =	sadd.s32 $0x10000, s5  }
0xe: {  	s13 =	sadd.s32 s8, s6;
	s7 =	sshrl.u32 s7, $0x3;
	s8 =	sadd.s32 $0xC000, s5  }
0xf: {  	s10 =	sadd.s32 $0x61000, s12;
	s11 =	sadd.s32 $0x5E000, s12;
	s14 =	sadd.s32 s7, s6  }
0x10: {  	s6 =	sadd.s32 $0x4000, s5;
	s7 =	sadd.s32 $0x8000, s5;
	s12 =	sadd.s32 $0xE000, s13  }
0x11: {  	v0 =	vimm.f32 $0.0e+00;
	v1 =	vimm.f32 $1.000000000e+00;
	s13 =	sadd.s32 $0x4000, s14;
	s14 =	smax.u32 s15, $0x1;
	s15 =	simm.s32 $0x1800  }
.LBB2_1:
0x12: {  	s22 =	simm.s32 $0x0;
	s23 =	simm.s32 $0x200  }
.LBB2_2:
0x13: {  	p0 =	sne.s32 s23, $0xFE00;
	[tilespmem:s22+$0x1870] =	vst v0  }
0x14: {  	[tilespmem:s22+$0x1800] =	vst v0  }
0x15: {  	[tilespmem:s22+$0x1810] =	vst v0  }
.Ltmp0:
0x16: {  	[tilespmem:s22+$0x1820] =	vst v0;
	(pc) =	sbr.rel @p0 .LBB2_2-.Ltmp0, $4  }
0x17: {  	[tilespmem:s22+$0x1830] =	vst v0  }
0x18: {  	[tilespmem:s22+$0x1840] =	vst v0  }
0x19: {  	[tilespmem:s22+$0x1850] =	vst v0  }
0x1a: {  	[tilespmem:s22+$0x1860] =	vst v0;
	s22 =	sshra.s32 s23, $0x2;
	s23 =	sadd.s32 $0x200, s23  }
0x1b: {  	[tilespmem:s22+$0x1870] =	vst v0  }
0x1c: {  	[tilespmem:s22+$0x1800] =	vst v0  }
0x1d: {  	[tilespmem:s22+$0x1810] =	vst v0  }
0x1e: {  	[tilespmem:s22+$0x1820] =	vst v0  }
0x1f: {  	[tilespmem:s22+$0x1830] =	vst v0  }
0x20: {  	[tilespmem:s22+$0x1840] =	vst v0  }
0x21: {  	[tilespmem:s22+$0x1850] =	vst v0  }
0x22: {  	[tilespmem:s22+$0x1860] =	vst v0;
	s22 =	simm.s32 $0x40;
	s23 =	simm.s32 $0x0  }
.LBB2_4:
0x23: {  	p0 =	sne.s32 s22, $0x9FC0;
	[tilespmem:s23+$0x5800] =	vst v0;
	s23 =	smov.u32 s22;
	s22 =	sadd.s32 $0x40, s22  }
.Ltmp1:
0x24: {  	(pc) =	sbr.rel @p0 .LBB2_4-.Ltmp1, $2  }
0x25: {  	_ =	sdelay $0x2  }
0x26: {  	s23 =	sshra.s32 s23, $0x2  }
0x27: {  	[tilespmem:s23+$0x5800] =	vst v0  }
0x28: {  	[spmem:s5] =	stream.linear.scatter [tilespmem:s15], [sflag:$0x2], $0x4000, $0x38;
	[tilespmem:$0x1C000] =	vst v63  }
0x29: {  	_ =	swait.ge [sflag:s16], $0x4000  }
0x2a: {  	[sflag:s16] =	ssyncset.done $0x0  }
0x2b: {  	[sflag:s16] =	ssyncadd.s32 $0xFFFFC000  }
0x2c: {  	[spmem:s6] =	stream.linear.scatter [tilespmem:s15], [sflag:$0x2], $0x4000, $0x38;
	[tilespmem:$0x1C000] =	vst v63  }
0x2d: {  	_ =	swait.ge [sflag:s16], $0x4000  }
0x2e: {  	[sflag:s16] =	ssyncset.done $0x0  }
0x2f: {  	[sflag:s16] =	ssyncadd.s32 $0xFFFFC000  }
0x30: {  	[spmem:s7] =	stream.linear.scatter [tilespmem:s15], [sflag:$0x2], $0x4000, $0x38;
	[tilespmem:$0x1C000] =	vst v63  }
0x31: {  	_ =	swait.ge [sflag:s16], $0x4000  }
0x32: {  	[sflag:s16] =	ssyncset.done $0x0  }
0x33: {  	[sflag:s16] =	ssyncadd.s32 $0xFFFFC000  }
0x34: {  	[spmem:s8] =	stream.linear.scatter [tilespmem:s15], [sflag:$0x2], $0x4000, $0x38;
	[tilespmem:$0x1C000] =	vst v63  }
0x35: {  	_ =	swait.ge [sflag:s16], $0x4000  }
0x36: {  	[sflag:s16] =	ssyncset.done $0x0  }
0x37: {  	[sflag:s16] =	ssyncadd.s32 $0xFFFFC000  }
0x38: {  	[spmem:s9] =	stream.linear.scatter [tilespmem:s15], [sflag:$0x2], $0x4000, $0x38;
	[tilespmem:$0x1C000] =	vst v63  }
0x39: {  	_ =	swait.ge [sflag:s16], $0x4000  }
0x3a: {  	[sflag:s16] =	ssyncset.done $0x0  }
0x3b: {  	[sflag:s16] =	ssyncadd.s32 $0xFFFFC000  }
0x3c: {  	s22 =	simm.s32 $0x0;
	[bflag:$0x0] =	sbarrier.arrive $0xFFFF  }
0x3d: {  	[tilespmem:s22], [sflag:$0x2] =	stream.linear.gather [hbm4b:s10+s22], $0xA00, $0x38;
	[tilespmem:$0x1C000] =	vst v63  }
0x3e: {  	_ =	swait.ge [sflag:s16], $0xA00  }
0x3f: {  	[sflag:s16] =	ssyncset.done $0x0  }
0x40: {  	[sflag:s16] =	ssyncadd.s32 $0xFFFFF600  }
0x41: {  	[tilespmem:s17], [sflag:$0x2] =	stream.linear.gather [hbm4b:s11+s22], $0xA00, $0x38;
	[tilespmem:$0x1C000] =	vst v63  }
0x42: {  	_ =	swait.ge [sflag:s16], $0xA00  }
0x43: {  	[sflag:s16] =	ssyncset.done $0x0  }
0x44: {  	[sflag:s16] =	ssyncadd.s32 $0xFFFFF600  }
.LBB2_6:
0x45: {  	s23 =	sshra.s32 s22, $0x2  }
0x46: {  	[tilespmem:s15], [sflag:$0x1] =	stream.indirect.gather [hbm4b:s2+s18], $0x80, s23, s18, $0xb8;
	[tilespmem:$0x1C000] =	vst v63  }
0x47: {  	_ =	swait.ge [sflag:s19], $0x4000  }
0x48: {  	[sflag:s19] =	ssyncset.done $0x0  }
0x49: {  	s24 =	sadd.s32 $0xC00, s23;
	[sflag:s19] =	ssyncadd.s32 $0xFFFFC000  }
0x4a: {  	[spmem:s3] =	stream.indirect.scatter.add.f32 [tilespmem:s15], [sflag:$0x2], $0x80, s24, s18, $0xb8;
	[tilespmem:$0x1C000] =	vst v63  }
0x4b: {  	_ =	swait.ge [sflag:s16], $0x4000  }
0x4c: {  	[sflag:s16] =	ssyncset.done $0x0  }
0x4d: {  	[sflag:s16] =	ssyncadd.s32 $0xFFFFC000  }
0x4e: {  	v2 =	vld [tilespmem:s23+$0xC00];
	_ =	sdelay $0x7  }
0x4f: {  	[tilespmem:v2+s20+$0x0] =	vst.idx.add.f32.msk $0xffff, v1  }
0x50: {  	v2 =	vld [tilespmem:s23+$0xC10];
	_ =	sdelay $0x7  }
0x51: {  	[tilespmem:v2+s20+$0x0] =	vst.idx.add.f32.msk $0xffff, v1  }
0x52: {  	v2 =	vld [tilespmem:s23+$0xC20];
	_ =	sdelay $0x7  }
0x53: {  	[tilespmem:v2+s20+$0x0] =	vst.idx.add.f32.msk $0xffff, v1  }
0x54: {  	v2 =	vld [tilespmem:s23+$0xC30];
	_ =	sdelay $0x7  }
0x55: {  	[tilespmem:v2+s20+$0x0] =	vst.idx.add.f32.msk $0xffff, v1  }
0x56: {  	v2 =	vld [tilespmem:s23+$0xC40];
	_ =	sdelay $0x7  }
0x57: {  	[tilespmem:v2+s20+$0x0] =	vst.idx.add.f32.msk $0xffff, v1  }
0x58: {  	v2 =	vld [tilespmem:s23+$0xC50];
	_ =	sdelay $0x7  }
0x59: {  	[tilespmem:v2+s20+$0x0] =	vst.idx.add.f32.msk $0xffff, v1  }
0x5a: {  	v2 =	vld [tilespmem:s23+$0xC60];
	_ =	sdelay $0x7  }
0x5b: {  	[tilespmem:v2+s20+$0x0] =	vst.idx.add.f32.msk $0xffff, v1  }
0x5c: {  	v2 =	vld [tilespmem:s23+$0xC70];
	_ =	sdelay $0x2  }
0x5d: {  	p0 =	sne.s32 s22, $0x2600  }
.Ltmp2:
0x5e: {  	_ = 	snop;
	(pc) =	sbr.rel @p0 .LBB2_6-.Ltmp2, $2  }
0x5f: {  	_ =	sdelay $0x2  }
0x60: {  	s22 =	sadd.s32 $0x200, s22;
	[tilespmem:v2+s20+$0x0] =	vst.idx.add.f32.msk $0xffff, v1  }
0x61: {  	s22 =	sshll.u32 s1, $0x6  }
0x62: {  	[bflag:$0x0] =	sbarrier.arrive $0xFFFF;
	s23 =	sshrl.u32 s5, $0x3;
	s22 =	sor.u32 $0x1C02, s22  }
0x63: {  	[hbm:s12], [sflag:s22] =	dma.local [spmem:s23], $0x2800  }
0x64: {  	s4 =	sadd.s32 $0x1, s4;
	_ =	swait.ge [sflag:s16], $0x2800  }
0x65: {  	p0 =	sne.s32 s4, s14;
	[sflag:s16] =	ssyncset.done $0x0  }
.Ltmp3:
0x66: {  	[sflag:s16] =	ssyncadd.s32 $0xFFFFD800;
	(pc) =	sbr.rel @p0 .LBB2_1-.Ltmp3, $4  }
0x67: {  	[hbm4b:s13+s18] =	stream.strided.scatter [tilespmem:s20], [sflag:$0x2], $0x2800, s21, s18, $0x38;
	[tilespmem:$0x1C000] =	vst v63  }
0x68: {  	_ =	swait.ge [sflag:s16], $0x2800  }
0x69: {  	[sflag:s16] =	ssyncset.done $0x0  }
0x6a: {  	[sflag:s16] =	ssyncadd.s32 $0xFFFFD800  }
0x6b: {  	_ =	sfence.sel $0x180000  }
0x6c: {  	[bflag:$0x0] =	sbarrier.arrive $0xFFFF  }
0x6d: {  	p0 =	sne.s32 s1, $0x0;
	_ =	strace $0x90000050  }
0x6e: {  	s0 =	sadd.s32 @!p0 $0x100000, s0;
	[bflag:$0x2] =	sbarrier.arrive $0xFFFF  }
0x6f: {  	[sflag:s0] =	ssyncadd.tile.s32 @!p0 $0x1;
	_ =	shalt  }
.Lfunc_end2:
_tile_overlayer_lowered:
.L_overlay_start_2:
0x70: {  	(tag) =	ssettag $0x2  }
0x71: {  	s0 =	rddreg [dreg:$0x0];
	s2 =	stileid.u32  }
0x72: {  	s1 =	rddreg [dreg:$0x1];
	p0 =	sne.s32 s2, $0x0  }
0x73: {  	s3 =	rddreg [dreg:$0x2];
	[bflag:$0x3] =	sbarrier.arrive $0xFFFF;
	s2 =	simm.s32 @!p0 $0x1C02  }
0x74: {  	[timem:s3], [sflag:s2] =	dma.local @!p0 [hbm:s0], s1  }
0x75: {  	s0 =	simm.s32 @!p0 $0x2  }
0x76: {  	_ =	swait.ge @!p0 [sflag:s0], s1  }
0x77: {  	s1 =	ssub.s32 @!p0 $0x0, s1;
	[sflag:s0] =	ssyncset.done @!p0 $0x0  }
0x78: {  	[sflag:s0] =	ssyncadd.s32 @!p0 s1  }
0x79: {  	[bflag:$0x3] =	sbarrier.arrive $0xFFFF  }
0x7a: {  	_ =	shalt  }

</sc_bundles>
